<compile_context>
chip_gen: v7x
topology: tpu7x:2x2x1
jax: 0.10.2.dev20260603
libtpu: 0.0.44.dev20260713+nightly
codegen_flags: <defaults>
</compile_context>

<pallas_src>
import functools

import jax
import jax.numpy as jnp
from jax import lax
from jax.experimental import pallas as pl
from jax.experimental.pallas import tpu as pltpu
from jax.experimental.pallas import tpu_sc as plsc

N = 10000
E = 320000
D = 128
EPS = 1e-5
NC, NS = 2, 16
NW = NC * NS
CH = 128
NCHUNK = 79
EPAD = NW * NCHUNK * CH - E
ROWS_PER_TILE = 640
ACC_ROWS = NS * ROWS_PER_TILE

_MESH = plsc.VectorSubcoreMesh(
    core_axis_name="c", subcore_axis_name="s", num_cores=NC, num_subcores=NS)



def _fill_rows(buf, nrows, val):
    def fill(i, _):
        for k in range(D // 16):
            buf[i, pl.ds(k * 16, 16)] = jnp.full((16,), val, jnp.float32)
        return 0
    lax.fori_loop(0, nrows, fill, 0)


def _deg_body(dst_hbm, out_hbm, dstv, onesv, acc, sem):
    c = lax.axis_index("c")
    s = lax.axis_index("s")
    w = s * NC + c
    _fill_rows(onesv, CH, 0.0)
    for k in range(ROWS_PER_TILE // CH):
        pltpu.sync_copy(onesv, acc.at[pl.ds(s * ROWS_PER_TILE + k * CH, CH)])
    _fill_rows(onesv, CH, 1.0)
    pltpu.async_copy(dst_hbm.at[w], dstv, sem).wait()
    plsc.subcore_barrier()

    def step(j, _):
        pltpu.sync_copy(onesv, acc.at[dstv.at[j]], add=True)
        return 0
    lax.fori_loop(0, NCHUNK, step, 0)
    plsc.subcore_barrier()
    pltpu.sync_copy(acc.at[pl.ds(s * ROWS_PER_TILE, ROWS_PER_TILE)],
                    out_hbm.at[c, pl.ds(s * ROWS_PER_TILE, ROWS_PER_TILE)])


_deg_call = pl.kernel(
    _deg_body,
    out_type=jax.ShapeDtypeStruct((NC, ACC_ROWS, D), jnp.float32),
    mesh=_MESH,
    scratch_types=[
        pltpu.VMEM((NCHUNK, CH), jnp.int32),
        pltpu.VMEM((CH, D), jnp.float32),
        pltpu.VMEM_SHARED((ACC_ROWS, D), jnp.float32),
        pltpu.SemaphoreType.DMA,
    ],
)


def _conv_body(hs_hbm, src_hbm, dst_hbm, out_hbm, srcv, dstv, rows, acc, sem):
    c = lax.axis_index("c")
    s = lax.axis_index("s")
    w = s * NC + c

    _fill_rows(rows, CH, 0.0)
    for k in range(ROWS_PER_TILE // CH):
        pltpu.sync_copy(rows, acc.at[pl.ds(s * ROWS_PER_TILE + k * CH, CH)])
    pltpu.async_copy(src_hbm.at[w], srcv, sem).wait()
    pltpu.async_copy(dst_hbm.at[w], dstv, sem).wait()
    plsc.subcore_barrier()

    def step(j, _):
        pltpu.async_copy(hs_hbm.at[srcv.at[j]], rows, sem).wait()
        pltpu.sync_copy(rows, acc.at[dstv.at[j]], add=True)
        return 0
    lax.fori_loop(0, NCHUNK, step, 0)
    plsc.subcore_barrier()
    pltpu.sync_copy(acc.at[pl.ds(s * ROWS_PER_TILE, ROWS_PER_TILE)],
                    out_hbm.at[c, pl.ds(s * ROWS_PER_TILE, ROWS_PER_TILE)])


_conv_call = pl.kernel(
    _conv_body,
    out_type=jax.ShapeDtypeStruct((NC, ACC_ROWS, D), jnp.float32),
    mesh=_MESH,
    scratch_types=[
        pltpu.VMEM((NCHUNK, CH), jnp.int32),
        pltpu.VMEM((NCHUNK, CH), jnp.int32),
        pltpu.VMEM((CH, D), jnp.float32),
        pltpu.VMEM_SHARED((ACC_ROWS, D), jnp.float32),
        pltpu.SemaphoreType.DMA,
    ],
)



BLK = 2000
GRID = N // BLK


def _dot(a, b):
    return jnp.dot(a, b, preferred_element_type=jnp.float32,
                   precision=lax.Precision.HIGHEST)


def _t0_body(x, degp, r4, wa1, ba1, wa2, ba2, wc1, wfm, bfm, wfa, bfa,
             xa_o, hs1_o, s1_o, dinv_o, mres_o, ares_o):
    xb = x[...]
    deg = degp[0, :, 0:1] + degp[1, :, 0:1] + 1.0
    dinv = lax.rsqrt(jnp.maximum(deg, 1.0))
    dinvb = jnp.broadcast_to(dinv, (BLK, D))
    att = jnp.maximum(_dot(xb, wa1[...]) + ba1[...], 0.0)
    l4 = _dot(att, wa2[...]) + ba2[...]
    e4 = jnp.exp(l4 - jnp.max(l4, axis=1, keepdims=True))
    w4 = e4 / jnp.sum(e4, axis=1, keepdims=True)
    xa = xb * _dot(w4, r4[...])
    h1 = _dot(xa, wc1[...])
    xa_o[...] = xa
    hs1_o[...] = h1 * dinvb
    s1_o[...] = dinvb * dinvb * h1
    dinv_o[...] = dinvb
    mres_o[...] = jnp.maximum(_dot(xb, wfm[...]) + bfm[...], 0.0)
    ares_o[...] = jnp.maximum(_dot(xb, wfa[...]) + bfa[...], 0.0)


def _row_spec(last=D):
    return pl.BlockSpec((BLK, last), lambda i: (i, 0))


def _full_spec(shape):
    nd = len(shape)
    return pl.BlockSpec(shape, lambda i, _n=nd: (0,) * _n)


_t0_call = pl.pallas_call(
    _t0_body,
    grid=(GRID,),
    in_specs=[
        _row_spec(),
        pl.BlockSpec((NC, BLK, D), lambda i: (0, i, 0)),
        _full_spec((4, D)),
        _full_spec((D, D)), _full_spec((1, D)),
        _full_spec((D, 4)), _full_spec((1, 4)),
        _full_spec((D, D)),
        _full_spec((D, D)), _full_spec((1, D)),
        _full_spec((D, D)), _full_spec((1, D)),
    ],
    out_specs=[_row_spec()] * 6,
    out_shape=[jax.ShapeDtypeStruct((N, D), jnp.float32)] * 6,
    compiler_params=pltpu.CompilerParams(dimension_semantics=("arbitrary",)),
)


def _p_body(part, sterm, dinvb, bc, y_o, st_o):
    i = pl.program_id(0)
    a = part[0] + part[1]
    y = dinvb[...] * a + sterm[...] + bc[...]
    y_o[...] = y
    nb = float(BLK)
    m_b = jnp.sum(y, axis=0, keepdims=True) * (1.0 / nb)
    d = y - m_b
    m2_b = jnp.sum(d * d, axis=0, keepdims=True)
    pad = jnp.zeros((6, D), jnp.float32)

    @pl.when(i == 0)
    def _():
        st_o[...] = jnp.concatenate([m_b, m2_b, pad], axis=0)

    @pl.when(i > 0)
    def _():
        n_prev = i.astype(jnp.float32) * nb
        n_new = n_prev + nb
        mean_prev = st_o[0:1, :]
        m2_prev = st_o[1:2, :]
        delta = m_b - mean_prev
        mean_new = mean_prev + delta * (nb / n_new)
        m2_new = m2_prev + m2_b + delta * delta * (n_prev * nb / n_new)
        st_o[...] = jnp.concatenate([mean_new, m2_new, pad], axis=0)


_p_call = pl.pallas_call(
    _p_body,
    grid=(GRID,),
    in_specs=[
        pl.BlockSpec((NC, BLK, D), lambda i: (0, i, 0)),
        _row_spec(), _row_spec(), _full_spec((1, D)),
    ],
    out_specs=[_row_spec(), _full_spec((8, D))],
    out_shape=[jax.ShapeDtypeStruct((N, D), jnp.float32),
               jax.ShapeDtypeStruct((8, D), jnp.float32)],
    compiler_params=pltpu.CompilerParams(dimension_semantics=("arbitrary",)),
)


def _bn_from_stats(y, st, g, be, relu):
    m = st[0:1, :]
    v = st[1:2, :] * (1.0 / N)
    out = (y - m) * lax.rsqrt(v + EPS) * g + be
    if relu:
        out = jnp.maximum(out, 0.0)
    return out


def _q1_body(y, st, xa, dinvb, g, be, wc2, xc1_o, hs2_o, s2_o):
    x1 = _bn_from_stats(y[...], st[...], g[...], be[...], True)
    xc1 = x1 + xa[...]
    h2 = _dot(xc1, wc2[...])
    dv = dinvb[...]
    xc1_o[...] = xc1
    hs2_o[...] = h2 * dv
    s2_o[...] = dv * dv * h2


_q1_call = pl.pallas_call(
    _q1_body,
    grid=(GRID,),
    in_specs=[_row_spec(), _full_spec((8, D)), _row_spec(), _row_spec(),
              _full_spec((1, D)), _full_spec((1, D)), _full_spec((D, D))],
    out_specs=[_row_spec()] * 3,
    out_shape=[jax.ShapeDtypeStruct((N, D), jnp.float32)] * 3,
    compiler_params=pltpu.CompilerParams(dimension_semantics=("arbitrary",)),
)


def _q2_body(y, st, xc1, mres, dinvb, g, be, wgh, wgm, bgm, wc3,
             hs3_o, s3_o):
    x2 = _bn_from_stats(y[...], st[...], g[...], be[...], True)
    h = x2 + xc1[...]
    mr = mres[...]
    gm = jax.nn.sigmoid(_dot(h, wgh[...]) + _dot(mr, wgm[...]) + bgm[...])
    hg = gm * h + (1.0 - gm) * mr
    h3 = _dot(hg, wc3[...])
    dv = dinvb[...]
    hs3_o[...] = h3 * dv
    s3_o[...] = dv * dv * h3


_q2_call = pl.pallas_call(
    _q2_body,
    grid=(GRID,),
    in_specs=[_row_spec(), _full_spec((8, D)), _row_spec(), _row_spec(),
              _row_spec(), _full_spec((1, D)), _full_spec((1, D)),
              _full_spec((D, 1)), _full_spec((D, 1)), _full_spec((1, 1)),
              _full_spec((D, D))],
    out_specs=[_row_spec()] * 2,
    out_shape=[jax.ShapeDtypeStruct((N, D), jnp.float32)] * 2,
    compiler_params=pltpu.CompilerParams(dimension_semantics=("arbitrary",)),
)


def _q3_body(y, st, ares, g, be, wgh, wga, bga, wcl1, bcl1, wcl2, bcl2,
             out_o):
    hb = _bn_from_stats(y[...], st[...], g[...], be[...], False)
    ar = ares[...]
    ga = jax.nn.sigmoid(_dot(hb, wgh[...]) + _dot(ar, wga[...]) + bga[...])
    h = ga * hb + (1.0 - ga) * ar
    t = jnp.maximum(_dot(h, wcl1[...]) + bcl1[...], 0.0)
    out_o[...] = _dot(t, wcl2[...]) + bcl2[...]


_q3_call = pl.pallas_call(
    _q3_body,
    grid=(GRID,),
    in_specs=[_row_spec(), _full_spec((8, D)), _row_spec(),
              _full_spec((1, D)), _full_spec((1, D)),
              _full_spec((D, 1)), _full_spec((D, 1)), _full_spec((1, 1)),
              _full_spec((D, 64)), _full_spec((1, 64)),
              _full_spec((64, 1)), _full_spec((1, 1))],
    out_specs=[_row_spec(1)],
    out_shape=[jax.ShapeDtypeStruct((N, 1), jnp.float32)],
    compiler_params=pltpu.CompilerParams(dimension_semantics=("arbitrary",)),
)


def kernel(x, edge_index, params):
    p = params
    src = edge_index[0].astype(jnp.int32)
    dst = edge_index[1].astype(jnp.int32)
    src3 = jnp.concatenate([src, jnp.zeros((EPAD,), jnp.int32)])
    src3 = src3.reshape(NW, NCHUNK, CH)
    dst3 = jnp.concatenate([dst, jnp.full((EPAD,), N, jnp.int32)])
    dst3 = dst3.reshape(NW, NCHUNK, CH)

    r4 = (jnp.arange(D)[None, :] // 32 == jnp.arange(4)[:, None])
    r4 = r4.astype(jnp.float32)
    b2 = lambda v: v[None, :]

    degp = _deg_call(dst3)
    xa, hs1, s1, dinvb, mres, ares = _t0_call(
        x, degp, r4, p['Wa1'], b2(p['ba1']), p['Wa2'], b2(p['ba2']),
        p['Wc1'], p['Wfm'], b2(p['bfm']), p['Wfa'], b2(p['bfa']))

    part1 = _conv_call(hs1, src3, dst3)
    y1, st1 = _p_call(part1, s1, dinvb, b2(p['bc1']))
    xc1, hs2, s2 = _q1_call(y1, st1, xa, dinvb, b2(p['g1']), b2(p['be1']),
                            p['Wc2'])

    part2 = _conv_call(hs2, src3, dst3)
    y2, st2 = _p_call(part2, s2, dinvb, b2(p['bc2']))
    hs3, s3 = _q2_call(y2, st2, xc1, mres, dinvb, b2(p['g2']), b2(p['be2']),
                       p['Wgm'][:D], p['Wgm'][D:], b2(p['bgm']), p['Wc3'])

    part3 = _conv_call(hs3, src3, dst3)
    y3, st3 = _p_call(part3, s3, dinvb, b2(p['bc3']))
    (out,) = _q3_call(y3, st3, ares, b2(p['g3']), b2(p['be3']),
                      p['Wga'][:D], p['Wga'][D:], b2(p['bga']),
                      p['Wcl1'], b2(p['bcl1']), p['Wcl2'], b2(p['bcl2']))
    return out

# --- scband reference (transcript-rebuilt; emitter-appended) ---
"""Pipeline reference for scband-mddgcn-45878840656368 (READ-ONLY COPY).

The authoritative reference and input builder live on the scoring server;
editing this copy changes nothing except your own understanding.
"""

import jax, jax.numpy as jnp
import numpy as np

N = 10000
E = 320000
D = 128
FEATURE_DIMS = np.array([32, 32, 32, 32])
ATT_H = 128
EPS = 1e-5


def _glorot(key, shape):
    fan_in, fan_out = shape[0], shape[1]
    lim = float(np.sqrt(6.0 / (fan_in + fan_out)))
    return jax.random.uniform(key, shape, jnp.float32, -lim, lim)


def setup_inputs(seed: int = 0) -> dict:
    key = jax.random.key(seed)
    ks = jax.random.split(key, 20)
    x = jax.random.normal(ks[0], (N, D), jnp.float32)
    edge_index = jax.random.randint(ks[1], (2, E), 0, N, jnp.int64)
    params = {
        'Wa1': _glorot(ks[2], (D, ATT_H)), 'ba1': jnp.zeros((ATT_H,), jnp.float32),
        'Wa2': _glorot(ks[3], (ATT_H, len(FEATURE_DIMS))), 'ba2': jnp.zeros((len(FEATURE_DIMS),), jnp.float32),
        'Wc1': _glorot(ks[4], (D, D)), 'bc1': jnp.zeros((D,), jnp.float32),
        'g1': jnp.ones((D,), jnp.float32), 'be1': jnp.zeros((D,), jnp.float32),
        'Wc2': _glorot(ks[5], (D, D)), 'bc2': jnp.zeros((D,), jnp.float32),
        'g2': jnp.ones((D,), jnp.float32), 'be2': jnp.zeros((D,), jnp.float32),
        'Wc3': _glorot(ks[6], (D, D)), 'bc3': jnp.zeros((D,), jnp.float32),
        'g3': jnp.ones((D,), jnp.float32), 'be3': jnp.zeros((D,), jnp.float32),
        'Wfm': _glorot(ks[7], (D, D)), 'bfm': jnp.zeros((D,), jnp.float32),
        'Wfa': _glorot(ks[8], (D, D)), 'bfa': jnp.zeros((D,), jnp.float32),
        'Wgm': _glorot(ks[9], (2 * D, 1)), 'bgm': jnp.zeros((1,), jnp.float32),
        'Wga': _glorot(ks[10], (2 * D, 1)), 'bga': jnp.zeros((1,), jnp.float32),
        'Wcl1': _glorot(ks[11], (D, 64)), 'bcl1': jnp.zeros((64,), jnp.float32),
        'Wcl2': _glorot(ks[12], (64, 1)), 'bcl2': jnp.zeros((1,), jnp.float32),
    }
    return {'x': x, 'edge_index': edge_index, 'params': params}


def _gcn_conv(x, edge_index, W, b):
    n = x.shape[0]
    loop = jnp.arange(n, dtype=edge_index.dtype)
    src = jnp.concatenate([edge_index[0], loop])
    dst = jnp.concatenate([edge_index[1], loop])
    deg = jnp.zeros((n,), jnp.float32).at[dst].add(1.0)
    dinv = jax.lax.rsqrt(jnp.clip(deg, 1.0))
    h = x @ W
    norm = (dinv[src] * dinv[dst])[:, None]
    msg = h[src] * norm
    out = jnp.zeros((n, W.shape[1]), jnp.float32).at[dst].add(msg)
    return out + b


def _bn(x, gamma, beta):
    mean = jnp.mean(x, axis=0)
    var = jnp.mean((x - mean) ** 2, axis=0)
    return (x - mean) * jax.lax.rsqrt(var + EPS) * gamma + beta


def _forward(x, params, edge_index):
    p = params
    initial_x = x
    # perturb_features with sigma=0.0 adds zero noise -> identity
    logits = jax.nn.relu(x @ p['Wa1'] + p['ba1']) @ p['Wa2'] + p['ba2']
    weights = jax.nn.softmax(logits, axis=-1)
    w_full = jnp.repeat(weights, np.asarray(FEATURE_DIMS), axis=1, total_repeat_length=D)
    xa = x * w_full
    x1 = jax.nn.relu(_bn(_gcn_conv(xa, edge_index, p['Wc1'], p['bc1']), p['g1'], p['be1']))
    # dropout in eval mode -> identity; res_connector1 is Identity
    xc1 = x1 + xa
    x2 = jax.nn.relu(_bn(_gcn_conv(xc1, edge_index, p['Wc2'], p['bc2']), p['g2'], p['be2']))
    h = x2 + xc1
    main_res = jax.nn.relu(initial_x @ p['Wfm'] + p['bfm'])
    gate_m = jax.nn.sigmoid(jnp.concatenate([h, main_res], axis=-1) @ p['Wgm'] + p['bgm'])
    h = gate_m * h + (1.0 - gate_m) * main_res
    h = _bn(_gcn_conv(h, edge_index, p['Wc3'], p['bc3']), p['g3'], p['be3'])
    aux_res = jax.nn.relu(initial_x @ p['Wfa'] + p['bfa'])
    gate_a = jax.nn.sigmoid(jnp.concatenate([h, aux_res], axis=-1) @ p['Wga'] + p['bga'])
    h = gate_a * h + (1.0 - gate_a) * aux_res
    out = jax.nn.relu(h @ p['Wcl1'] + p['bcl1']) @ p['Wcl2'] + p['bcl2']
    return out


def reference(x, edge_index, params):
    return _forward(x, params, edge_index)

if __name__ == "__main__":
    import jax
    _d = setup_inputs()
    print(jax.jit(kernel)(*tuple(_d.values())))

</pallas_src>

<mosaic_0001>
#map = affine_map<(d0, d1) -> (0, 0, 0)>
module attributes {stable_mosaic.version = 14 : i64} {
  func.func @_deg_body(%arg0: i32, %arg1: i32, %arg2: memref<32x79x128xi32, #tpu.memory_space<hbm>>, %arg3: memref<2x10240x128xf32, #tpu.memory_space<hbm>>, %arg4: memref<79x128xi32, #tpu.memory_space<vmem>>, %arg5: memref<128x128xf32, #tpu.memory_space<vmem>>, %arg6: memref<10240x128xf32, #tpu.memory_space<vmem_shared>>, %arg7: memref<!tpu.dma_semaphore, #tpu.memory_space<semaphore_mem>>) attributes {dimension_semantics = [#tpu.dimension_semantics<core_parallel>, #tpu.dimension_semantics<subcore_parallel>], iteration_bounds = array<i64: 2, 16>, scalar_prefetch = 0 : i64, scratch_operands = 4 : i64, tpu.core_type = #tpu.core_type<sc_vector_subcore>, window_params = [{transform_indices = #map}, {transform_indices = #map}]} {
    %mul3A = arith.constant 2 : i32
    %mul3A_0 = arith.muli %arg1, %mul3A : i32
    %add3A = arith.addi %mul3A_0, %arg0 : i32
    %scan3A = arith.constant 0 : i32
    %scan3A_1 = arith.constant 0 : i32
    %scan3A_2 = arith.constant 128 : i32
    %scan3A_3 = arith.addi %scan3A_1, %scan3A_2 : i32
    %scan3A_4 = arith.constant 1 : i32
    %scan3A_5 = scf.for %scan3A_60 = %scan3A_1 to %scan3A_3 step %scan3A_4 iter_args(%scan3A_61 = %scan3A) -> (i32)  : i32 {
      %broadcast_in_dim3A = arith.constant 0.000000e+00 : f32
      %broadcast_in_dim3A_62 = vector.broadcast %broadcast_in_dim3A : f32 to vector<16xf32>
      %swap3A = arith.index_cast %scan3A_60 : i32 to index
      %swap3A_63 = arith.constant 0 : index
      %swap3A_64 = tpu.vector_load %arg5[%swap3A, %swap3A_63] {strides = array<i32>} : memref<128x128xf32, #tpu.memory_space<vmem>>, vector<1x16xf32>,
      %swap3A_65 = vector.shape_cast %swap3A_64 : vector<1x16xf32> to vector<16xf32>
      %swap3A_66 = vector.shape_cast %broadcast_in_dim3A_62 : vector<16xf32> to vector<1x16xf32>
      tpu.vector_store %arg5[%swap3A, %swap3A_63], %swap3A_66 {strides = array<i32>} : memref<128x128xf32, #tpu.memory_space<vmem>>, vector<1x16xf32>,
      %broadcast_in_dim3A_67 = arith.constant 0.000000e+00 : f32
      %broadcast_in_dim3A_68 = vector.broadcast %broadcast_in_dim3A_67 : f32 to vector<16xf32>
      %swap3A_69 = arith.index_cast %scan3A_60 : i32 to index
      %swap3A_70 = arith.constant 16 : index
      %swap3A_71 = tpu.vector_load %arg5[%swap3A_69, %swap3A_70] {strides = array<i32>} : memref<128x128xf32, #tpu.memory_space<vmem>>, vector<1x16xf32>,
      %swap3A_72 = vector.shape_cast %swap3A_71 : vector<1x16xf32> to vector<16xf32>
      %swap3A_73 = vector.shape_cast %broadcast_in_dim3A_68 : vector<16xf32> to vector<1x16xf32>
      tpu.vector_store %arg5[%swap3A_69, %swap3A_70], %swap3A_73 {strides = array<i32>} : memref<128x128xf32, #tpu.memory_space<vmem>>, vector<1x16xf32>,
      %broadcast_in_dim3A_74 = arith.constant 0.000000e+00 : f32
      %broadcast_in_dim3A_75 = vector.broadcast %broadcast_in_dim3A_74 : f32 to vector<16xf32>
      %swap3A_76 = arith.index_cast %scan3A_60 : i32 to index
      %swap3A_77 = arith.constant 32 : index
      %swap3A_78 = tpu.vector_load %arg5[%swap3A_76, %swap3A_77] {strides = array<i32>} : memref<128x128xf32, #tpu.memory_space<vmem>>, vector<1x16xf32>,
      %swap3A_79 = vector.shape_cast %swap3A_78 : vector<1x16xf32> to vector<16xf32>
      %swap3A_80 = vector.shape_cast %broadcast_in_dim3A_75 : vector<16xf32> to vector<1x16xf32>
      tpu.vector_store %arg5[%swap3A_76, %swap3A_77], %swap3A_80 {strides = array<i32>} : memref<128x128xf32, #tpu.memory_space<vmem>>, vector<1x16xf32>,
      %broadcast_in_dim3A_81 = arith.constant 0.000000e+00 : f32
      %broadcast_in_dim3A_82 = vector.broadcast %broadcast_in_dim3A_81 : f32 to vector<16xf32>
      %swap3A_83 = arith.index_cast %scan3A_60 : i32 to index
      %swap3A_84 = arith.constant 48 : index
      %swap3A_85 = tpu.vector_load %arg5[%swap3A_83, %swap3A_84] {strides = array<i32>} : memref<128x128xf32, #tpu.memory_space<vmem>>, vector<1x16xf32>,
      %swap3A_86 = vector.shape_cast %swap3A_85 : vector<1x16xf32> to vector<16xf32>
      %swap3A_87 = vector.shape_cast %broadcast_in_dim3A_82 : vector<16xf32> to vector<1x16xf32>
      tpu.vector_store %arg5[%swap3A_83, %swap3A_84], %swap3A_87 {strides = array<i32>} : memref<128x128xf32, #tpu.memory_space<vmem>>, vector<1x16xf32>,
      %broadcast_in_dim3A_88 = arith.constant 0.000000e+00 : f32
      %broadcast_in_dim3A_89 = vector.broadcast %broadcast_in_dim3A_88 : f32 to vector<16xf32>
      %swap3A_90 = arith.index_cast %scan3A_60 : i32 to index
      %swap3A_91 = arith.constant 64 : index
      %swap3A_92 = tpu.vector_load %arg5[%swap3A_90, %swap3A_91] {strides = array<i32>} : memref<128x128xf32, #tpu.memory_space<vmem>>, vector<1x16xf32>,
      %swap3A_93 = vector.shape_cast %swap3A_92 : vector<1x16xf32> to vector<16xf32>
      %swap3A_94 = vector.shape_cast %broadcast_in_dim3A_89 : vector<16xf32> to vector<1x16xf32>
      tpu.vector_store %arg5[%swap3A_90, %swap3A_91], %swap3A_94 {strides = array<i32>} : memref<128x128xf32, #tpu.memory_space<vmem>>, vector<1x16xf32>,
      %broadcast_in_dim3A_95 = arith.constant 0.000000e+00 : f32
      %broadcast_in_dim3A_96 = vector.broadcast %broadcast_in_dim3A_95 : f32 to vector<16xf32>
      %swap3A_97 = arith.index_cast %scan3A_60 : i32 to index
      %swap3A_98 = arith.constant 80 : index
      %swap3A_99 = tpu.vector_load %arg5[%swap3A_97, %swap3A_98] {strides = array<i32>} : memref<128x128xf32, #tpu.memory_space<vmem>>, vector<1x16xf32>,
      %swap3A_100 = vector.shape_cast %swap3A_99 : vector<1x16xf32> to vector<16xf32>
      %swap3A_101 = vector.shape_cast %broadcast_in_dim3A_96 : vector<16xf32> to vector<1x16xf32>
      tpu.vector_store %arg5[%swap3A_97, %swap3A_98], %swap3A_101 {strides = array<i32>} : memref<128x128xf32, #tpu.memory_space<vmem>>, vector<1x16xf32>,
      %broadcast_in_dim3A_102 = arith.constant 0.000000e+00 : f32
      %broadcast_in_dim3A_103 = vector.broadcast %broadcast_in_dim3A_102 : f32 to vector<16xf32>
      %swap3A_104 = arith.index_cast %scan3A_60 : i32 to index
      %swap3A_105 = arith.constant 96 : index
      %swap3A_106 = tpu.vector_load %arg5[%swap3A_104, %swap3A_105] {strides = array<i32>} : memref<128x128xf32, #tpu.memory_space<vmem>>, vector<1x16xf32>,
      %swap3A_107 = vector.shape_cast %swap3A_106 : vector<1x16xf32> to vector<16xf32>
      %swap3A_108 = vector.shape_cast %broadcast_in_dim3A_103 : vector<16xf32> to vector<1x16xf32>
      tpu.vector_store %arg5[%swap3A_104, %swap3A_105], %swap3A_108 {strides = array<i32>} : memref<128x128xf32, #tpu.memory_space<vmem>>, vector<1x16xf32>,
      %broadcast_in_dim3A_109 = arith.constant 0.000000e+00 : f32
      %broadcast_in_dim3A_110 = vector.broadcast %broadcast_in_dim3A_109 : f32 to vector<16xf32>
      %swap3A_111 = arith.index_cast %scan3A_60 : i32 to index
      %swap3A_112 = arith.constant 112 : index
      %swap3A_113 = tpu.vector_load %arg5[%swap3A_111, %swap3A_112] {strides = array<i32>} : memref<128x128xf32, #tpu.memory_space<vmem>>, vector<1x16xf32>,
      %swap3A_114 = vector.shape_cast %swap3A_113 : vector<1x16xf32> to vector<16xf32>
      %swap3A_115 = vector.shape_cast %broadcast_in_dim3A_110 : vector<16xf32> to vector<1x16xf32>
      tpu.vector_store %arg5[%swap3A_111, %swap3A_112], %swap3A_115 {strides = array<i32>} : memref<128x128xf32, #tpu.memory_space<vmem>>, vector<1x16xf32>,
      %scan3A_116 = arith.constant 0 : i32
      scf.yield %scan3A_116 : i32
    }
    %scan3A_6 = arith.constant 128 : i32
    %mul3A_7 = arith.constant 640 : i32
    %mul3A_8 = arith.muli %arg1, %mul3A_7 : i32
    %add3A_9 = arith.constant 0 : i32
    %add3A_10 = arith.addi %mul3A_8, %add3A_9 : i32
    "tpu.region"() ({
      %run_scoped3A = tpu.sem_alloc : memref<!tpu.dma_semaphore, #tpu.memory_space<semaphore_mem>>
      %dma_start3A_60 = arith.constant 0 : i32
      %dma_start3A_61 = tpu.memref_slice %arg6[%add3A_10, %dma_start3A_60] : memref<10240x128xf32, #tpu.memory_space<vmem_shared>> -> memref<128x128xf32, #tpu.memory_space<vmem_shared>>
      %dma_start3A_62 = arith.constant 0 : i32
      %dma_start3A_63 = tpu.memref_slice %arg6[%add3A_10, %dma_start3A_62] : memref<10240x128xf32, #tpu.memory_space<vmem_shared>> -> memref<128x128xf32, #tpu.memory_space<vmem_shared>>
      tpu.enqueue_dma source(%arg5 : memref<128x128xf32, #tpu.memory_space<vmem>>) target(%dma_start3A_63 : memref<128x128xf32, #tpu.memory_space<vmem_shared>>) target_semaphore(%run_scoped3A : memref<!tpu.dma_semaphore, #tpu.memory_space<semaphore_mem>>)
      %dma_wait3A_64 = arith.constant 0 : i32
      %dma_wait3A_65 = tpu.memref_slice %arg6[%add3A_10, %dma_wait3A_64] : memref<10240x128xf32, #tpu.memory_space<vmem_shared>> -> memref<128x128xf32, #tpu.memory_space<vmem_shared>>
      %dma_wait3A_66 = arith.constant 0 : i32
      %dma_wait3A_67 = tpu.memref_slice %arg6[%add3A_10, %dma_wait3A_66] : memref<10240x128xf32, #tpu.memory_space<vmem_shared>> -> memref<128x128xf32, #tpu.memory_space<vmem_shared>>
      tpu.wait_dma2 semaphore(%run_scoped3A : memref<!tpu.dma_semaphore, #tpu.memory_space<semaphore_mem>>) src(%arg5 : memref<128x128xf32, #tpu.memory_space<vmem>>) dst(%dma_wait3A_67 : memref<128x128xf32, #tpu.memory_space<vmem_shared>>)
      tpu.yield
    }) : () -> ()
    %mul3A_11 = arith.constant 640 : i32
    %mul3A_12 = arith.muli %arg1, %mul3A_11 : i32
    %add3A_13 = arith.constant 128 : i32
    %add3A_14 = arith.addi %mul3A_12, %add3A_13 : i32
    "tpu.region"() ({
      %run_scoped3A = tpu.sem_alloc : memref<!tpu.dma_semaphore, #tpu.memory_space<semaphore_mem>>
      %dma_start3A_60 = arith.constant 0 : i32
      %dma_start3A_61 = tpu.memref_slice %arg6[%add3A_14, %dma_start3A_60] : memref<10240x128xf32, #tpu.memory_space<vmem_shared>> -> memref<128x128xf32, #tpu.memory_space<vmem_shared>>
      %dma_start3A_62 = arith.constant 0 : i32
      %dma_start3A_63 = tpu.memref_slice %arg6[%add3A_14, %dma_start3A_62] : memref<10240x128xf32, #tpu.memory_space<vmem_shared>> -> memref<128x128xf32, #tpu.memory_space<vmem_shared>>
      tpu.enqueue_dma source(%arg5 : memref<128x128xf32, #tpu.memory_space<vmem>>) target(%dma_start3A_63 : memref<128x128xf32, #tpu.memory_space<vmem_shared>>) target_semaphore(%run_scoped3A : memref<!tpu.dma_semaphore, #tpu.memory_space<semaphore_mem>>)
      %dma_wait3A_64 = arith.constant 0 : i32
      %dma_wait3A_65 = tpu.memref_slice %arg6[%add3A_14, %dma_wait3A_64] : memref<10240x128xf32, #tpu.memory_space<vmem_shared>> -> memref<128x128xf32, #tpu.memory_space<vmem_shared>>
      %dma_wait3A_66 = arith.constant 0 : i32
      %dma_wait3A_67 = tpu.memref_slice %arg6[%add3A_14, %dma_wait3A_66] : memref<10240x128xf32, #tpu.memory_space<vmem_shared>> -> memref<128x128xf32, #tpu.memory_space<vmem_shared>>
      tpu.wait_dma2 semaphore(%run_scoped3A : memref<!tpu.dma_semaphore, #tpu.memory_space<semaphore_mem>>) src(%arg5 : memref<128x128xf32, #tpu.memory_space<vmem>>) dst(%dma_wait3A_67 : memref<128x128xf32, #tpu.memory_space<vmem_shared>>)
      tpu.yield
    }) : () -> ()
    %mul3A_15 = arith.constant 640 : i32
    %mul3A_16 = arith.muli %arg1, %mul3A_15 : i32
    %add3A_17 = arith.constant 256 : i32
    %add3A_18 = arith.addi %mul3A_16, %add3A_17 : i32
    "tpu.region"() ({
      %run_scoped3A = tpu.sem_alloc : memref<!tpu.dma_semaphore, #tpu.memory_space<semaphore_mem>>
      %dma_start3A_60 = arith.constant 0 : i32
      %dma_start3A_61 = tpu.memref_slice %arg6[%add3A_18, %dma_start3A_60] : memref<10240x128xf32, #tpu.memory_space<vmem_shared>> -> memref<128x128xf32, #tpu.memory_space<vmem_shared>>
      %dma_start3A_62 = arith.constant 0 : i32
      %dma_start3A_63 = tpu.memref_slice %arg6[%add3A_18, %dma_start3A_62] : memref<10240x128xf32, #tpu.memory_space<vmem_shared>> -> memref<128x128xf32, #tpu.memory_space<vmem_shared>>
      tpu.enqueue_dma source(%arg5 : memref<128x128xf32, #tpu.memory_space<vmem>>) target(%dma_start3A_63 : memref<128x128xf32, #tpu.memory_space<vmem_shared>>) target_semaphore(%run_scoped3A : memref<!tpu.dma_semaphore, #tpu.memory_space<semaphore_mem>>)
      %dma_wait3A_64 = arith.constant 0 : i32
      %dma_wait3A_65 = tpu.memref_slice %arg6[%add3A_18, %dma_wait3A_64] : memref<10240x128xf32, #tpu.memory_space<vmem_shared>> -> memref<128x128xf32, #tpu.memory_space<vmem_shared>>
      %dma_wait3A_66 = arith.constant 0 : i32
      %dma_wait3A_67 = tpu.memref_slice %arg6[%add3A_18, %dma_wait3A_66] : memref<10240x128xf32, #tpu.memory_space<vmem_shared>> -> memref<128x128xf32, #tpu.memory_space<vmem_shared>>
      tpu.wait_dma2 semaphore(%run_scoped3A : memref<!tpu.dma_semaphore, #tpu.memory_space<semaphore_mem>>) src(%arg5 : memref<128x128xf32, #tpu.memory_space<vmem>>) dst(%dma_wait3A_67 : memref<128x128xf32, #tpu.memory_space<vmem_shared>>)
      tpu.yield
    }) : () -> ()
    %mul3A_19 = arith.constant 640 : i32
    %mul3A_20 = arith.muli %arg1, %mul3A_19 : i32
    %add3A_21 = arith.constant 384 : i32
    %add3A_22 = arith.addi %mul3A_20, %add3A_21 : i32
    "tpu.region"() ({
      %run_scoped3A = tpu.sem_alloc : memref<!tpu.dma_semaphore, #tpu.memory_space<semaphore_mem>>
      %dma_start3A_60 = arith.constant 0 : i32
      %dma_start3A_61 = tpu.memref_slice %arg6[%add3A_22, %dma_start3A_60] : memref<10240x128xf32, #tpu.memory_space<vmem_shared>> -> memref<128x128xf32, #tpu.memory_space<vmem_shared>>
      %dma_start3A_62 = arith.constant 0 : i32
      %dma_start3A_63 = tpu.memref_slice %arg6[%add3A_22, %dma_start3A_62] : memref<10240x128xf32, #tpu.memory_space<vmem_shared>> -> memref<128x128xf32, #tpu.memory_space<vmem_shared>>
      tpu.enqueue_dma source(%arg5 : memref<128x128xf32, #tpu.memory_space<vmem>>) target(%dma_start3A_63 : memref<128x128xf32, #tpu.memory_space<vmem_shared>>) target_semaphore(%run_scoped3A : memref<!tpu.dma_semaphore, #tpu.memory_space<semaphore_mem>>)
      %dma_wait3A_64 = arith.constant 0 : i32
      %dma_wait3A_65 = tpu.memref_slice %arg6[%add3A_22, %dma_wait3A_64] : memref<10240x128xf32, #tpu.memory_space<vmem_shared>> -> memref<128x128xf32, #tpu.memory_space<vmem_shared>>
      %dma_wait3A_66 = arith.constant 0 : i32
      %dma_wait3A_67 = tpu.memref_slice %arg6[%add3A_22, %dma_wait3A_66] : memref<10240x128xf32, #tpu.memory_space<vmem_shared>> -> memref<128x128xf32, #tpu.memory_space<vmem_shared>>
      tpu.wait_dma2 semaphore(%run_scoped3A : memref<!tpu.dma_semaphore, #tpu.memory_space<semaphore_mem>>) src(%arg5 : memref<128x128xf32, #tpu.memory_space<vmem>>) dst(%dma_wait3A_67 : memref<128x128xf32, #tpu.memory_space<vmem_shared>>)
      tpu.yield
    }) : () -> ()
    %mul3A_23 = arith.constant 640 : i32
    %mul3A_24 = arith.muli %arg1, %mul3A_23 : i32
    %add3A_25 = arith.constant 512 : i32
    %add3A_26 = arith.addi %mul3A_24, %add3A_25 : i32
    "tpu.region"() ({
      %run_scoped3A = tpu.sem_alloc : memref<!tpu.dma_semaphore, #tpu.memory_space<semaphore_mem>>
      %dma_start3A_60 = arith.constant 0 : i32
      %dma_start3A_61 = tpu.memref_slice %arg6[%add3A_26, %dma_start3A_60] : memref<10240x128xf32, #tpu.memory_space<vmem_shared>> -> memref<128x128xf32, #tpu.memory_space<vmem_shared>>
      %dma_start3A_62 = arith.constant 0 : i32
      %dma_start3A_63 = tpu.memref_slice %arg6[%add3A_26, %dma_start3A_62] : memref<10240x128xf32, #tpu.memory_space<vmem_shared>> -> memref<128x128xf32, #tpu.memory_space<vmem_shared>>
      tpu.enqueue_dma source(%arg5 : memref<128x128xf32, #tpu.memory_space<vmem>>) target(%dma_start3A_63 : memref<128x128xf32, #tpu.memory_space<vmem_shared>>) target_semaphore(%run_scoped3A : memref<!tpu.dma_semaphore, #tpu.memory_space<semaphore_mem>>)
      %dma_wait3A_64 = arith.constant 0 : i32
      %dma_wait3A_65 = tpu.memref_slice %arg6[%add3A_26, %dma_wait3A_64] : memref<10240x128xf32, #tpu.memory_space<vmem_shared>> -> memref<128x128xf32, #tpu.memory_space<vmem_shared>>
      %dma_wait3A_66 = arith.constant 0 : i32
      %dma_wait3A_67 = tpu.memref_slice %arg6[%add3A_26, %dma_wait3A_66] : memref<10240x128xf32, #tpu.memory_space<vmem_shared>> -> memref<128x128xf32, #tpu.memory_space<vmem_shared>>
      tpu.wait_dma2 semaphore(%run_scoped3A : memref<!tpu.dma_semaphore, #tpu.memory_space<semaphore_mem>>) src(%arg5 : memref<128x128xf32, #tpu.memory_space<vmem>>) dst(%dma_wait3A_67 : memref<128x128xf32, #tpu.memory_space<vmem_shared>>)
      tpu.yield
    }) : () -> ()
    %scan3A_27 = arith.constant 0 : i32
    %scan3A_28 = arith.constant 0 : i32
    %scan3A_29 = arith.constant 128 : i32
    %scan3A_30 = arith.addi %scan3A_28, %scan3A_29 : i32
    %scan3A_31 = arith.constant 1 : i32
    %scan3A_32 = scf.for %scan3A_60 = %scan3A_28 to %scan3A_30 step %scan3A_31 iter_args(%scan3A_61 = %scan3A_27) -> (i32)  : i32 {
      %broadcast_in_dim3A = arith.constant 1.000000e+00 : f32
      %broadcast_in_dim3A_62 = vector.broadcast %broadcast_in_dim3A : f32 to vector<16xf32>
      %swap3A = arith.index_cast %scan3A_60 : i32 to index
      %swap3A_63 = arith.constant 0 : index
      %swap3A_64 = tpu.vector_load %arg5[%swap3A, %swap3A_63] {strides = array<i32>} : memref<128x128xf32, #tpu.memory_space<vmem>>, vector<1x16xf32>,
      %swap3A_65 = vector.shape_cast %swap3A_64 : vector<1x16xf32> to vector<16xf32>
      %swap3A_66 = vector.shape_cast %broadcast_in_dim3A_62 : vector<16xf32> to vector<1x16xf32>
      tpu.vector_store %arg5[%swap3A, %swap3A_63], %swap3A_66 {strides = array<i32>} : memref<128x128xf32, #tpu.memory_space<vmem>>, vector<1x16xf32>,
      %broadcast_in_dim3A_67 = arith.constant 1.000000e+00 : f32
      %broadcast_in_dim3A_68 = vector.broadcast %broadcast_in_dim3A_67 : f32 to vector<16xf32>
      %swap3A_69 = arith.index_cast %scan3A_60 : i32 to index
      %swap3A_70 = arith.constant 16 : index
      %swap3A_71 = tpu.vector_load %arg5[%swap3A_69, %swap3A_70] {strides = array<i32>} : memref<128x128xf32, #tpu.memory_space<vmem>>, vector<1x16xf32>,
      %swap3A_72 = vector.shape_cast %swap3A_71 : vector<1x16xf32> to vector<16xf32>
      %swap3A_73 = vector.shape_cast %broadcast_in_dim3A_68 : vector<16xf32> to vector<1x16xf32>
      tpu.vector_store %arg5[%swap3A_69, %swap3A_70], %swap3A_73 {strides = array<i32>} : memref<128x128xf32, #tpu.memory_space<vmem>>, vector<1x16xf32>,
      %broadcast_in_dim3A_74 = arith.constant 1.000000e+00 : f32
      %broadcast_in_dim3A_75 = vector.broadcast %broadcast_in_dim3A_74 : f32 to vector<16xf32>
      %swap3A_76 = arith.index_cast %scan3A_60 : i32 to index
      %swap3A_77 = arith.constant 32 : index
      %swap3A_78 = tpu.vector_load %arg5[%swap3A_76, %swap3A_77] {strides = array<i32>} : memref<128x128xf32, #tpu.memory_space<vmem>>, vector<1x16xf32>,
      %swap3A_79 = vector.shape_cast %swap3A_78 : vector<1x16xf32> to vector<16xf32>
      %swap3A_80 = vector.shape_cast %broadcast_in_dim3A_75 : vector<16xf32> to vector<1x16xf32>
      tpu.vector_store %arg5[%swap3A_76, %swap3A_77], %swap3A_80 {strides = array<i32>} : memref<128x128xf32, #tpu.memory_space<vmem>>, vector<1x16xf32>,
      %broadcast_in_dim3A_81 = arith.constant 1.000000e+00 : f32
      %broadcast_in_dim3A_82 = vector.broadcast %broadcast_in_dim3A_81 : f32 to vector<16xf32>
      %swap3A_83 = arith.index_cast %scan3A_60 : i32 to index
      %swap3A_84 = arith.constant 48 : index
      %swap3A_85 = tpu.vector_load %arg5[%swap3A_83, %swap3A_84] {strides = array<i32>} : memref<128x128xf32, #tpu.memory_space<vmem>>, vector<1x16xf32>,
      %swap3A_86 = vector.shape_cast %swap3A_85 : vector<1x16xf32> to vector<16xf32>
      %swap3A_87 = vector.shape_cast %broadcast_in_dim3A_82 : vector<16xf32> to vector<1x16xf32>
      tpu.vector_store %arg5[%swap3A_83, %swap3A_84], %swap3A_87 {strides = array<i32>} : memref<128x128xf32, #tpu.memory_space<vmem>>, vector<1x16xf32>,
      %broadcast_in_dim3A_88 = arith.constant 1.000000e+00 : f32
      %broadcast_in_dim3A_89 = vector.broadcast %broadcast_in_dim3A_88 : f32 to vector<16xf32>
      %swap3A_90 = arith.index_cast %scan3A_60 : i32 to index
      %swap3A_91 = arith.constant 64 : index
      %swap3A_92 = tpu.vector_load %arg5[%swap3A_90, %swap3A_91] {strides = array<i32>} : memref<128x128xf32, #tpu.memory_space<vmem>>, vector<1x16xf32>,
      %swap3A_93 = vector.shape_cast %swap3A_92 : vector<1x16xf32> to vector<16xf32>
      %swap3A_94 = vector.shape_cast %broadcast_in_dim3A_89 : vector<16xf32> to vector<1x16xf32>
      tpu.vector_store %arg5[%swap3A_90, %swap3A_91], %swap3A_94 {strides = array<i32>} : memref<128x128xf32, #tpu.memory_space<vmem>>, vector<1x16xf32>,
      %broadcast_in_dim3A_95 = arith.constant 1.000000e+00 : f32
      %broadcast_in_dim3A_96 = vector.broadcast %broadcast_in_dim3A_95 : f32 to vector<16xf32>
      %swap3A_97 = arith.index_cast %scan3A_60 : i32 to index
      %swap3A_98 = arith.constant 80 : index
      %swap3A_99 = tpu.vector_load %arg5[%swap3A_97, %swap3A_98] {strides = array<i32>} : memref<128x128xf32, #tpu.memory_space<vmem>>, vector<1x16xf32>,
      %swap3A_100 = vector.shape_cast %swap3A_99 : vector<1x16xf32> to vector<16xf32>
      %swap3A_101 = vector.shape_cast %broadcast_in_dim3A_96 : vector<16xf32> to vector<1x16xf32>
      tpu.vector_store %arg5[%swap3A_97, %swap3A_98], %swap3A_101 {strides = array<i32>} : memref<128x128xf32, #tpu.memory_space<vmem>>, vector<1x16xf32>,
      %broadcast_in_dim3A_102 = arith.constant 1.000000e+00 : f32
      %broadcast_in_dim3A_103 = vector.broadcast %broadcast_in_dim3A_102 : f32 to vector<16xf32>
      %swap3A_104 = arith.index_cast %scan3A_60 : i32 to index
      %swap3A_105 = arith.constant 96 : index
      %swap3A_106 = tpu.vector_load %arg5[%swap3A_104, %swap3A_105] {strides = array<i32>} : memref<128x128xf32, #tpu.memory_space<vmem>>, vector<1x16xf32>,
      %swap3A_107 = vector.shape_cast %swap3A_106 : vector<1x16xf32> to vector<16xf32>
      %swap3A_108 = vector.shape_cast %broadcast_in_dim3A_103 : vector<16xf32> to vector<1x16xf32>
      tpu.vector_store %arg5[%swap3A_104, %swap3A_105], %swap3A_108 {strides = array<i32>} : memref<128x128xf32, #tpu.memory_space<vmem>>, vector<1x16xf32>,
      %broadcast_in_dim3A_109 = arith.constant 1.000000e+00 : f32
      %broadcast_in_dim3A_110 = vector.broadcast %broadcast_in_dim3A_109 : f32 to vector<16xf32>
      %swap3A_111 = arith.index_cast %scan3A_60 : i32 to index
      %swap3A_112 = arith.constant 112 : index
      %swap3A_113 = tpu.vector_load %arg5[%swap3A_111, %swap3A_112] {strides = array<i32>} : memref<128x128xf32, #tpu.memory_space<vmem>>, vector<1x16xf32>,
      %swap3A_114 = vector.shape_cast %swap3A_113 : vector<1x16xf32> to vector<16xf32>
      %swap3A_115 = vector.shape_cast %broadcast_in_dim3A_110 : vector<16xf32> to vector<1x16xf32>
      tpu.vector_store %arg5[%swap3A_111, %swap3A_112], %swap3A_115 {strides = array<i32>} : memref<128x128xf32, #tpu.memory_space<vmem>>, vector<1x16xf32>,
      %scan3A_116 = arith.constant 0 : i32
      scf.yield %scan3A_116 : i32
    }
    %scan3A_33 = arith.constant 128 : i32
    %dma_start3A = arith.constant 0 : i32
    %dma_start3A_34 = arith.constant 0 : i32
    %dma_start3A_35 = tpu.memref_slice %arg2[%add3A, %dma_start3A, %dma_start3A_34] : memref<32x79x128xi32, #tpu.memory_space<hbm>> -> memref<1x79x128xi32, #tpu.memory_space<hbm>>
    %dma_start3A_36 = tpu.memref_squeeze %dma_start3A_35 : memref<1x79x128xi32, #tpu.memory_space<hbm>> -> memref<79x128xi32, #tpu.memory_space<hbm>>
    %dma_start3A_37 = arith.constant 0 : i32
    %dma_start3A_38 = arith.constant 0 : i32
    %dma_start3A_39 = tpu.memref_slice %arg2[%add3A, %dma_start3A_37, %dma_start3A_38] : memref<32x79x128xi32, #tpu.memory_space<hbm>> -> memref<1x79x128xi32, #tpu.memory_space<hbm>>
    %dma_start3A_40 = tpu.memref_squeeze %dma_start3A_39 : memref<1x79x128xi32, #tpu.memory_space<hbm>> -> memref<79x128xi32, #tpu.memory_space<hbm>>
    tpu.enqueue_dma source(%dma_start3A_40 : memref<79x128xi32, #tpu.memory_space<hbm>>) target(%arg4 : memref<79x128xi32, #tpu.memory_space<vmem>>) target_semaphore(%arg7 : memref<!tpu.dma_semaphore, #tpu.memory_space<semaphore_mem>>)
    %dma_wait3A = arith.constant 0 : i32
    %dma_wait3A_41 = arith.constant 0 : i32
    %dma_wait3A_42 = tpu.memref_slice %arg2[%add3A, %dma_wait3A, %dma_wait3A_41] : memref<32x79x128xi32, #tpu.memory_space<hbm>> -> memref<1x79x128xi32, #tpu.memory_space<hbm>>
    %dma_wait3A_43 = tpu.memref_squeeze %dma_wait3A_42 : memref<1x79x128xi32, #tpu.memory_space<hbm>> -> memref<79x128xi32, #tpu.memory_space<hbm>>
    %dma_wait3A_44 = arith.constant 0 : i32
    %dma_wait3A_45 = arith.constant 0 : i32
    %dma_wait3A_46 = tpu.memref_slice %arg2[%add3A, %dma_wait3A_44, %dma_wait3A_45] : memref<32x79x128xi32, #tpu.memory_space<hbm>> -> memref<1x79x128xi32, #tpu.memory_space<hbm>>
    %dma_wait3A_47 = tpu.memref_squeeze %dma_wait3A_46 : memref<1x79x128xi32, #tpu.memory_space<hbm>> -> memref<79x128xi32, #tpu.memory_space<hbm>>
    tpu.wait_dma2 semaphore(%arg7 : memref<!tpu.dma_semaphore, #tpu.memory_space<semaphore_mem>>) src(%dma_wait3A_47 : memref<79x128xi32, #tpu.memory_space<hbm>>) dst(%arg4 : memref<79x128xi32, #tpu.memory_space<vmem>>)
    %barrier3A = arith.constant 0 : index
    tpu.barrier barrier_id(%barrier3A)
    %scan3A_48 = arith.constant 0 : i32
    %scan3A_49 = arith.constant 0 : i32
    %scan3A_50 = arith.constant 79 : i32
    %scan3A_51 = arith.addi %scan3A_49, %scan3A_50 : i32
    %scan3A_52 = arith.constant 1 : i32
    %scan3A_53 = scf.for %scan3A_60 = %scan3A_49 to %scan3A_51 step %scan3A_52 iter_args(%scan3A_61 = %scan3A_48) -> (i32)  : i32 {
      "tpu.region"() ({
        %run_scoped3A = tpu.sem_alloc : memref<!tpu.dma_semaphore, #tpu.memory_space<semaphore_mem>>
        %dma_start3A_63 = arith.constant 0 : i32
        %dma_start3A_64 = tpu.memref_slice %arg4[%scan3A_60, %dma_start3A_63] : memref<79x128xi32, #tpu.memory_space<vmem>> -> memref<1x128xi32, #tpu.memory_space<vmem>>
        %dma_start3A_65 = tpu.memref_squeeze %dma_start3A_64 : memref<1x128xi32, #tpu.memory_space<vmem>> -> memref<128xi32, #tpu.memory_space<vmem>>
        %dma_start3A_66 = arith.constant 0 : i32
        %dma_start3A_67 = arith.constant 0 : i32
        %dma_start3A_68 = tpu.memref_slice %arg6[%dma_start3A_66, %dma_start3A_67] : memref<10240x128xf32, #tpu.memory_space<vmem_shared>> -> memref<10240x128xf32, #tpu.memory_space<vmem_shared>>
        tpu.enqueue_indirect_dma source(%arg5 : memref<128x128xf32, #tpu.memory_space<vmem>>) target(%dma_start3A_68 : memref<10240x128xf32, #tpu.memory_space<vmem_shared>>) offsets(%dma_start3A_65 : memref<128xi32, #tpu.memory_space<vmem>>) semaphore(%run_scoped3A : memref<!tpu.dma_semaphore, #tpu.memory_space<semaphore_mem>>) {add = true}
        %dma_wait3A_69 = arith.constant 0 : i32
        %dma_wait3A_70 = tpu.memref_slice %arg4[%scan3A_60, %dma_wait3A_69] : memref<79x128xi32, #tpu.memory_space<vmem>> -> memref<1x128xi32, #tpu.memory_space<vmem>>
        %dma_wait3A_71 = tpu.memref_squeeze %dma_wait3A_70 : memref<1x128xi32, #tpu.memory_space<vmem>> -> memref<128xi32, #tpu.memory_space<vmem>>
        %dma_wait3A_72 = arith.constant 0 : i32
        %dma_wait3A_73 = arith.constant 0 : i32
        %dma_wait3A_74 = tpu.memref_slice %arg6[%dma_wait3A_72, %dma_wait3A_73] : memref<10240x128xf32, #tpu.memory_space<vmem_shared>> -> memref<10240x128xf32, #tpu.memory_space<vmem_shared>>
        tpu.wait_indirect_dma semaphore(%run_scoped3A : memref<!tpu.dma_semaphore, #tpu.memory_space<semaphore_mem>>) src(%arg5 : memref<128x128xf32, #tpu.memory_space<vmem>>) dst(%dma_wait3A_74 : memref<10240x128xf32, #tpu.memory_space<vmem_shared>>)
        tpu.yield
      }) : () -> ()
      %scan3A_62 = arith.constant 0 : i32
      scf.yield %scan3A_62 : i32
    }
    %scan3A_54 = arith.constant 79 : i32
    %barrier3A_55 = arith.constant 0 : index
    tpu.barrier barrier_id(%barrier3A_55)
    %mul3A_56 = arith.constant 640 : i32
    %mul3A_57 = arith.muli %arg1, %mul3A_56 : i32
    %mul3A_58 = arith.constant 640 : i32
    %mul3A_59 = arith.muli %arg1, %mul3A_58 : i32
    "tpu.region"() ({
      %run_scoped3A = tpu.sem_alloc : memref<!tpu.dma_semaphore, #tpu.memory_space<semaphore_mem>>
      %dma_start3A_60 = arith.constant 0 : i32
      %dma_start3A_61 = tpu.memref_slice %arg3[%arg0, %mul3A_59, %dma_start3A_60] : memref<2x10240x128xf32, #tpu.memory_space<hbm>> -> memref<1x640x128xf32, #tpu.memory_space<hbm>>
      %dma_start3A_62 = tpu.memref_squeeze %dma_start3A_61 : memref<1x640x128xf32, #tpu.memory_space<hbm>> -> memref<640x128xf32, #tpu.memory_space<hbm>>
      %dma_start3A_63 = arith.constant 0 : i32
      %dma_start3A_64 = tpu.memref_slice %arg6[%mul3A_57, %dma_start3A_63] : memref<10240x128xf32, #tpu.memory_space<vmem_shared>> -> memref<640x128xf32, #tpu.memory_space<vmem_shared>>
      tpu.enqueue_dma source(%dma_start3A_64 : memref<640x128xf32, #tpu.memory_space<vmem_shared>>) target(%dma_start3A_62 : memref<640x128xf32, #tpu.memory_space<hbm>>) target_semaphore(%run_scoped3A : memref<!tpu.dma_semaphore, #tpu.memory_space<semaphore_mem>>)
      %dma_wait3A_65 = arith.constant 0 : i32
      %dma_wait3A_66 = tpu.memref_slice %arg3[%arg0, %mul3A_59, %dma_wait3A_65] : memref<2x10240x128xf32, #tpu.memory_space<hbm>> -> memref<1x640x128xf32, #tpu.memory_space<hbm>>
      %dma_wait3A_67 = tpu.memref_squeeze %dma_wait3A_66 : memref<1x640x128xf32, #tpu.memory_space<hbm>> -> memref<640x128xf32, #tpu.memory_space<hbm>>
      %dma_wait3A_68 = arith.constant 0 : i32
      %dma_wait3A_69 = tpu.memref_slice %arg6[%mul3A_57, %dma_wait3A_68] : memref<10240x128xf32, #tpu.memory_space<vmem_shared>> -> memref<640x128xf32, #tpu.memory_space<vmem_shared>>
      tpu.wait_dma2 semaphore(%run_scoped3A : memref<!tpu.dma_semaphore, #tpu.memory_space<semaphore_mem>>) src(%dma_wait3A_69 : memref<640x128xf32, #tpu.memory_space<vmem_shared>>) dst(%dma_wait3A_67 : memref<640x128xf32, #tpu.memory_space<hbm>>)
      tpu.yield
    }) : () -> ()
    return
  }
}

#map = affine_map<(d0, d1) -> (0, 0)>
#map1 = affine_map<(d0, d1) -> (0, 0, 0)>
module attributes {stable_mosaic.version = 14 : i64} {
  func.func @_conv_body(%arg0: i32, %arg1: i32, %arg2: memref<10000x128xf32, #tpu.memory_space<hbm>>, %arg3: memref<32x79x128xi32, #tpu.memory_space<hbm>>, %arg4: memref<32x79x128xi32, #tpu.memory_space<hbm>>, %arg5: memref<2x10240x128xf32, #tpu.memory_space<hbm>>, %arg6: memref<79x128xi32, #tpu.memory_space<vmem>>, %arg7: memref<79x128xi32, #tpu.memory_space<vmem>>, %arg8: memref<128x128xf32, #tpu.memory_space<vmem>>, %arg9: memref<10240x128xf32, #tpu.memory_space<vmem_shared>>, %arg10: memref<!tpu.dma_semaphore, #tpu.memory_space<semaphore_mem>>) attributes {dimension_semantics = [#tpu.dimension_semantics<core_parallel>, #tpu.dimension_semantics<subcore_parallel>], iteration_bounds = array<i64: 2, 16>, scalar_prefetch = 0 : i64, scratch_operands = 5 : i64, tpu.core_type = #tpu.core_type<sc_vector_subcore>, window_params = [{transform_indices = #map}, {transform_indices = #map1}, {transform_indices = #map1}, {transform_indices = #map1}]} {
    %mul3A = arith.constant 2 : i32
    %mul3A_0 = arith.muli %arg1, %mul3A : i32
    %add3A = arith.addi %mul3A_0, %arg0 : i32
    %scan3A = arith.constant 0 : i32
    %scan3A_1 = arith.constant 0 : i32
    %scan3A_2 = arith.constant 128 : i32
    %scan3A_3 = arith.addi %scan3A_1, %scan3A_2 : i32
    %scan3A_4 = arith.constant 1 : i32
    %scan3A_5 = scf.for %scan3A_69 = %scan3A_1 to %scan3A_3 step %scan3A_4 iter_args(%scan3A_70 = %scan3A) -> (i32)  : i32 {
      %broadcast_in_dim3A = arith.constant 0.000000e+00 : f32
      %broadcast_in_dim3A_71 = vector.broadcast %broadcast_in_dim3A : f32 to vector<16xf32>
      %swap3A = arith.index_cast %scan3A_69 : i32 to index
      %swap3A_72 = arith.constant 0 : index
      %swap3A_73 = tpu.vector_load %arg8[%swap3A, %swap3A_72] {strides = array<i32>} : memref<128x128xf32, #tpu.memory_space<vmem>>, vector<1x16xf32>,
      %swap3A_74 = vector.shape_cast %swap3A_73 : vector<1x16xf32> to vector<16xf32>
      %swap3A_75 = vector.shape_cast %broadcast_in_dim3A_71 : vector<16xf32> to vector<1x16xf32>
      tpu.vector_store %arg8[%swap3A, %swap3A_72], %swap3A_75 {strides = array<i32>} : memref<128x128xf32, #tpu.memory_space<vmem>>, vector<1x16xf32>,
      %broadcast_in_dim3A_76 = arith.constant 0.000000e+00 : f32
      %broadcast_in_dim3A_77 = vector.broadcast %broadcast_in_dim3A_76 : f32 to vector<16xf32>
      %swap3A_78 = arith.index_cast %scan3A_69 : i32 to index
      %swap3A_79 = arith.constant 16 : index
      %swap3A_80 = tpu.vector_load %arg8[%swap3A_78, %swap3A_79] {strides = array<i32>} : memref<128x128xf32, #tpu.memory_space<vmem>>, vector<1x16xf32>,
      %swap3A_81 = vector.shape_cast %swap3A_80 : vector<1x16xf32> to vector<16xf32>
      %swap3A_82 = vector.shape_cast %broadcast_in_dim3A_77 : vector<16xf32> to vector<1x16xf32>
      tpu.vector_store %arg8[%swap3A_78, %swap3A_79], %swap3A_82 {strides = array<i32>} : memref<128x128xf32, #tpu.memory_space<vmem>>, vector<1x16xf32>,
      %broadcast_in_dim3A_83 = arith.constant 0.000000e+00 : f32
      %broadcast_in_dim3A_84 = vector.broadcast %broadcast_in_dim3A_83 : f32 to vector<16xf32>
      %swap3A_85 = arith.index_cast %scan3A_69 : i32 to index
      %swap3A_86 = arith.constant 32 : index
      %swap3A_87 = tpu.vector_load %arg8[%swap3A_85, %swap3A_86] {strides = array<i32>} : memref<128x128xf32, #tpu.memory_space<vmem>>, vector<1x16xf32>,
      %swap3A_88 = vector.shape_cast %swap3A_87 : vector<1x16xf32> to vector<16xf32>
      %swap3A_89 = vector.shape_cast %broadcast_in_dim3A_84 : vector<16xf32> to vector<1x16xf32>
      tpu.vector_store %arg8[%swap3A_85, %swap3A_86], %swap3A_89 {strides = array<i32>} : memref<128x128xf32, #tpu.memory_space<vmem>>, vector<1x16xf32>,
      %broadcast_in_dim3A_90 = arith.constant 0.000000e+00 : f32
      %broadcast_in_dim3A_91 = vector.broadcast %broadcast_in_dim3A_90 : f32 to vector<16xf32>
      %swap3A_92 = arith.index_cast %scan3A_69 : i32 to index
      %swap3A_93 = arith.constant 48 : index
      %swap3A_94 = tpu.vector_load %arg8[%swap3A_92, %swap3A_93] {strides = array<i32>} : memref<128x128xf32, #tpu.memory_space<vmem>>, vector<1x16xf32>,
      %swap3A_95 = vector.shape_cast %swap3A_94 : vector<1x16xf32> to vector<16xf32>
      %swap3A_96 = vector.shape_cast %broadcast_in_dim3A_91 : vector<16xf32> to vector<1x16xf32>
      tpu.vector_store %arg8[%swap3A_92, %swap3A_93], %swap3A_96 {strides = array<i32>} : memref<128x128xf32, #tpu.memory_space<vmem>>, vector<1x16xf32>,
      %broadcast_in_dim3A_97 = arith.constant 0.000000e+00 : f32
      %broadcast_in_dim3A_98 = vector.broadcast %broadcast_in_dim3A_97 : f32 to vector<16xf32>
      %swap3A_99 = arith.index_cast %scan3A_69 : i32 to index
      %swap3A_100 = arith.constant 64 : index
      %swap3A_101 = tpu.vector_load %arg8[%swap3A_99, %swap3A_100] {strides = array<i32>} : memref<128x128xf32, #tpu.memory_space<vmem>>, vector<1x16xf32>,
      %swap3A_102 = vector.shape_cast %swap3A_101 : vector<1x16xf32> to vector<16xf32>
      %swap3A_103 = vector.shape_cast %broadcast_in_dim3A_98 : vector<16xf32> to vector<1x16xf32>
      tpu.vector_store %arg8[%swap3A_99, %swap3A_100], %swap3A_103 {strides = array<i32>} : memref<128x128xf32, #tpu.memory_space<vmem>>, vector<1x16xf32>,
      %broadcast_in_dim3A_104 = arith.constant 0.000000e+00 : f32
      %broadcast_in_dim3A_105 = vector.broadcast %broadcast_in_dim3A_104 : f32 to vector<16xf32>
      %swap3A_106 = arith.index_cast %scan3A_69 : i32 to index
      %swap3A_107 = arith.constant 80 : index
      %swap3A_108 = tpu.vector_load %arg8[%swap3A_106, %swap3A_107] {strides = array<i32>} : memref<128x128xf32, #tpu.memory_space<vmem>>, vector<1x16xf32>,
      %swap3A_109 = vector.shape_cast %swap3A_108 : vector<1x16xf32> to vector<16xf32>
      %swap3A_110 = vector.shape_cast %broadcast_in_dim3A_105 : vector<16xf32> to vector<1x16xf32>
      tpu.vector_store %arg8[%swap3A_106, %swap3A_107], %swap3A_110 {strides = array<i32>} : memref<128x128xf32, #tpu.memory_space<vmem>>, vector<1x16xf32>,
      %broadcast_in_dim3A_111 = arith.constant 0.000000e+00 : f32
      %broadcast_in_dim3A_112 = vector.broadcast %broadcast_in_dim3A_111 : f32 to vector<16xf32>
      %swap3A_113 = arith.index_cast %scan3A_69 : i32 to index
      %swap3A_114 = arith.constant 96 : index
      %swap3A_115 = tpu.vector_load %arg8[%swap3A_113, %swap3A_114] {strides = array<i32>} : memref<128x128xf32, #tpu.memory_space<vmem>>, vector<1x16xf32>,
      %swap3A_116 = vector.shape_cast %swap3A_115 : vector<1x16xf32> to vector<16xf32>
      %swap3A_117 = vector.shape_cast %broadcast_in_dim3A_112 : vector<16xf32> to vector<1x16xf32>
      tpu.vector_store %arg8[%swap3A_113, %swap3A_114], %swap3A_117 {strides = array<i32>} : memref<128x128xf32, #tpu.memory_space<vmem>>, vector<1x16xf32>,
      %broadcast_in_dim3A_118 = arith.constant 0.000000e+00 : f32
      %broadcast_in_dim3A_119 = vector.broadcast %broadcast_in_dim3A_118 : f32 to vector<16xf32>
      %swap3A_120 = arith.index_cast %scan3A_69 : i32 to index
      %swap3A_121 = arith.constant 112 : index
      %swap3A_122 = tpu.vector_load %arg8[%swap3A_120, %swap3A_121] {strides = array<i32>} : memref<128x128xf32, #tpu.memory_space<vmem>>, vector<1x16xf32>,
      %swap3A_123 = vector.shape_cast %swap3A_122 : vector<1x16xf32> to vector<16xf32>
      %swap3A_124 = vector.shape_cast %broadcast_in_dim3A_119 : vector<16xf32> to vector<1x16xf32>
      tpu.vector_store %arg8[%swap3A_120, %swap3A_121], %swap3A_124 {strides = array<i32>} : memref<128x128xf32, #tpu.memory_space<vmem>>, vector<1x16xf32>,
      %scan3A_125 = arith.constant 0 : i32
      scf.yield %scan3A_125 : i32
    }
    %scan3A_6 = arith.constant 128 : i32
    %mul3A_7 = arith.constant 640 : i32
    %mul3A_8 = arith.muli %arg1, %mul3A_7 : i32
    %add3A_9 = arith.constant 0 : i32
    %add3A_10 = arith.addi %mul3A_8, %add3A_9 : i32
    "tpu.region"() ({
      %run_scoped3A = tpu.sem_alloc : memref<!tpu.dma_semaphore, #tpu.memory_space<semaphore_mem>>
      %dma_start3A_69 = arith.constant 0 : i32
      %dma_start3A_70 = tpu.memref_slice %arg9[%add3A_10, %dma_start3A_69] : memref<10240x128xf32, #tpu.memory_space<vmem_shared>> -> memref<128x128xf32, #tpu.memory_space<vmem_shared>>
      %dma_start3A_71 = arith.constant 0 : i32
      %dma_start3A_72 = tpu.memref_slice %arg9[%add3A_10, %dma_start3A_71] : memref<10240x128xf32, #tpu.memory_space<vmem_shared>> -> memref<128x128xf32, #tpu.memory_space<vmem_shared>>
      tpu.enqueue_dma source(%arg8 : memref<128x128xf32, #tpu.memory_space<vmem>>) target(%dma_start3A_72 : memref<128x128xf32, #tpu.memory_space<vmem_shared>>) target_semaphore(%run_scoped3A : memref<!tpu.dma_semaphore, #tpu.memory_space<semaphore_mem>>)
      %dma_wait3A_73 = arith.constant 0 : i32
      %dma_wait3A_74 = tpu.memref_slice %arg9[%add3A_10, %dma_wait3A_73] : memref<10240x128xf32, #tpu.memory_space<vmem_shared>> -> memref<128x128xf32, #tpu.memory_space<vmem_shared>>
      %dma_wait3A_75 = arith.constant 0 : i32
      %dma_wait3A_76 = tpu.memref_slice %arg9[%add3A_10, %dma_wait3A_75] : memref<10240x128xf32, #tpu.memory_space<vmem_shared>> -> memref<128x128xf32, #tpu.memory_space<vmem_shared>>
      tpu.wait_dma2 semaphore(%run_scoped3A : memref<!tpu.dma_semaphore, #tpu.memory_space<semaphore_mem>>) src(%arg8 : memref<128x128xf32, #tpu.memory_space<vmem>>) dst(%dma_wait3A_76 : memref<128x128xf32, #tpu.memory_space<vmem_shared>>)
      tpu.yield
    }) : () -> ()
    %mul3A_11 = arith.constant 640 : i32
    %mul3A_12 = arith.muli %arg1, %mul3A_11 : i32
    %add3A_13 = arith.constant 128 : i32
    %add3A_14 = arith.addi %mul3A_12, %add3A_13 : i32
    "tpu.region"() ({
      %run_scoped3A = tpu.sem_alloc : memref<!tpu.dma_semaphore, #tpu.memory_space<semaphore_mem>>
      %dma_start3A_69 = arith.constant 0 : i32
      %dma_start3A_70 = tpu.memref_slice %arg9[%add3A_14, %dma_start3A_69] : memref<10240x128xf32, #tpu.memory_space<vmem_shared>> -> memref<128x128xf32, #tpu.memory_space<vmem_shared>>
      %dma_start3A_71 = arith.constant 0 : i32
      %dma_start3A_72 = tpu.memref_slice %arg9[%add3A_14, %dma_start3A_71] : memref<10240x128xf32, #tpu.memory_space<vmem_shared>> -> memref<128x128xf32, #tpu.memory_space<vmem_shared>>
      tpu.enqueue_dma source(%arg8 : memref<128x128xf32, #tpu.memory_space<vmem>>) target(%dma_start3A_72 : memref<128x128xf32, #tpu.memory_space<vmem_shared>>) target_semaphore(%run_scoped3A : memref<!tpu.dma_semaphore, #tpu.memory_space<semaphore_mem>>)
      %dma_wait3A_73 = arith.constant 0 : i32
      %dma_wait3A_74 = tpu.memref_slice %arg9[%add3A_14, %dma_wait3A_73] : memref<10240x128xf32, #tpu.memory_space<vmem_shared>> -> memref<128x128xf32, #tpu.memory_space<vmem_shared>>
      %dma_wait3A_75 = arith.constant 0 : i32
      %dma_wait3A_76 = tpu.memref_slice %arg9[%add3A_14, %dma_wait3A_75] : memref<10240x128xf32, #tpu.memory_space<vmem_shared>> -> memref<128x128xf32, #tpu.memory_space<vmem_shared>>
      tpu.wait_dma2 semaphore(%run_scoped3A : memref<!tpu.dma_semaphore, #tpu.memory_space<semaphore_mem>>) src(%arg8 : memref<128x128xf32, #tpu.memory_space<vmem>>) dst(%dma_wait3A_76 : memref<128x128xf32, #tpu.memory_space<vmem_shared>>)
      tpu.yield
    }) : () -> ()
    %mul3A_15 = arith.constant 640 : i32
    %mul3A_16 = arith.muli %arg1, %mul3A_15 : i32
    %add3A_17 = arith.constant 256 : i32
    %add3A_18 = arith.addi %mul3A_16, %add3A_17 : i32
    "tpu.region"() ({
      %run_scoped3A = tpu.sem_alloc : memref<!tpu.dma_semaphore, #tpu.memory_space<semaphore_mem>>
      %dma_start3A_69 = arith.constant 0 : i32
      %dma_start3A_70 = tpu.memref_slice %arg9[%add3A_18, %dma_start3A_69] : memref<10240x128xf32, #tpu.memory_space<vmem_shared>> -> memref<128x128xf32, #tpu.memory_space<vmem_shared>>
      %dma_start3A_71 = arith.constant 0 : i32
      %dma_start3A_72 = tpu.memref_slice %arg9[%add3A_18, %dma_start3A_71] : memref<10240x128xf32, #tpu.memory_space<vmem_shared>> -> memref<128x128xf32, #tpu.memory_space<vmem_shared>>
      tpu.enqueue_dma source(%arg8 : memref<128x128xf32, #tpu.memory_space<vmem>>) target(%dma_start3A_72 : memref<128x128xf32, #tpu.memory_space<vmem_shared>>) target_semaphore(%run_scoped3A : memref<!tpu.dma_semaphore, #tpu.memory_space<semaphore_mem>>)
      %dma_wait3A_73 = arith.constant 0 : i32
      %dma_wait3A_74 = tpu.memref_slice %arg9[%add3A_18, %dma_wait3A_73] : memref<10240x128xf32, #tpu.memory_space<vmem_shared>> -> memref<128x128xf32, #tpu.memory_space<vmem_shared>>
      %dma_wait3A_75 = arith.constant 0 : i32
      %dma_wait3A_76 = tpu.memref_slice %arg9[%add3A_18, %dma_wait3A_75] : memref<10240x128xf32, #tpu.memory_space<vmem_shared>> -> memref<128x128xf32, #tpu.memory_space<vmem_shared>>
      tpu.wait_dma2 semaphore(%run_scoped3A : memref<!tpu.dma_semaphore, #tpu.memory_space<semaphore_mem>>) src(%arg8 : memref<128x128xf32, #tpu.memory_space<vmem>>) dst(%dma_wait3A_76 : memref<128x128xf32, #tpu.memory_space<vmem_shared>>)
      tpu.yield
    }) : () -> ()
    %mul3A_19 = arith.constant 640 : i32
    %mul3A_20 = arith.muli %arg1, %mul3A_19 : i32
    %add3A_21 = arith.constant 384 : i32
    %add3A_22 = arith.addi %mul3A_20, %add3A_21 : i32
    "tpu.region"() ({
      %run_scoped3A = tpu.sem_alloc : memref<!tpu.dma_semaphore, #tpu.memory_space<semaphore_mem>>
      %dma_start3A_69 = arith.constant 0 : i32
      %dma_start3A_70 = tpu.memref_slice %arg9[%add3A_22, %dma_start3A_69] : memref<10240x128xf32, #tpu.memory_space<vmem_shared>> -> memref<128x128xf32, #tpu.memory_space<vmem_shared>>
      %dma_start3A_71 = arith.constant 0 : i32
      %dma_start3A_72 = tpu.memref_slice %arg9[%add3A_22, %dma_start3A_71] : memref<10240x128xf32, #tpu.memory_space<vmem_shared>> -> memref<128x128xf32, #tpu.memory_space<vmem_shared>>
      tpu.enqueue_dma source(%arg8 : memref<128x128xf32, #tpu.memory_space<vmem>>) target(%dma_start3A_72 : memref<128x128xf32, #tpu.memory_space<vmem_shared>>) target_semaphore(%run_scoped3A : memref<!tpu.dma_semaphore, #tpu.memory_space<semaphore_mem>>)
      %dma_wait3A_73 = arith.constant 0 : i32
      %dma_wait3A_74 = tpu.memref_slice %arg9[%add3A_22, %dma_wait3A_73] : memref<10240x128xf32, #tpu.memory_space<vmem_shared>> -> memref<128x128xf32, #tpu.memory_space<vmem_shared>>
      %dma_wait3A_75 = arith.constant 0 : i32
      %dma_wait3A_76 = tpu.memref_slice %arg9[%add3A_22, %dma_wait3A_75] : memref<10240x128xf32, #tpu.memory_space<vmem_shared>> -> memref<128x128xf32, #tpu.memory_space<vmem_shared>>
      tpu.wait_dma2 semaphore(%run_scoped3A : memref<!tpu.dma_semaphore, #tpu.memory_space<semaphore_mem>>) src(%arg8 : memref<128x128xf32, #tpu.memory_space<vmem>>) dst(%dma_wait3A_76 : memref<128x128xf32, #tpu.memory_space<vmem_shared>>)
      tpu.yield
    }) : () -> ()
    %mul3A_23 = arith.constant 640 : i32
    %mul3A_24 = arith.muli %arg1, %mul3A_23 : i32
    %add3A_25 = arith.constant 512 : i32
    %add3A_26 = arith.addi %mul3A_24, %add3A_25 : i32
    "tpu.region"() ({
      %run_scoped3A = tpu.sem_alloc : memref<!tpu.dma_semaphore, #tpu.memory_space<semaphore_mem>>
      %dma_start3A_69 = arith.constant 0 : i32
      %dma_start3A_70 = tpu.memref_slice %arg9[%add3A_26, %dma_start3A_69] : memref<10240x128xf32, #tpu.memory_space<vmem_shared>> -> memref<128x128xf32, #tpu.memory_space<vmem_shared>>
      %dma_start3A_71 = arith.constant 0 : i32
      %dma_start3A_72 = tpu.memref_slice %arg9[%add3A_26, %dma_start3A_71] : memref<10240x128xf32, #tpu.memory_space<vmem_shared>> -> memref<128x128xf32, #tpu.memory_space<vmem_shared>>
      tpu.enqueue_dma source(%arg8 : memref<128x128xf32, #tpu.memory_space<vmem>>) target(%dma_start3A_72 : memref<128x128xf32, #tpu.memory_space<vmem_shared>>) target_semaphore(%run_scoped3A : memref<!tpu.dma_semaphore, #tpu.memory_space<semaphore_mem>>)
      %dma_wait3A_73 = arith.constant 0 : i32
      %dma_wait3A_74 = tpu.memref_slice %arg9[%add3A_26, %dma_wait3A_73] : memref<10240x128xf32, #tpu.memory_space<vmem_shared>> -> memref<128x128xf32, #tpu.memory_space<vmem_shared>>
      %dma_wait3A_75 = arith.constant 0 : i32
      %dma_wait3A_76 = tpu.memref_slice %arg9[%add3A_26, %dma_wait3A_75] : memref<10240x128xf32, #tpu.memory_space<vmem_shared>> -> memref<128x128xf32, #tpu.memory_space<vmem_shared>>
      tpu.wait_dma2 semaphore(%run_scoped3A : memref<!tpu.dma_semaphore, #tpu.memory_space<semaphore_mem>>) src(%arg8 : memref<128x128xf32, #tpu.memory_space<vmem>>) dst(%dma_wait3A_76 : memref<128x128xf32, #tpu.memory_space<vmem_shared>>)
      tpu.yield
    }) : () -> ()
    %dma_start3A = arith.constant 0 : i32
    %dma_start3A_27 = arith.constant 0 : i32
    %dma_start3A_28 = tpu.memref_slice %arg3[%add3A, %dma_start3A, %dma_start3A_27] : memref<32x79x128xi32, #tpu.memory_space<hbm>> -> memref<1x79x128xi32, #tpu.memory_space<hbm>>
    %dma_start3A_29 = tpu.memref_squeeze %dma_start3A_28 : memref<1x79x128xi32, #tpu.memory_space<hbm>> -> memref<79x128xi32, #tpu.memory_space<hbm>>
    %dma_start3A_30 = arith.constant 0 : i32
    %dma_start3A_31 = arith.constant 0 : i32
    %dma_start3A_32 = tpu.memref_slice %arg3[%add3A, %dma_start3A_30, %dma_start3A_31] : memref<32x79x128xi32, #tpu.memory_space<hbm>> -> memref<1x79x128xi32, #tpu.memory_space<hbm>>
    %dma_start3A_33 = tpu.memref_squeeze %dma_start3A_32 : memref<1x79x128xi32, #tpu.memory_space<hbm>> -> memref<79x128xi32, #tpu.memory_space<hbm>>
    tpu.enqueue_dma source(%dma_start3A_33 : memref<79x128xi32, #tpu.memory_space<hbm>>) target(%arg6 : memref<79x128xi32, #tpu.memory_space<vmem>>) target_semaphore(%arg10 : memref<!tpu.dma_semaphore, #tpu.memory_space<semaphore_mem>>)
    %dma_wait3A = arith.constant 0 : i32
    %dma_wait3A_34 = arith.constant 0 : i32
    %dma_wait3A_35 = tpu.memref_slice %arg3[%add3A, %dma_wait3A, %dma_wait3A_34] : memref<32x79x128xi32, #tpu.memory_space<hbm>> -> memref<1x79x128xi32, #tpu.memory_space<hbm>>
    %dma_wait3A_36 = tpu.memref_squeeze %dma_wait3A_35 : memref<1x79x128xi32, #tpu.memory_space<hbm>> -> memref<79x128xi32, #tpu.memory_space<hbm>>
    %dma_wait3A_37 = arith.constant 0 : i32
    %dma_wait3A_38 = arith.constant 0 : i32
    %dma_wait3A_39 = tpu.memref_slice %arg3[%add3A, %dma_wait3A_37, %dma_wait3A_38] : memref<32x79x128xi32, #tpu.memory_space<hbm>> -> memref<1x79x128xi32, #tpu.memory_space<hbm>>
    %dma_wait3A_40 = tpu.memref_squeeze %dma_wait3A_39 : memref<1x79x128xi32, #tpu.memory_space<hbm>> -> memref<79x128xi32, #tpu.memory_space<hbm>>
    tpu.wait_dma2 semaphore(%arg10 : memref<!tpu.dma_semaphore, #tpu.memory_space<semaphore_mem>>) src(%dma_wait3A_40 : memref<79x128xi32, #tpu.memory_space<hbm>>) dst(%arg6 : memref<79x128xi32, #tpu.memory_space<vmem>>)
    %dma_start3A_41 = arith.constant 0 : i32
    %dma_start3A_42 = arith.constant 0 : i32
    %dma_start3A_43 = tpu.memref_slice %arg4[%add3A, %dma_start3A_41, %dma_start3A_42] : memref<32x79x128xi32, #tpu.memory_space<hbm>> -> memref<1x79x128xi32, #tpu.memory_space<hbm>>
    %dma_start3A_44 = tpu.memref_squeeze %dma_start3A_43 : memref<1x79x128xi32, #tpu.memory_space<hbm>> -> memref<79x128xi32, #tpu.memory_space<hbm>>
    %dma_start3A_45 = arith.constant 0 : i32
    %dma_start3A_46 = arith.constant 0 : i32
    %dma_start3A_47 = tpu.memref_slice %arg4[%add3A, %dma_start3A_45, %dma_start3A_46] : memref<32x79x128xi32, #tpu.memory_space<hbm>> -> memref<1x79x128xi32, #tpu.memory_space<hbm>>
    %dma_start3A_48 = tpu.memref_squeeze %dma_start3A_47 : memref<1x79x128xi32, #tpu.memory_space<hbm>> -> memref<79x128xi32, #tpu.memory_space<hbm>>
    tpu.enqueue_dma source(%dma_start3A_48 : memref<79x128xi32, #tpu.memory_space<hbm>>) target(%arg7 : memref<79x128xi32, #tpu.memory_space<vmem>>) target_semaphore(%arg10 : memref<!tpu.dma_semaphore, #tpu.memory_space<semaphore_mem>>)
    %dma_wait3A_49 = arith.constant 0 : i32
    %dma_wait3A_50 = arith.constant 0 : i32
    %dma_wait3A_51 = tpu.memref_slice %arg4[%add3A, %dma_wait3A_49, %dma_wait3A_50] : memref<32x79x128xi32, #tpu.memory_space<hbm>> -> memref<1x79x128xi32, #tpu.memory_space<hbm>>
    %dma_wait3A_52 = tpu.memref_squeeze %dma_wait3A_51 : memref<1x79x128xi32, #tpu.memory_space<hbm>> -> memref<79x128xi32, #tpu.memory_space<hbm>>
    %dma_wait3A_53 = arith.constant 0 : i32
    %dma_wait3A_54 = arith.constant 0 : i32
    %dma_wait3A_55 = tpu.memref_slice %arg4[%add3A, %dma_wait3A_53, %dma_wait3A_54] : memref<32x79x128xi32, #tpu.memory_space<hbm>> -> memref<1x79x128xi32, #tpu.memory_space<hbm>>
    %dma_wait3A_56 = tpu.memref_squeeze %dma_wait3A_55 : memref<1x79x128xi32, #tpu.memory_space<hbm>> -> memref<79x128xi32, #tpu.memory_space<hbm>>
    tpu.wait_dma2 semaphore(%arg10 : memref<!tpu.dma_semaphore, #tpu.memory_space<semaphore_mem>>) src(%dma_wait3A_56 : memref<79x128xi32, #tpu.memory_space<hbm>>) dst(%arg7 : memref<79x128xi32, #tpu.memory_space<vmem>>)
    %barrier3A = arith.constant 0 : index
    tpu.barrier barrier_id(%barrier3A)
    %scan3A_57 = arith.constant 0 : i32
    %scan3A_58 = arith.constant 0 : i32
    %scan3A_59 = arith.constant 79 : i32
    %scan3A_60 = arith.addi %scan3A_58, %scan3A_59 : i32
    %scan3A_61 = arith.constant 1 : i32
    %scan3A_62 = scf.for %scan3A_69 = %scan3A_58 to %scan3A_60 step %scan3A_61 iter_args(%scan3A_70 = %scan3A_57) -> (i32)  : i32 {
      %dma_start3A_71 = arith.constant 0 : i32
      %dma_start3A_72 = tpu.memref_slice %arg6[%scan3A_69, %dma_start3A_71] : memref<79x128xi32, #tpu.memory_space<vmem>> -> memref<1x128xi32, #tpu.memory_space<vmem>>
      %dma_start3A_73 = tpu.memref_squeeze %dma_start3A_72 : memref<1x128xi32, #tpu.memory_space<vmem>> -> memref<128xi32, #tpu.memory_space<vmem>>
      %dma_start3A_74 = arith.constant 0 : i32
      %dma_start3A_75 = arith.constant 0 : i32
      %dma_start3A_76 = tpu.memref_slice %arg2[%dma_start3A_74, %dma_start3A_75] : memref<10000x128xf32, #tpu.memory_space<hbm>> -> memref<10000x128xf32, #tpu.memory_space<hbm>>
      tpu.enqueue_indirect_dma source(%dma_start3A_76 : memref<10000x128xf32, #tpu.memory_space<hbm>>) target(%arg8 : memref<128x128xf32, #tpu.memory_space<vmem>>) offsets(%dma_start3A_73 : memref<128xi32, #tpu.memory_space<vmem>>) semaphore(%arg10 : memref<!tpu.dma_semaphore, #tpu.memory_space<semaphore_mem>>)
      %dma_wait3A_77 = arith.constant 0 : i32
      %dma_wait3A_78 = tpu.memref_slice %arg6[%scan3A_69, %dma_wait3A_77] : memref<79x128xi32, #tpu.memory_space<vmem>> -> memref<1x128xi32, #tpu.memory_space<vmem>>
      %dma_wait3A_79 = tpu.memref_squeeze %dma_wait3A_78 : memref<1x128xi32, #tpu.memory_space<vmem>> -> memref<128xi32, #tpu.memory_space<vmem>>
      %dma_wait3A_80 = arith.constant 0 : i32
      %dma_wait3A_81 = arith.constant 0 : i32
      %dma_wait3A_82 = tpu.memref_slice %arg2[%dma_wait3A_80, %dma_wait3A_81] : memref<10000x128xf32, #tpu.memory_space<hbm>> -> memref<10000x128xf32, #tpu.memory_space<hbm>>
      tpu.wait_indirect_dma semaphore(%arg10 : memref<!tpu.dma_semaphore, #tpu.memory_space<semaphore_mem>>) src(%dma_wait3A_82 : memref<10000x128xf32, #tpu.memory_space<hbm>>) dst(%arg8 : memref<128x128xf32, #tpu.memory_space<vmem>>)
      "tpu.region"() ({
        %run_scoped3A = tpu.sem_alloc : memref<!tpu.dma_semaphore, #tpu.memory_space<semaphore_mem>>
        %dma_start3A_84 = arith.constant 0 : i32
        %dma_start3A_85 = tpu.memref_slice %arg7[%scan3A_69, %dma_start3A_84] : memref<79x128xi32, #tpu.memory_space<vmem>> -> memref<1x128xi32, #tpu.memory_space<vmem>>
        %dma_start3A_86 = tpu.memref_squeeze %dma_start3A_85 : memref<1x128xi32, #tpu.memory_space<vmem>> -> memref<128xi32, #tpu.memory_space<vmem>>
        %dma_start3A_87 = arith.constant 0 : i32
        %dma_start3A_88 = arith.constant 0 : i32
        %dma_start3A_89 = tpu.memref_slice %arg9[%dma_start3A_87, %dma_start3A_88] : memref<10240x128xf32, #tpu.memory_space<vmem_shared>> -> memref<10240x128xf32, #tpu.memory_space<vmem_shared>>
        tpu.enqueue_indirect_dma source(%arg8 : memref<128x128xf32, #tpu.memory_space<vmem>>) target(%dma_start3A_89 : memref<10240x128xf32, #tpu.memory_space<vmem_shared>>) offsets(%dma_start3A_86 : memref<128xi32, #tpu.memory_space<vmem>>) semaphore(%run_scoped3A : memref<!tpu.dma_semaphore, #tpu.memory_space<semaphore_mem>>) {add = true}
        %dma_wait3A_90 = arith.constant 0 : i32
        %dma_wait3A_91 = tpu.memref_slice %arg7[%scan3A_69, %dma_wait3A_90] : memref<79x128xi32, #tpu.memory_space<vmem>> -> memref<1x128xi32, #tpu.memory_space<vmem>>
        %dma_wait3A_92 = tpu.memref_squeeze %dma_wait3A_91 : memref<1x128xi32, #tpu.memory_space<vmem>> -> memref<128xi32, #tpu.memory_space<vmem>>
        %dma_wait3A_93 = arith.constant 0 : i32
        %dma_wait3A_94 = arith.constant 0 : i32
        %dma_wait3A_95 = tpu.memref_slice %arg9[%dma_wait3A_93, %dma_wait3A_94] : memref<10240x128xf32, #tpu.memory_space<vmem_shared>> -> memref<10240x128xf32, #tpu.memory_space<vmem_shared>>
        tpu.wait_indirect_dma semaphore(%run_scoped3A : memref<!tpu.dma_semaphore, #tpu.memory_space<semaphore_mem>>) src(%arg8 : memref<128x128xf32, #tpu.memory_space<vmem>>) dst(%dma_wait3A_95 : memref<10240x128xf32, #tpu.memory_space<vmem_shared>>)
        tpu.yield
      }) : () -> ()
      %scan3A_83 = arith.constant 0 : i32
      scf.yield %scan3A_83 : i32
    }
    %scan3A_63 = arith.constant 79 : i32
    %barrier3A_64 = arith.constant 0 : index
    tpu.barrier barrier_id(%barrier3A_64)
    %mul3A_65 = arith.constant 640 : i32
    %mul3A_66 = arith.muli %arg1, %mul3A_65 : i32
    %mul3A_67 = arith.constant 640 : i32
    %mul3A_68 = arith.muli %arg1, %mul3A_67 : i32
    "tpu.region"() ({
      %run_scoped3A = tpu.sem_alloc : memref<!tpu.dma_semaphore, #tpu.memory_space<semaphore_mem>>
      %dma_start3A_69 = arith.constant 0 : i32
      %dma_start3A_70 = tpu.memref_slice %arg5[%arg0, %mul3A_68, %dma_start3A_69] : memref<2x10240x128xf32, #tpu.memory_space<hbm>> -> memref<1x640x128xf32, #tpu.memory_space<hbm>>
      %dma_start3A_71 = tpu.memref_squeeze %dma_start3A_70 : memref<1x640x128xf32, #tpu.memory_space<hbm>> -> memref<640x128xf32, #tpu.memory_space<hbm>>
      %dma_start3A_72 = arith.constant 0 : i32
      %dma_start3A_73 = tpu.memref_slice %arg9[%mul3A_66, %dma_start3A_72] : memref<10240x128xf32, #tpu.memory_space<vmem_shared>> -> memref<640x128xf32, #tpu.memory_space<vmem_shared>>
      tpu.enqueue_dma source(%dma_start3A_73 : memref<640x128xf32, #tpu.memory_space<vmem_shared>>) target(%dma_start3A_71 : memref<640x128xf32, #tpu.memory_space<hbm>>) target_semaphore(%run_scoped3A : memref<!tpu.dma_semaphore, #tpu.memory_space<semaphore_mem>>)
      %dma_wait3A_74 = arith.constant 0 : i32
      %dma_wait3A_75 = tpu.memref_slice %arg5[%arg0, %mul3A_68, %dma_wait3A_74] : memref<2x10240x128xf32, #tpu.memory_space<hbm>> -> memref<1x640x128xf32, #tpu.memory_space<hbm>>
      %dma_wait3A_76 = tpu.memref_squeeze %dma_wait3A_75 : memref<1x640x128xf32, #tpu.memory_space<hbm>> -> memref<640x128xf32, #tpu.memory_space<hbm>>
      %dma_wait3A_77 = arith.constant 0 : i32
      %dma_wait3A_78 = tpu.memref_slice %arg9[%mul3A_66, %dma_wait3A_77] : memref<10240x128xf32, #tpu.memory_space<vmem_shared>> -> memref<640x128xf32, #tpu.memory_space<vmem_shared>>
      tpu.wait_dma2 semaphore(%run_scoped3A : memref<!tpu.dma_semaphore, #tpu.memory_space<semaphore_mem>>) src(%dma_wait3A_78 : memref<640x128xf32, #tpu.memory_space<vmem_shared>>) dst(%dma_wait3A_76 : memref<640x128xf32, #tpu.memory_space<hbm>>)
      tpu.yield
    }) : () -> ()
    return
  }
}

#map = affine_map<(d0, d1) -> (0, 0)>
#map1 = affine_map<(d0, d1) -> (0, 0, 0)>
module attributes {stable_mosaic.version = 14 : i64} {
  func.func @_conv_body(%arg0: i32, %arg1: i32, %arg2: memref<10000x128xf32, #tpu.memory_space<hbm>>, %arg3: memref<32x79x128xi32, #tpu.memory_space<hbm>>, %arg4: memref<32x79x128xi32, #tpu.memory_space<hbm>>, %arg5: memref<2x10240x128xf32, #tpu.memory_space<hbm>>, %arg6: memref<79x128xi32, #tpu.memory_space<vmem>>, %arg7: memref<79x128xi32, #tpu.memory_space<vmem>>, %arg8: memref<128x128xf32, #tpu.memory_space<vmem>>, %arg9: memref<10240x128xf32, #tpu.memory_space<vmem_shared>>, %arg10: memref<!tpu.dma_semaphore, #tpu.memory_space<semaphore_mem>>) attributes {dimension_semantics = [#tpu.dimension_semantics<core_parallel>, #tpu.dimension_semantics<subcore_parallel>], iteration_bounds = array<i64: 2, 16>, scalar_prefetch = 0 : i64, scratch_operands = 5 : i64, tpu.core_type = #tpu.core_type<sc_vector_subcore>, window_params = [{transform_indices = #map}, {transform_indices = #map1}, {transform_indices = #map1}, {transform_indices = #map1}]} {
    %mul3A = arith.constant 2 : i32
    %mul3A_0 = arith.muli %arg1, %mul3A : i32
    %add3A = arith.addi %mul3A_0, %arg0 : i32
    %scan3A = arith.constant 0 : i32
    %scan3A_1 = arith.constant 0 : i32
    %scan3A_2 = arith.constant 128 : i32
    %scan3A_3 = arith.addi %scan3A_1, %scan3A_2 : i32
    %scan3A_4 = arith.constant 1 : i32
    %scan3A_5 = scf.for %scan3A_69 = %scan3A_1 to %scan3A_3 step %scan3A_4 iter_args(%scan3A_70 = %scan3A) -> (i32)  : i32 {
      %broadcast_in_dim3A = arith.constant 0.000000e+00 : f32
      %broadcast_in_dim3A_71 = vector.broadcast %broadcast_in_dim3A : f32 to vector<16xf32>
      %swap3A = arith.index_cast %scan3A_69 : i32 to index
      %swap3A_72 = arith.constant 0 : index
      %swap3A_73 = tpu.vector_load %arg8[%swap3A, %swap3A_72] {strides = array<i32>} : memref<128x128xf32, #tpu.memory_space<vmem>>, vector<1x16xf32>,
      %swap3A_74 = vector.shape_cast %swap3A_73 : vector<1x16xf32> to vector<16xf32>
      %swap3A_75 = vector.shape_cast %broadcast_in_dim3A_71 : vector<16xf32> to vector<1x16xf32>
      tpu.vector_store %arg8[%swap3A, %swap3A_72], %swap3A_75 {strides = array<i32>} : memref<128x128xf32, #tpu.memory_space<vmem>>, vector<1x16xf32>,
      %broadcast_in_dim3A_76 = arith.constant 0.000000e+00 : f32
      %broadcast_in_dim3A_77 = vector.broadcast %broadcast_in_dim3A_76 : f32 to vector<16xf32>
      %swap3A_78 = arith.index_cast %scan3A_69 : i32 to index
      %swap3A_79 = arith.constant 16 : index
      %swap3A_80 = tpu.vector_load %arg8[%swap3A_78, %swap3A_79] {strides = array<i32>} : memref<128x128xf32, #tpu.memory_space<vmem>>, vector<1x16xf32>,
      %swap3A_81 = vector.shape_cast %swap3A_80 : vector<1x16xf32> to vector<16xf32>
      %swap3A_82 = vector.shape_cast %broadcast_in_dim3A_77 : vector<16xf32> to vector<1x16xf32>
      tpu.vector_store %arg8[%swap3A_78, %swap3A_79], %swap3A_82 {strides = array<i32>} : memref<128x128xf32, #tpu.memory_space<vmem>>, vector<1x16xf32>,
      %broadcast_in_dim3A_83 = arith.constant 0.000000e+00 : f32
      %broadcast_in_dim3A_84 = vector.broadcast %broadcast_in_dim3A_83 : f32 to vector<16xf32>
      %swap3A_85 = arith.index_cast %scan3A_69 : i32 to index
      %swap3A_86 = arith.constant 32 : index
      %swap3A_87 = tpu.vector_load %arg8[%swap3A_85, %swap3A_86] {strides = array<i32>} : memref<128x128xf32, #tpu.memory_space<vmem>>, vector<1x16xf32>,
      %swap3A_88 = vector.shape_cast %swap3A_87 : vector<1x16xf32> to vector<16xf32>
      %swap3A_89 = vector.shape_cast %broadcast_in_dim3A_84 : vector<16xf32> to vector<1x16xf32>
      tpu.vector_store %arg8[%swap3A_85, %swap3A_86], %swap3A_89 {strides = array<i32>} : memref<128x128xf32, #tpu.memory_space<vmem>>, vector<1x16xf32>,
      %broadcast_in_dim3A_90 = arith.constant 0.000000e+00 : f32
      %broadcast_in_dim3A_91 = vector.broadcast %broadcast_in_dim3A_90 : f32 to vector<16xf32>
      %swap3A_92 = arith.index_cast %scan3A_69 : i32 to index
      %swap3A_93 = arith.constant 48 : index
      %swap3A_94 = tpu.vector_load %arg8[%swap3A_92, %swap3A_93] {strides = array<i32>} : memref<128x128xf32, #tpu.memory_space<vmem>>, vector<1x16xf32>,
      %swap3A_95 = vector.shape_cast %swap3A_94 : vector<1x16xf32> to vector<16xf32>
      %swap3A_96 = vector.shape_cast %broadcast_in_dim3A_91 : vector<16xf32> to vector<1x16xf32>
      tpu.vector_store %arg8[%swap3A_92, %swap3A_93], %swap3A_96 {strides = array<i32>} : memref<128x128xf32, #tpu.memory_space<vmem>>, vector<1x16xf32>,
      %broadcast_in_dim3A_97 = arith.constant 0.000000e+00 : f32
      %broadcast_in_dim3A_98 = vector.broadcast %broadcast_in_dim3A_97 : f32 to vector<16xf32>
      %swap3A_99 = arith.index_cast %scan3A_69 : i32 to index
      %swap3A_100 = arith.constant 64 : index
      %swap3A_101 = tpu.vector_load %arg8[%swap3A_99, %swap3A_100] {strides = array<i32>} : memref<128x128xf32, #tpu.memory_space<vmem>>, vector<1x16xf32>,
      %swap3A_102 = vector.shape_cast %swap3A_101 : vector<1x16xf32> to vector<16xf32>
      %swap3A_103 = vector.shape_cast %broadcast_in_dim3A_98 : vector<16xf32> to vector<1x16xf32>
      tpu.vector_store %arg8[%swap3A_99, %swap3A_100], %swap3A_103 {strides = array<i32>} : memref<128x128xf32, #tpu.memory_space<vmem>>, vector<1x16xf32>,
      %broadcast_in_dim3A_104 = arith.constant 0.000000e+00 : f32
      %broadcast_in_dim3A_105 = vector.broadcast %broadcast_in_dim3A_104 : f32 to vector<16xf32>
      %swap3A_106 = arith.index_cast %scan3A_69 : i32 to index
      %swap3A_107 = arith.constant 80 : index
      %swap3A_108 = tpu.vector_load %arg8[%swap3A_106, %swap3A_107] {strides = array<i32>} : memref<128x128xf32, #tpu.memory_space<vmem>>, vector<1x16xf32>,
      %swap3A_109 = vector.shape_cast %swap3A_108 : vector<1x16xf32> to vector<16xf32>
      %swap3A_110 = vector.shape_cast %broadcast_in_dim3A_105 : vector<16xf32> to vector<1x16xf32>
      tpu.vector_store %arg8[%swap3A_106, %swap3A_107], %swap3A_110 {strides = array<i32>} : memref<128x128xf32, #tpu.memory_space<vmem>>, vector<1x16xf32>,
      %broadcast_in_dim3A_111 = arith.constant 0.000000e+00 : f32
      %broadcast_in_dim3A_112 = vector.broadcast %broadcast_in_dim3A_111 : f32 to vector<16xf32>
      %swap3A_113 = arith.index_cast %scan3A_69 : i32 to index
      %swap3A_114 = arith.constant 96 : index
      %swap3A_115 = tpu.vector_load %arg8[%swap3A_113, %swap3A_114] {strides = array<i32>} : memref<128x128xf32, #tpu.memory_space<vmem>>, vector<1x16xf32>,
      %swap3A_116 = vector.shape_cast %swap3A_115 : vector<1x16xf32> to vector<16xf32>
      %swap3A_117 = vector.shape_cast %broadcast_in_dim3A_112 : vector<16xf32> to vector<1x16xf32>
      tpu.vector_store %arg8[%swap3A_113, %swap3A_114], %swap3A_117 {strides = array<i32>} : memref<128x128xf32, #tpu.memory_space<vmem>>, vector<1x16xf32>,
      %broadcast_in_dim3A_118 = arith.constant 0.000000e+00 : f32
      %broadcast_in_dim3A_119 = vector.broadcast %broadcast_in_dim3A_118 : f32 to vector<16xf32>
      %swap3A_120 = arith.index_cast %scan3A_69 : i32 to index
      %swap3A_121 = arith.constant 112 : index
      %swap3A_122 = tpu.vector_load %arg8[%swap3A_120, %swap3A_121] {strides = array<i32>} : memref<128x128xf32, #tpu.memory_space<vmem>>, vector<1x16xf32>,
      %swap3A_123 = vector.shape_cast %swap3A_122 : vector<1x16xf32> to vector<16xf32>
      %swap3A_124 = vector.shape_cast %broadcast_in_dim3A_119 : vector<16xf32> to vector<1x16xf32>
      tpu.vector_store %arg8[%swap3A_120, %swap3A_121], %swap3A_124 {strides = array<i32>} : memref<128x128xf32, #tpu.memory_space<vmem>>, vector<1x16xf32>,
      %scan3A_125 = arith.constant 0 : i32
      scf.yield %scan3A_125 : i32
    }
    %scan3A_6 = arith.constant 128 : i32
    %mul3A_7 = arith.constant 640 : i32
    %mul3A_8 = arith.muli %arg1, %mul3A_7 : i32
    %add3A_9 = arith.constant 0 : i32
    %add3A_10 = arith.addi %mul3A_8, %add3A_9 : i32
    "tpu.region"() ({
      %run_scoped3A = tpu.sem_alloc : memref<!tpu.dma_semaphore, #tpu.memory_space<semaphore_mem>>
      %dma_start3A_69 = arith.constant 0 : i32
      %dma_start3A_70 = tpu.memref_slice %arg9[%add3A_10, %dma_start3A_69] : memref<10240x128xf32, #tpu.memory_space<vmem_shared>> -> memref<128x128xf32, #tpu.memory_space<vmem_shared>>
      %dma_start3A_71 = arith.constant 0 : i32
      %dma_start3A_72 = tpu.memref_slice %arg9[%add3A_10, %dma_start3A_71] : memref<10240x128xf32, #tpu.memory_space<vmem_shared>> -> memref<128x128xf32, #tpu.memory_space<vmem_shared>>
      tpu.enqueue_dma source(%arg8 : memref<128x128xf32, #tpu.memory_space<vmem>>) target(%dma_start3A_72 : memref<128x128xf32, #tpu.memory_space<vmem_shared>>) target_semaphore(%run_scoped3A : memref<!tpu.dma_semaphore, #tpu.memory_space<semaphore_mem>>)
      %dma_wait3A_73 = arith.constant 0 : i32
      %dma_wait3A_74 = tpu.memref_slice %arg9[%add3A_10, %dma_wait3A_73] : memref<10240x128xf32, #tpu.memory_space<vmem_shared>> -> memref<128x128xf32, #tpu.memory_space<vmem_shared>>
      %dma_wait3A_75 = arith.constant 0 : i32
      %dma_wait3A_76 = tpu.memref_slice %arg9[%add3A_10, %dma_wait3A_75] : memref<10240x128xf32, #tpu.memory_space<vmem_shared>> -> memref<128x128xf32, #tpu.memory_space<vmem_shared>>
      tpu.wait_dma2 semaphore(%run_scoped3A : memref<!tpu.dma_semaphore, #tpu.memory_space<semaphore_mem>>) src(%arg8 : memref<128x128xf32, #tpu.memory_space<vmem>>) dst(%dma_wait3A_76 : memref<128x128xf32, #tpu.memory_space<vmem_shared>>)
      tpu.yield
    }) : () -> ()
    %mul3A_11 = arith.constant 640 : i32
    %mul3A_12 = arith.muli %arg1, %mul3A_11 : i32
    %add3A_13 = arith.constant 128 : i32
    %add3A_14 = arith.addi %mul3A_12, %add3A_13 : i32
    "tpu.region"() ({
      %run_scoped3A = tpu.sem_alloc : memref<!tpu.dma_semaphore, #tpu.memory_space<semaphore_mem>>
      %dma_start3A_69 = arith.constant 0 : i32
      %dma_start3A_70 = tpu.memref_slice %arg9[%add3A_14, %dma_start3A_69] : memref<10240x128xf32, #tpu.memory_space<vmem_shared>> -> memref<128x128xf32, #tpu.memory_space<vmem_shared>>
      %dma_start3A_71 = arith.constant 0 : i32
      %dma_start3A_72 = tpu.memref_slice %arg9[%add3A_14, %dma_start3A_71] : memref<10240x128xf32, #tpu.memory_space<vmem_shared>> -> memref<128x128xf32, #tpu.memory_space<vmem_shared>>
      tpu.enqueue_dma source(%arg8 : memref<128x128xf32, #tpu.memory_space<vmem>>) target(%dma_start3A_72 : memref<128x128xf32, #tpu.memory_space<vmem_shared>>) target_semaphore(%run_scoped3A : memref<!tpu.dma_semaphore, #tpu.memory_space<semaphore_mem>>)
      %dma_wait3A_73 = arith.constant 0 : i32
      %dma_wait3A_74 = tpu.memref_slice %arg9[%add3A_14, %dma_wait3A_73] : memref<10240x128xf32, #tpu.memory_space<vmem_shared>> -> memref<128x128xf32, #tpu.memory_space<vmem_shared>>
      %dma_wait3A_75 = arith.constant 0 : i32
      %dma_wait3A_76 = tpu.memref_slice %arg9[%add3A_14, %dma_wait3A_75] : memref<10240x128xf32, #tpu.memory_space<vmem_shared>> -> memref<128x128xf32, #tpu.memory_space<vmem_shared>>
      tpu.wait_dma2 semaphore(%run_scoped3A : memref<!tpu.dma_semaphore, #tpu.memory_space<semaphore_mem>>) src(%arg8 : memref<128x128xf32, #tpu.memory_space<vmem>>) dst(%dma_wait3A_76 : memref<128x128xf32, #tpu.memory_space<vmem_shared>>)
      tpu.yield
    }) : () -> ()
    %mul3A_15 = arith.constant 640 : i32
    %mul3A_16 = arith.muli %arg1, %mul3A_15 : i32
    %add3A_17 = arith.constant 256 : i32
    %add3A_18 = arith.addi %mul3A_16, %add3A_17 : i32
    "tpu.region"() ({
      %run_scoped3A = tpu.sem_alloc : memref<!tpu.dma_semaphore, #tpu.memory_space<semaphore_mem>>
      %dma_start3A_69 = arith.constant 0 : i32
      %dma_start3A_70 = tpu.memref_slice %arg9[%add3A_18, %dma_start3A_69] : memref<10240x128xf32, #tpu.memory_space<vmem_shared>> -> memref<128x128xf32, #tpu.memory_space<vmem_shared>>
      %dma_start3A_71 = arith.constant 0 : i32
      %dma_start3A_72 = tpu.memref_slice %arg9[%add3A_18, %dma_start3A_71] : memref<10240x128xf32, #tpu.memory_space<vmem_shared>> -> memref<128x128xf32, #tpu.memory_space<vmem_shared>>
      tpu.enqueue_dma source(%arg8 : memref<128x128xf32, #tpu.memory_space<vmem>>) target(%dma_start3A_72 : memref<128x128xf32, #tpu.memory_space<vmem_shared>>) target_semaphore(%run_scoped3A : memref<!tpu.dma_semaphore, #tpu.memory_space<semaphore_mem>>)
      %dma_wait3A_73 = arith.constant 0 : i32
      %dma_wait3A_74 = tpu.memref_slice %arg9[%add3A_18, %dma_wait3A_73] : memref<10240x128xf32, #tpu.memory_space<vmem_shared>> -> memref<128x128xf32, #tpu.memory_space<vmem_shared>>
      %dma_wait3A_75 = arith.constant 0 : i32
      %dma_wait3A_76 = tpu.memref_slice %arg9[%add3A_18, %dma_wait3A_75] : memref<10240x128xf32, #tpu.memory_space<vmem_shared>> -> memref<128x128xf32, #tpu.memory_space<vmem_shared>>
      tpu.wait_dma2 semaphore(%run_scoped3A : memref<!tpu.dma_semaphore, #tpu.memory_space<semaphore_mem>>) src(%arg8 : memref<128x128xf32, #tpu.memory_space<vmem>>) dst(%dma_wait3A_76 : memref<128x128xf32, #tpu.memory_space<vmem_shared>>)
      tpu.yield
    }) : () -> ()
    %mul3A_19 = arith.constant 640 : i32
    %mul3A_20 = arith.muli %arg1, %mul3A_19 : i32
    %add3A_21 = arith.constant 384 : i32
    %add3A_22 = arith.addi %mul3A_20, %add3A_21 : i32
    "tpu.region"() ({
      %run_scoped3A = tpu.sem_alloc : memref<!tpu.dma_semaphore, #tpu.memory_space<semaphore_mem>>
      %dma_start3A_69 = arith.constant 0 : i32
      %dma_start3A_70 = tpu.memref_slice %arg9[%add3A_22, %dma_start3A_69] : memref<10240x128xf32, #tpu.memory_space<vmem_shared>> -> memref<128x128xf32, #tpu.memory_space<vmem_shared>>
      %dma_start3A_71 = arith.constant 0 : i32
      %dma_start3A_72 = tpu.memref_slice %arg9[%add3A_22, %dma_start3A_71] : memref<10240x128xf32, #tpu.memory_space<vmem_shared>> -> memref<128x128xf32, #tpu.memory_space<vmem_shared>>
      tpu.enqueue_dma source(%arg8 : memref<128x128xf32, #tpu.memory_space<vmem>>) target(%dma_start3A_72 : memref<128x128xf32, #tpu.memory_space<vmem_shared>>) target_semaphore(%run_scoped3A : memref<!tpu.dma_semaphore, #tpu.memory_space<semaphore_mem>>)
      %dma_wait3A_73 = arith.constant 0 : i32
      %dma_wait3A_74 = tpu.memref_slice %arg9[%add3A_22, %dma_wait3A_73] : memref<10240x128xf32, #tpu.memory_space<vmem_shared>> -> memref<128x128xf32, #tpu.memory_space<vmem_shared>>
      %dma_wait3A_75 = arith.constant 0 : i32
      %dma_wait3A_76 = tpu.memref_slice %arg9[%add3A_22, %dma_wait3A_75] : memref<10240x128xf32, #tpu.memory_space<vmem_shared>> -> memref<128x128xf32, #tpu.memory_space<vmem_shared>>
      tpu.wait_dma2 semaphore(%run_scoped3A : memref<!tpu.dma_semaphore, #tpu.memory_space<semaphore_mem>>) src(%arg8 : memref<128x128xf32, #tpu.memory_space<vmem>>) dst(%dma_wait3A_76 : memref<128x128xf32, #tpu.memory_space<vmem_shared>>)
      tpu.yield
    }) : () -> ()
    %mul3A_23 = arith.constant 640 : i32
    %mul3A_24 = arith.muli %arg1, %mul3A_23 : i32
    %add3A_25 = arith.constant 512 : i32
    %add3A_26 = arith.addi %mul3A_24, %add3A_25 : i32
    "tpu.region"() ({
      %run_scoped3A = tpu.sem_alloc : memref<!tpu.dma_semaphore, #tpu.memory_space<semaphore_mem>>
      %dma_start3A_69 = arith.constant 0 : i32
      %dma_start3A_70 = tpu.memref_slice %arg9[%add3A_26, %dma_start3A_69] : memref<10240x128xf32, #tpu.memory_space<vmem_shared>> -> memref<128x128xf32, #tpu.memory_space<vmem_shared>>
      %dma_start3A_71 = arith.constant 0 : i32
      %dma_start3A_72 = tpu.memref_slice %arg9[%add3A_26, %dma_start3A_71] : memref<10240x128xf32, #tpu.memory_space<vmem_shared>> -> memref<128x128xf32, #tpu.memory_space<vmem_shared>>
      tpu.enqueue_dma source(%arg8 : memref<128x128xf32, #tpu.memory_space<vmem>>) target(%dma_start3A_72 : memref<128x128xf32, #tpu.memory_space<vmem_shared>>) target_semaphore(%run_scoped3A : memref<!tpu.dma_semaphore, #tpu.memory_space<semaphore_mem>>)
      %dma_wait3A_73 = arith.constant 0 : i32
      %dma_wait3A_74 = tpu.memref_slice %arg9[%add3A_26, %dma_wait3A_73] : memref<10240x128xf32, #tpu.memory_space<vmem_shared>> -> memref<128x128xf32, #tpu.memory_space<vmem_shared>>
      %dma_wait3A_75 = arith.constant 0 : i32
      %dma_wait3A_76 = tpu.memref_slice %arg9[%add3A_26, %dma_wait3A_75] : memref<10240x128xf32, #tpu.memory_space<vmem_shared>> -> memref<128x128xf32, #tpu.memory_space<vmem_shared>>
      tpu.wait_dma2 semaphore(%run_scoped3A : memref<!tpu.dma_semaphore, #tpu.memory_space<semaphore_mem>>) src(%arg8 : memref<128x128xf32, #tpu.memory_space<vmem>>) dst(%dma_wait3A_76 : memref<128x128xf32, #tpu.memory_space<vmem_shared>>)
      tpu.yield
    }) : () -> ()
    %dma_start3A = arith.constant 0 : i32
    %dma_start3A_27 = arith.constant 0 : i32
    %dma_start3A_28 = tpu.memref_slice %arg3[%add3A, %dma_start3A, %dma_start3A_27] : memref<32x79x128xi32, #tpu.memory_space<hbm>> -> memref<1x79x128xi32, #tpu.memory_space<hbm>>
    %dma_start3A_29 = tpu.memref_squeeze %dma_start3A_28 : memref<1x79x128xi32, #tpu.memory_space<hbm>> -> memref<79x128xi32, #tpu.memory_space<hbm>>
    %dma_start3A_30 = arith.constant 0 : i32
    %dma_start3A_31 = arith.constant 0 : i32
    %dma_start3A_32 = tpu.memref_slice %arg3[%add3A, %dma_start3A_30, %dma_start3A_31] : memref<32x79x128xi32, #tpu.memory_space<hbm>> -> memref<1x79x128xi32, #tpu.memory_space<hbm>>
    %dma_start3A_33 = tpu.memref_squeeze %dma_start3A_32 : memref<1x79x128xi32, #tpu.memory_space<hbm>> -> memref<79x128xi32, #tpu.memory_space<hbm>>
    tpu.enqueue_dma source(%dma_start3A_33 : memref<79x128xi32, #tpu.memory_space<hbm>>) target(%arg6 : memref<79x128xi32, #tpu.memory_space<vmem>>) target_semaphore(%arg10 : memref<!tpu.dma_semaphore, #tpu.memory_space<semaphore_mem>>)
    %dma_wait3A = arith.constant 0 : i32
    %dma_wait3A_34 = arith.constant 0 : i32
    %dma_wait3A_35 = tpu.memref_slice %arg3[%add3A, %dma_wait3A, %dma_wait3A_34] : memref<32x79x128xi32, #tpu.memory_space<hbm>> -> memref<1x79x128xi32, #tpu.memory_space<hbm>>
    %dma_wait3A_36 = tpu.memref_squeeze %dma_wait3A_35 : memref<1x79x128xi32, #tpu.memory_space<hbm>> -> memref<79x128xi32, #tpu.memory_space<hbm>>
    %dma_wait3A_37 = arith.constant 0 : i32
    %dma_wait3A_38 = arith.constant 0 : i32
    %dma_wait3A_39 = tpu.memref_slice %arg3[%add3A, %dma_wait3A_37, %dma_wait3A_38] : memref<32x79x128xi32, #tpu.memory_space<hbm>> -> memref<1x79x128xi32, #tpu.memory_space<hbm>>
    %dma_wait3A_40 = tpu.memref_squeeze %dma_wait3A_39 : memref<1x79x128xi32, #tpu.memory_space<hbm>> -> memref<79x128xi32, #tpu.memory_space<hbm>>
    tpu.wait_dma2 semaphore(%arg10 : memref<!tpu.dma_semaphore, #tpu.memory_space<semaphore_mem>>) src(%dma_wait3A_40 : memref<79x128xi32, #tpu.memory_space<hbm>>) dst(%arg6 : memref<79x128xi32, #tpu.memory_space<vmem>>)
    %dma_start3A_41 = arith.constant 0 : i32
    %dma_start3A_42 = arith.constant 0 : i32
    %dma_start3A_43 = tpu.memref_slice %arg4[%add3A, %dma_start3A_41, %dma_start3A_42] : memref<32x79x128xi32, #tpu.memory_space<hbm>> -> memref<1x79x128xi32, #tpu.memory_space<hbm>>
    %dma_start3A_44 = tpu.memref_squeeze %dma_start3A_43 : memref<1x79x128xi32, #tpu.memory_space<hbm>> -> memref<79x128xi32, #tpu.memory_space<hbm>>
    %dma_start3A_45 = arith.constant 0 : i32
    %dma_start3A_46 = arith.constant 0 : i32
    %dma_start3A_47 = tpu.memref_slice %arg4[%add3A, %dma_start3A_45, %dma_start3A_46] : memref<32x79x128xi32, #tpu.memory_space<hbm>> -> memref<1x79x128xi32, #tpu.memory_space<hbm>>
    %dma_start3A_48 = tpu.memref_squeeze %dma_start3A_47 : memref<1x79x128xi32, #tpu.memory_space<hbm>> -> memref<79x128xi32, #tpu.memory_space<hbm>>
    tpu.enqueue_dma source(%dma_start3A_48 : memref<79x128xi32, #tpu.memory_space<hbm>>) target(%arg7 : memref<79x128xi32, #tpu.memory_space<vmem>>) target_semaphore(%arg10 : memref<!tpu.dma_semaphore, #tpu.memory_space<semaphore_mem>>)
    %dma_wait3A_49 = arith.constant 0 : i32
    %dma_wait3A_50 = arith.constant 0 : i32
    %dma_wait3A_51 = tpu.memref_slice %arg4[%add3A, %dma_wait3A_49, %dma_wait3A_50] : memref<32x79x128xi32, #tpu.memory_space<hbm>> -> memref<1x79x128xi32, #tpu.memory_space<hbm>>
    %dma_wait3A_52 = tpu.memref_squeeze %dma_wait3A_51 : memref<1x79x128xi32, #tpu.memory_space<hbm>> -> memref<79x128xi32, #tpu.memory_space<hbm>>
    %dma_wait3A_53 = arith.constant 0 : i32
    %dma_wait3A_54 = arith.constant 0 : i32
    %dma_wait3A_55 = tpu.memref_slice %arg4[%add3A, %dma_wait3A_53, %dma_wait3A_54] : memref<32x79x128xi32, #tpu.memory_space<hbm>> -> memref<1x79x128xi32, #tpu.memory_space<hbm>>
    %dma_wait3A_56 = tpu.memref_squeeze %dma_wait3A_55 : memref<1x79x128xi32, #tpu.memory_space<hbm>> -> memref<79x128xi32, #tpu.memory_space<hbm>>
    tpu.wait_dma2 semaphore(%arg10 : memref<!tpu.dma_semaphore, #tpu.memory_space<semaphore_mem>>) src(%dma_wait3A_56 : memref<79x128xi32, #tpu.memory_space<hbm>>) dst(%arg7 : memref<79x128xi32, #tpu.memory_space<vmem>>)
    %barrier3A = arith.constant 0 : index
    tpu.barrier barrier_id(%barrier3A)
    %scan3A_57 = arith.constant 0 : i32
    %scan3A_58 = arith.constant 0 : i32
    %scan3A_59 = arith.constant 79 : i32
    %scan3A_60 = arith.addi %scan3A_58, %scan3A_59 : i32
    %scan3A_61 = arith.constant 1 : i32
    %scan3A_62 = scf.for %scan3A_69 = %scan3A_58 to %scan3A_60 step %scan3A_61 iter_args(%scan3A_70 = %scan3A_57) -> (i32)  : i32 {
      %dma_start3A_71 = arith.constant 0 : i32
      %dma_start3A_72 = tpu.memref_slice %arg6[%scan3A_69, %dma_start3A_71] : memref<79x128xi32, #tpu.memory_space<vmem>> -> memref<1x128xi32, #tpu.memory_space<vmem>>
      %dma_start3A_73 = tpu.memref_squeeze %dma_start3A_72 : memref<1x128xi32, #tpu.memory_space<vmem>> -> memref<128xi32, #tpu.memory_space<vmem>>
      %dma_start3A_74 = arith.constant 0 : i32
      %dma_start3A_75 = arith.constant 0 : i32
      %dma_start3A_76 = tpu.memref_slice %arg2[%dma_start3A_74, %dma_start3A_75] : memref<10000x128xf32, #tpu.memory_space<hbm>> -> memref<10000x128xf32, #tpu.memory_space<hbm>>
      tpu.enqueue_indirect_dma source(%dma_start3A_76 : memref<10000x128xf32, #tpu.memory_space<hbm>>) target(%arg8 : memref<128x128xf32, #tpu.memory_space<vmem>>) offsets(%dma_start3A_73 : memref<128xi32, #tpu.memory_space<vmem>>) semaphore(%arg10 : memref<!tpu.dma_semaphore, #tpu.memory_space<semaphore_mem>>)
      %dma_wait3A_77 = arith.constant 0 : i32
      %dma_wait3A_78 = tpu.memref_slice %arg6[%scan3A_69, %dma_wait3A_77] : memref<79x128xi32, #tpu.memory_space<vmem>> -> memref<1x128xi32, #tpu.memory_space<vmem>>
      %dma_wait3A_79 = tpu.memref_squeeze %dma_wait3A_78 : memref<1x128xi32, #tpu.memory_space<vmem>> -> memref<128xi32, #tpu.memory_space<vmem>>
      %dma_wait3A_80 = arith.constant 0 : i32
      %dma_wait3A_81 = arith.constant 0 : i32
      %dma_wait3A_82 = tpu.memref_slice %arg2[%dma_wait3A_80, %dma_wait3A_81] : memref<10000x128xf32, #tpu.memory_space<hbm>> -> memref<10000x128xf32, #tpu.memory_space<hbm>>
      tpu.wait_indirect_dma semaphore(%arg10 : memref<!tpu.dma_semaphore, #tpu.memory_space<semaphore_mem>>) src(%dma_wait3A_82 : memref<10000x128xf32, #tpu.memory_space<hbm>>) dst(%arg8 : memref<128x128xf32, #tpu.memory_space<vmem>>)
      "tpu.region"() ({
        %run_scoped3A = tpu.sem_alloc : memref<!tpu.dma_semaphore, #tpu.memory_space<semaphore_mem>>
        %dma_start3A_84 = arith.constant 0 : i32
        %dma_start3A_85 = tpu.memref_slice %arg7[%scan3A_69, %dma_start3A_84] : memref<79x128xi32, #tpu.memory_space<vmem>> -> memref<1x128xi32, #tpu.memory_space<vmem>>
        %dma_start3A_86 = tpu.memref_squeeze %dma_start3A_85 : memref<1x128xi32, #tpu.memory_space<vmem>> -> memref<128xi32, #tpu.memory_space<vmem>>
        %dma_start3A_87 = arith.constant 0 : i32
        %dma_start3A_88 = arith.constant 0 : i32
        %dma_start3A_89 = tpu.memref_slice %arg9[%dma_start3A_87, %dma_start3A_88] : memref<10240x128xf32, #tpu.memory_space<vmem_shared>> -> memref<10240x128xf32, #tpu.memory_space<vmem_shared>>
        tpu.enqueue_indirect_dma source(%arg8 : memref<128x128xf32, #tpu.memory_space<vmem>>) target(%dma_start3A_89 : memref<10240x128xf32, #tpu.memory_space<vmem_shared>>) offsets(%dma_start3A_86 : memref<128xi32, #tpu.memory_space<vmem>>) semaphore(%run_scoped3A : memref<!tpu.dma_semaphore, #tpu.memory_space<semaphore_mem>>) {add = true}
        %dma_wait3A_90 = arith.constant 0 : i32
        %dma_wait3A_91 = tpu.memref_slice %arg7[%scan3A_69, %dma_wait3A_90] : memref<79x128xi32, #tpu.memory_space<vmem>> -> memref<1x128xi32, #tpu.memory_space<vmem>>
        %dma_wait3A_92 = tpu.memref_squeeze %dma_wait3A_91 : memref<1x128xi32, #tpu.memory_space<vmem>> -> memref<128xi32, #tpu.memory_space<vmem>>
        %dma_wait3A_93 = arith.constant 0 : i32
        %dma_wait3A_94 = arith.constant 0 : i32
        %dma_wait3A_95 = tpu.memref_slice %arg9[%dma_wait3A_93, %dma_wait3A_94] : memref<10240x128xf32, #tpu.memory_space<vmem_shared>> -> memref<10240x128xf32, #tpu.memory_space<vmem_shared>>
        tpu.wait_indirect_dma semaphore(%run_scoped3A : memref<!tpu.dma_semaphore, #tpu.memory_space<semaphore_mem>>) src(%arg8 : memref<128x128xf32, #tpu.memory_space<vmem>>) dst(%dma_wait3A_95 : memref<10240x128xf32, #tpu.memory_space<vmem_shared>>)
        tpu.yield
      }) : () -> ()
      %scan3A_83 = arith.constant 0 : i32
      scf.yield %scan3A_83 : i32
    }
    %scan3A_63 = arith.constant 79 : i32
    %barrier3A_64 = arith.constant 0 : index
    tpu.barrier barrier_id(%barrier3A_64)
    %mul3A_65 = arith.constant 640 : i32
    %mul3A_66 = arith.muli %arg1, %mul3A_65 : i32
    %mul3A_67 = arith.constant 640 : i32
    %mul3A_68 = arith.muli %arg1, %mul3A_67 : i32
    "tpu.region"() ({
      %run_scoped3A = tpu.sem_alloc : memref<!tpu.dma_semaphore, #tpu.memory_space<semaphore_mem>>
      %dma_start3A_69 = arith.constant 0 : i32
      %dma_start3A_70 = tpu.memref_slice %arg5[%arg0, %mul3A_68, %dma_start3A_69] : memref<2x10240x128xf32, #tpu.memory_space<hbm>> -> memref<1x640x128xf32, #tpu.memory_space<hbm>>
      %dma_start3A_71 = tpu.memref_squeeze %dma_start3A_70 : memref<1x640x128xf32, #tpu.memory_space<hbm>> -> memref<640x128xf32, #tpu.memory_space<hbm>>
      %dma_start3A_72 = arith.constant 0 : i32
      %dma_start3A_73 = tpu.memref_slice %arg9[%mul3A_66, %dma_start3A_72] : memref<10240x128xf32, #tpu.memory_space<vmem_shared>> -> memref<640x128xf32, #tpu.memory_space<vmem_shared>>
      tpu.enqueue_dma source(%dma_start3A_73 : memref<640x128xf32, #tpu.memory_space<vmem_shared>>) target(%dma_start3A_71 : memref<640x128xf32, #tpu.memory_space<hbm>>) target_semaphore(%run_scoped3A : memref<!tpu.dma_semaphore, #tpu.memory_space<semaphore_mem>>)
      %dma_wait3A_74 = arith.constant 0 : i32
      %dma_wait3A_75 = tpu.memref_slice %arg5[%arg0, %mul3A_68, %dma_wait3A_74] : memref<2x10240x128xf32, #tpu.memory_space<hbm>> -> memref<1x640x128xf32, #tpu.memory_space<hbm>>
      %dma_wait3A_76 = tpu.memref_squeeze %dma_wait3A_75 : memref<1x640x128xf32, #tpu.memory_space<hbm>> -> memref<640x128xf32, #tpu.memory_space<hbm>>
      %dma_wait3A_77 = arith.constant 0 : i32
      %dma_wait3A_78 = tpu.memref_slice %arg9[%mul3A_66, %dma_wait3A_77] : memref<10240x128xf32, #tpu.memory_space<vmem_shared>> -> memref<640x128xf32, #tpu.memory_space<vmem_shared>>
      tpu.wait_dma2 semaphore(%run_scoped3A : memref<!tpu.dma_semaphore, #tpu.memory_space<semaphore_mem>>) src(%dma_wait3A_78 : memref<640x128xf32, #tpu.memory_space<vmem_shared>>) dst(%dma_wait3A_76 : memref<640x128xf32, #tpu.memory_space<hbm>>)
      tpu.yield
    }) : () -> ()
    return
  }
}

#map = affine_map<(d0, d1) -> (0, 0)>
#map1 = affine_map<(d0, d1) -> (0, 0, 0)>
module attributes {stable_mosaic.version = 14 : i64} {
  func.func @_conv_body(%arg0: i32, %arg1: i32, %arg2: memref<10000x128xf32, #tpu.memory_space<hbm>>, %arg3: memref<32x79x128xi32, #tpu.memory_space<hbm>>, %arg4: memref<32x79x128xi32, #tpu.memory_space<hbm>>, %arg5: memref<2x10240x128xf32, #tpu.memory_space<hbm>>, %arg6: memref<79x128xi32, #tpu.memory_space<vmem>>, %arg7: memref<79x128xi32, #tpu.memory_space<vmem>>, %arg8: memref<128x128xf32, #tpu.memory_space<vmem>>, %arg9: memref<10240x128xf32, #tpu.memory_space<vmem_shared>>, %arg10: memref<!tpu.dma_semaphore, #tpu.memory_space<semaphore_mem>>) attributes {dimension_semantics = [#tpu.dimension_semantics<core_parallel>, #tpu.dimension_semantics<subcore_parallel>], iteration_bounds = array<i64: 2, 16>, scalar_prefetch = 0 : i64, scratch_operands = 5 : i64, tpu.core_type = #tpu.core_type<sc_vector_subcore>, window_params = [{transform_indices = #map}, {transform_indices = #map1}, {transform_indices = #map1}, {transform_indices = #map1}]} {
    %mul3A = arith.constant 2 : i32
    %mul3A_0 = arith.muli %arg1, %mul3A : i32
    %add3A = arith.addi %mul3A_0, %arg0 : i32
    %scan3A = arith.constant 0 : i32
    %scan3A_1 = arith.constant 0 : i32
    %scan3A_2 = arith.constant 128 : i32
    %scan3A_3 = arith.addi %scan3A_1, %scan3A_2 : i32
    %scan3A_4 = arith.constant 1 : i32
    %scan3A_5 = scf.for %scan3A_69 = %scan3A_1 to %scan3A_3 step %scan3A_4 iter_args(%scan3A_70 = %scan3A) -> (i32)  : i32 {
      %broadcast_in_dim3A = arith.constant 0.000000e+00 : f32
      %broadcast_in_dim3A_71 = vector.broadcast %broadcast_in_dim3A : f32 to vector<16xf32>
      %swap3A = arith.index_cast %scan3A_69 : i32 to index
      %swap3A_72 = arith.constant 0 : index
      %swap3A_73 = tpu.vector_load %arg8[%swap3A, %swap3A_72] {strides = array<i32>} : memref<128x128xf32, #tpu.memory_space<vmem>>, vector<1x16xf32>,
      %swap3A_74 = vector.shape_cast %swap3A_73 : vector<1x16xf32> to vector<16xf32>
      %swap3A_75 = vector.shape_cast %broadcast_in_dim3A_71 : vector<16xf32> to vector<1x16xf32>
      tpu.vector_store %arg8[%swap3A, %swap3A_72], %swap3A_75 {strides = array<i32>} : memref<128x128xf32, #tpu.memory_space<vmem>>, vector<1x16xf32>,
      %broadcast_in_dim3A_76 = arith.constant 0.000000e+00 : f32
      %broadcast_in_dim3A_77 = vector.broadcast %broadcast_in_dim3A_76 : f32 to vector<16xf32>
      %swap3A_78 = arith.index_cast %scan3A_69 : i32 to index
      %swap3A_79 = arith.constant 16 : index
      %swap3A_80 = tpu.vector_load %arg8[%swap3A_78, %swap3A_79] {strides = array<i32>} : memref<128x128xf32, #tpu.memory_space<vmem>>, vector<1x16xf32>,
      %swap3A_81 = vector.shape_cast %swap3A_80 : vector<1x16xf32> to vector<16xf32>
      %swap3A_82 = vector.shape_cast %broadcast_in_dim3A_77 : vector<16xf32> to vector<1x16xf32>
      tpu.vector_store %arg8[%swap3A_78, %swap3A_79], %swap3A_82 {strides = array<i32>} : memref<128x128xf32, #tpu.memory_space<vmem>>, vector<1x16xf32>,
      %broadcast_in_dim3A_83 = arith.constant 0.000000e+00 : f32
      %broadcast_in_dim3A_84 = vector.broadcast %broadcast_in_dim3A_83 : f32 to vector<16xf32>
      %swap3A_85 = arith.index_cast %scan3A_69 : i32 to index
      %swap3A_86 = arith.constant 32 : index
      %swap3A_87 = tpu.vector_load %arg8[%swap3A_85, %swap3A_86] {strides = array<i32>} : memref<128x128xf32, #tpu.memory_space<vmem>>, vector<1x16xf32>,
      %swap3A_88 = vector.shape_cast %swap3A_87 : vector<1x16xf32> to vector<16xf32>
      %swap3A_89 = vector.shape_cast %broadcast_in_dim3A_84 : vector<16xf32> to vector<1x16xf32>
      tpu.vector_store %arg8[%swap3A_85, %swap3A_86], %swap3A_89 {strides = array<i32>} : memref<128x128xf32, #tpu.memory_space<vmem>>, vector<1x16xf32>,
      %broadcast_in_dim3A_90 = arith.constant 0.000000e+00 : f32
      %broadcast_in_dim3A_91 = vector.broadcast %broadcast_in_dim3A_90 : f32 to vector<16xf32>
      %swap3A_92 = arith.index_cast %scan3A_69 : i32 to index
      %swap3A_93 = arith.constant 48 : index
      %swap3A_94 = tpu.vector_load %arg8[%swap3A_92, %swap3A_93] {strides = array<i32>} : memref<128x128xf32, #tpu.memory_space<vmem>>, vector<1x16xf32>,
      %swap3A_95 = vector.shape_cast %swap3A_94 : vector<1x16xf32> to vector<16xf32>
      %swap3A_96 = vector.shape_cast %broadcast_in_dim3A_91 : vector<16xf32> to vector<1x16xf32>
      tpu.vector_store %arg8[%swap3A_92, %swap3A_93], %swap3A_96 {strides = array<i32>} : memref<128x128xf32, #tpu.memory_space<vmem>>, vector<1x16xf32>,
      %broadcast_in_dim3A_97 = arith.constant 0.000000e+00 : f32
      %broadcast_in_dim3A_98 = vector.broadcast %broadcast_in_dim3A_97 : f32 to vector<16xf32>
      %swap3A_99 = arith.index_cast %scan3A_69 : i32 to index
      %swap3A_100 = arith.constant 64 : index
      %swap3A_101 = tpu.vector_load %arg8[%swap3A_99, %swap3A_100] {strides = array<i32>} : memref<128x128xf32, #tpu.memory_space<vmem>>, vector<1x16xf32>,
      %swap3A_102 = vector.shape_cast %swap3A_101 : vector<1x16xf32> to vector<16xf32>
      %swap3A_103 = vector.shape_cast %broadcast_in_dim3A_98 : vector<16xf32> to vector<1x16xf32>
      tpu.vector_store %arg8[%swap3A_99, %swap3A_100], %swap3A_103 {strides = array<i32>} : memref<128x128xf32, #tpu.memory_space<vmem>>, vector<1x16xf32>,
      %broadcast_in_dim3A_104 = arith.constant 0.000000e+00 : f32
      %broadcast_in_dim3A_105 = vector.broadcast %broadcast_in_dim3A_104 : f32 to vector<16xf32>
      %swap3A_106 = arith.index_cast %scan3A_69 : i32 to index
      %swap3A_107 = arith.constant 80 : index
      %swap3A_108 = tpu.vector_load %arg8[%swap3A_106, %swap3A_107] {strides = array<i32>} : memref<128x128xf32, #tpu.memory_space<vmem>>, vector<1x16xf32>,
      %swap3A_109 = vector.shape_cast %swap3A_108 : vector<1x16xf32> to vector<16xf32>
      %swap3A_110 = vector.shape_cast %broadcast_in_dim3A_105 : vector<16xf32> to vector<1x16xf32>
      tpu.vector_store %arg8[%swap3A_106, %swap3A_107], %swap3A_110 {strides = array<i32>} : memref<128x128xf32, #tpu.memory_space<vmem>>, vector<1x16xf32>,
      %broadcast_in_dim3A_111 = arith.constant 0.000000e+00 : f32
      %broadcast_in_dim3A_112 = vector.broadcast %broadcast_in_dim3A_111 : f32 to vector<16xf32>
      %swap3A_113 = arith.index_cast %scan3A_69 : i32 to index
      %swap3A_114 = arith.constant 96 : index
      %swap3A_115 = tpu.vector_load %arg8[%swap3A_113, %swap3A_114] {strides = array<i32>} : memref<128x128xf32, #tpu.memory_space<vmem>>, vector<1x16xf32>,
      %swap3A_116 = vector.shape_cast %swap3A_115 : vector<1x16xf32> to vector<16xf32>
      %swap3A_117 = vector.shape_cast %broadcast_in_dim3A_112 : vector<16xf32> to vector<1x16xf32>
      tpu.vector_store %arg8[%swap3A_113, %swap3A_114], %swap3A_117 {strides = array<i32>} : memref<128x128xf32, #tpu.memory_space<vmem>>, vector<1x16xf32>,
      %broadcast_in_dim3A_118 = arith.constant 0.000000e+00 : f32
      %broadcast_in_dim3A_119 = vector.broadcast %broadcast_in_dim3A_118 : f32 to vector<16xf32>
      %swap3A_120 = arith.index_cast %scan3A_69 : i32 to index
      %swap3A_121 = arith.constant 112 : index
      %swap3A_122 = tpu.vector_load %arg8[%swap3A_120, %swap3A_121] {strides = array<i32>} : memref<128x128xf32, #tpu.memory_space<vmem>>, vector<1x16xf32>,
      %swap3A_123 = vector.shape_cast %swap3A_122 : vector<1x16xf32> to vector<16xf32>
      %swap3A_124 = vector.shape_cast %broadcast_in_dim3A_119 : vector<16xf32> to vector<1x16xf32>
      tpu.vector_store %arg8[%swap3A_120, %swap3A_121], %swap3A_124 {strides = array<i32>} : memref<128x128xf32, #tpu.memory_space<vmem>>, vector<1x16xf32>,
      %scan3A_125 = arith.constant 0 : i32
      scf.yield %scan3A_125 : i32
    }
    %scan3A_6 = arith.constant 128 : i32
    %mul3A_7 = arith.constant 640 : i32
    %mul3A_8 = arith.muli %arg1, %mul3A_7 : i32
    %add3A_9 = arith.constant 0 : i32
    %add3A_10 = arith.addi %mul3A_8, %add3A_9 : i32
    "tpu.region"() ({
      %run_scoped3A = tpu.sem_alloc : memref<!tpu.dma_semaphore, #tpu.memory_space<semaphore_mem>>
      %dma_start3A_69 = arith.constant 0 : i32
      %dma_start3A_70 = tpu.memref_slice %arg9[%add3A_10, %dma_start3A_69] : memref<10240x128xf32, #tpu.memory_space<vmem_shared>> -> memref<128x128xf32, #tpu.memory_space<vmem_shared>>
      %dma_start3A_71 = arith.constant 0 : i32
      %dma_start3A_72 = tpu.memref_slice %arg9[%add3A_10, %dma_start3A_71] : memref<10240x128xf32, #tpu.memory_space<vmem_shared>> -> memref<128x128xf32, #tpu.memory_space<vmem_shared>>
      tpu.enqueue_dma source(%arg8 : memref<128x128xf32, #tpu.memory_space<vmem>>) target(%dma_start3A_72 : memref<128x128xf32, #tpu.memory_space<vmem_shared>>) target_semaphore(%run_scoped3A : memref<!tpu.dma_semaphore, #tpu.memory_space<semaphore_mem>>)
      %dma_wait3A_73 = arith.constant 0 : i32
      %dma_wait3A_74 = tpu.memref_slice %arg9[%add3A_10, %dma_wait3A_73] : memref<10240x128xf32, #tpu.memory_space<vmem_shared>> -> memref<128x128xf32, #tpu.memory_space<vmem_shared>>
      %dma_wait3A_75 = arith.constant 0 : i32
      %dma_wait3A_76 = tpu.memref_slice %arg9[%add3A_10, %dma_wait3A_75] : memref<10240x128xf32, #tpu.memory_space<vmem_shared>> -> memref<128x128xf32, #tpu.memory_space<vmem_shared>>
      tpu.wait_dma2 semaphore(%run_scoped3A : memref<!tpu.dma_semaphore, #tpu.memory_space<semaphore_mem>>) src(%arg8 : memref<128x128xf32, #tpu.memory_space<vmem>>) dst(%dma_wait3A_76 : memref<128x128xf32, #tpu.memory_space<vmem_shared>>)
      tpu.yield
    }) : () -> ()
    %mul3A_11 = arith.constant 640 : i32
    %mul3A_12 = arith.muli %arg1, %mul3A_11 : i32
    %add3A_13 = arith.constant 128 : i32
    %add3A_14 = arith.addi %mul3A_12, %add3A_13 : i32
    "tpu.region"() ({
      %run_scoped3A = tpu.sem_alloc : memref<!tpu.dma_semaphore, #tpu.memory_space<semaphore_mem>>
      %dma_start3A_69 = arith.constant 0 : i32
      %dma_start3A_70 = tpu.memref_slice %arg9[%add3A_14, %dma_start3A_69] : memref<10240x128xf32, #tpu.memory_space<vmem_shared>> -> memref<128x128xf32, #tpu.memory_space<vmem_shared>>
      %dma_start3A_71 = arith.constant 0 : i32
      %dma_start3A_72 = tpu.memref_slice %arg9[%add3A_14, %dma_start3A_71] : memref<10240x128xf32, #tpu.memory_space<vmem_shared>> -> memref<128x128xf32, #tpu.memory_space<vmem_shared>>
      tpu.enqueue_dma source(%arg8 : memref<128x128xf32, #tpu.memory_space<vmem>>) target(%dma_start3A_72 : memref<128x128xf32, #tpu.memory_space<vmem_shared>>) target_semaphore(%run_scoped3A : memref<!tpu.dma_semaphore, #tpu.memory_space<semaphore_mem>>)
      %dma_wait3A_73 = arith.constant 0 : i32
      %dma_wait3A_74 = tpu.memref_slice %arg9[%add3A_14, %dma_wait3A_73] : memref<10240x128xf32, #tpu.memory_space<vmem_shared>> -> memref<128x128xf32, #tpu.memory_space<vmem_shared>>
      %dma_wait3A_75 = arith.constant 0 : i32
      %dma_wait3A_76 = tpu.memref_slice %arg9[%add3A_14, %dma_wait3A_75] : memref<10240x128xf32, #tpu.memory_space<vmem_shared>> -> memref<128x128xf32, #tpu.memory_space<vmem_shared>>
      tpu.wait_dma2 semaphore(%run_scoped3A : memref<!tpu.dma_semaphore, #tpu.memory_space<semaphore_mem>>) src(%arg8 : memref<128x128xf32, #tpu.memory_space<vmem>>) dst(%dma_wait3A_76 : memref<128x128xf32, #tpu.memory_space<vmem_shared>>)
      tpu.yield
    }) : () -> ()
    %mul3A_15 = arith.constant 640 : i32
    %mul3A_16 = arith.muli %arg1, %mul3A_15 : i32
    %add3A_17 = arith.constant 256 : i32
    %add3A_18 = arith.addi %mul3A_16, %add3A_17 : i32
    "tpu.region"() ({
      %run_scoped3A = tpu.sem_alloc : memref<!tpu.dma_semaphore, #tpu.memory_space<semaphore_mem>>
      %dma_start3A_69 = arith.constant 0 : i32
      %dma_start3A_70 = tpu.memref_slice %arg9[%add3A_18, %dma_start3A_69] : memref<10240x128xf32, #tpu.memory_space<vmem_shared>> -> memref<128x128xf32, #tpu.memory_space<vmem_shared>>
      %dma_start3A_71 = arith.constant 0 : i32
      %dma_start3A_72 = tpu.memref_slice %arg9[%add3A_18, %dma_start3A_71] : memref<10240x128xf32, #tpu.memory_space<vmem_shared>> -> memref<128x128xf32, #tpu.memory_space<vmem_shared>>
      tpu.enqueue_dma source(%arg8 : memref<128x128xf32, #tpu.memory_space<vmem>>) target(%dma_start3A_72 : memref<128x128xf32, #tpu.memory_space<vmem_shared>>) target_semaphore(%run_scoped3A : memref<!tpu.dma_semaphore, #tpu.memory_space<semaphore_mem>>)
      %dma_wait3A_73 = arith.constant 0 : i32
      %dma_wait3A_74 = tpu.memref_slice %arg9[%add3A_18, %dma_wait3A_73] : memref<10240x128xf32, #tpu.memory_space<vmem_shared>> -> memref<128x128xf32, #tpu.memory_space<vmem_shared>>
      %dma_wait3A_75 = arith.constant 0 : i32
      %dma_wait3A_76 = tpu.memref_slice %arg9[%add3A_18, %dma_wait3A_75] : memref<10240x128xf32, #tpu.memory_space<vmem_shared>> -> memref<128x128xf32, #tpu.memory_space<vmem_shared>>
      tpu.wait_dma2 semaphore(%run_scoped3A : memref<!tpu.dma_semaphore, #tpu.memory_space<semaphore_mem>>) src(%arg8 : memref<128x128xf32, #tpu.memory_space<vmem>>) dst(%dma_wait3A_76 : memref<128x128xf32, #tpu.memory_space<vmem_shared>>)
      tpu.yield
    }) : () -> ()
    %mul3A_19 = arith.constant 640 : i32
    %mul3A_20 = arith.muli %arg1, %mul3A_19 : i32
    %add3A_21 = arith.constant 384 : i32
    %add3A_22 = arith.addi %mul3A_20, %add3A_21 : i32
    "tpu.region"() ({
      %run_scoped3A = tpu.sem_alloc : memref<!tpu.dma_semaphore, #tpu.memory_space<semaphore_mem>>
      %dma_start3A_69 = arith.constant 0 : i32
      %dma_start3A_70 = tpu.memref_slice %arg9[%add3A_22, %dma_start3A_69] : memref<10240x128xf32, #tpu.memory_space<vmem_shared>> -> memref<128x128xf32, #tpu.memory_space<vmem_shared>>
      %dma_start3A_71 = arith.constant 0 : i32
      %dma_start3A_72 = tpu.memref_slice %arg9[%add3A_22, %dma_start3A_71] : memref<10240x128xf32, #tpu.memory_space<vmem_shared>> -> memref<128x128xf32, #tpu.memory_space<vmem_shared>>
      tpu.enqueue_dma source(%arg8 : memref<128x128xf32, #tpu.memory_space<vmem>>) target(%dma_start3A_72 : memref<128x128xf32, #tpu.memory_space<vmem_shared>>) target_semaphore(%run_scoped3A : memref<!tpu.dma_semaphore, #tpu.memory_space<semaphore_mem>>)
      %dma_wait3A_73 = arith.constant 0 : i32
      %dma_wait3A_74 = tpu.memref_slice %arg9[%add3A_22, %dma_wait3A_73] : memref<10240x128xf32, #tpu.memory_space<vmem_shared>> -> memref<128x128xf32, #tpu.memory_space<vmem_shared>>
      %dma_wait3A_75 = arith.constant 0 : i32
      %dma_wait3A_76 = tpu.memref_slice %arg9[%add3A_22, %dma_wait3A_75] : memref<10240x128xf32, #tpu.memory_space<vmem_shared>> -> memref<128x128xf32, #tpu.memory_space<vmem_shared>>
      tpu.wait_dma2 semaphore(%run_scoped3A : memref<!tpu.dma_semaphore, #tpu.memory_space<semaphore_mem>>) src(%arg8 : memref<128x128xf32, #tpu.memory_space<vmem>>) dst(%dma_wait3A_76 : memref<128x128xf32, #tpu.memory_space<vmem_shared>>)
      tpu.yield
    }) : () -> ()
    %mul3A_23 = arith.constant 640 : i32
    %mul3A_24 = arith.muli %arg1, %mul3A_23 : i32
    %add3A_25 = arith.constant 512 : i32
    %add3A_26 = arith.addi %mul3A_24, %add3A_25 : i32
    "tpu.region"() ({
      %run_scoped3A = tpu.sem_alloc : memref<!tpu.dma_semaphore, #tpu.memory_space<semaphore_mem>>
      %dma_start3A_69 = arith.constant 0 : i32
      %dma_start3A_70 = tpu.memref_slice %arg9[%add3A_26, %dma_start3A_69] : memref<10240x128xf32, #tpu.memory_space<vmem_shared>> -> memref<128x128xf32, #tpu.memory_space<vmem_shared>>
      %dma_start3A_71 = arith.constant 0 : i32
      %dma_start3A_72 = tpu.memref_slice %arg9[%add3A_26, %dma_start3A_71] : memref<10240x128xf32, #tpu.memory_space<vmem_shared>> -> memref<128x128xf32, #tpu.memory_space<vmem_shared>>
      tpu.enqueue_dma source(%arg8 : memref<128x128xf32, #tpu.memory_space<vmem>>) target(%dma_start3A_72 : memref<128x128xf32, #tpu.memory_space<vmem_shared>>) target_semaphore(%run_scoped3A : memref<!tpu.dma_semaphore, #tpu.memory_space<semaphore_mem>>)
      %dma_wait3A_73 = arith.constant 0 : i32
      %dma_wait3A_74 = tpu.memref_slice %arg9[%add3A_26, %dma_wait3A_73] : memref<10240x128xf32, #tpu.memory_space<vmem_shared>> -> memref<128x128xf32, #tpu.memory_space<vmem_shared>>
      %dma_wait3A_75 = arith.constant 0 : i32
      %dma_wait3A_76 = tpu.memref_slice %arg9[%add3A_26, %dma_wait3A_75] : memref<10240x128xf32, #tpu.memory_space<vmem_shared>> -> memref<128x128xf32, #tpu.memory_space<vmem_shared>>
      tpu.wait_dma2 semaphore(%run_scoped3A : memref<!tpu.dma_semaphore, #tpu.memory_space<semaphore_mem>>) src(%arg8 : memref<128x128xf32, #tpu.memory_space<vmem>>) dst(%dma_wait3A_76 : memref<128x128xf32, #tpu.memory_space<vmem_shared>>)
      tpu.yield
    }) : () -> ()
    %dma_start3A = arith.constant 0 : i32
    %dma_start3A_27 = arith.constant 0 : i32
    %dma_start3A_28 = tpu.memref_slice %arg3[%add3A, %dma_start3A, %dma_start3A_27] : memref<32x79x128xi32, #tpu.memory_space<hbm>> -> memref<1x79x128xi32, #tpu.memory_space<hbm>>
    %dma_start3A_29 = tpu.memref_squeeze %dma_start3A_28 : memref<1x79x128xi32, #tpu.memory_space<hbm>> -> memref<79x128xi32, #tpu.memory_space<hbm>>
    %dma_start3A_30 = arith.constant 0 : i32
    %dma_start3A_31 = arith.constant 0 : i32
    %dma_start3A_32 = tpu.memref_slice %arg3[%add3A, %dma_start3A_30, %dma_start3A_31] : memref<32x79x128xi32, #tpu.memory_space<hbm>> -> memref<1x79x128xi32, #tpu.memory_space<hbm>>
    %dma_start3A_33 = tpu.memref_squeeze %dma_start3A_32 : memref<1x79x128xi32, #tpu.memory_space<hbm>> -> memref<79x128xi32, #tpu.memory_space<hbm>>
    tpu.enqueue_dma source(%dma_start3A_33 : memref<79x128xi32, #tpu.memory_space<hbm>>) target(%arg6 : memref<79x128xi32, #tpu.memory_space<vmem>>) target_semaphore(%arg10 : memref<!tpu.dma_semaphore, #tpu.memory_space<semaphore_mem>>)
    %dma_wait3A = arith.constant 0 : i32
    %dma_wait3A_34 = arith.constant 0 : i32
    %dma_wait3A_35 = tpu.memref_slice %arg3[%add3A, %dma_wait3A, %dma_wait3A_34] : memref<32x79x128xi32, #tpu.memory_space<hbm>> -> memref<1x79x128xi32, #tpu.memory_space<hbm>>
    %dma_wait3A_36 = tpu.memref_squeeze %dma_wait3A_35 : memref<1x79x128xi32, #tpu.memory_space<hbm>> -> memref<79x128xi32, #tpu.memory_space<hbm>>
    %dma_wait3A_37 = arith.constant 0 : i32
    %dma_wait3A_38 = arith.constant 0 : i32
    %dma_wait3A_39 = tpu.memref_slice %arg3[%add3A, %dma_wait3A_37, %dma_wait3A_38] : memref<32x79x128xi32, #tpu.memory_space<hbm>> -> memref<1x79x128xi32, #tpu.memory_space<hbm>>
    %dma_wait3A_40 = tpu.memref_squeeze %dma_wait3A_39 : memref<1x79x128xi32, #tpu.memory_space<hbm>> -> memref<79x128xi32, #tpu.memory_space<hbm>>
    tpu.wait_dma2 semaphore(%arg10 : memref<!tpu.dma_semaphore, #tpu.memory_space<semaphore_mem>>) src(%dma_wait3A_40 : memref<79x128xi32, #tpu.memory_space<hbm>>) dst(%arg6 : memref<79x128xi32, #tpu.memory_space<vmem>>)
    %dma_start3A_41 = arith.constant 0 : i32
    %dma_start3A_42 = arith.constant 0 : i32
    %dma_start3A_43 = tpu.memref_slice %arg4[%add3A, %dma_start3A_41, %dma_start3A_42] : memref<32x79x128xi32, #tpu.memory_space<hbm>> -> memref<1x79x128xi32, #tpu.memory_space<hbm>>
    %dma_start3A_44 = tpu.memref_squeeze %dma_start3A_43 : memref<1x79x128xi32, #tpu.memory_space<hbm>> -> memref<79x128xi32, #tpu.memory_space<hbm>>
    %dma_start3A_45 = arith.constant 0 : i32
    %dma_start3A_46 = arith.constant 0 : i32
    %dma_start3A_47 = tpu.memref_slice %arg4[%add3A, %dma_start3A_45, %dma_start3A_46] : memref<32x79x128xi32, #tpu.memory_space<hbm>> -> memref<1x79x128xi32, #tpu.memory_space<hbm>>
    %dma_start3A_48 = tpu.memref_squeeze %dma_start3A_47 : memref<1x79x128xi32, #tpu.memory_space<hbm>> -> memref<79x128xi32, #tpu.memory_space<hbm>>
    tpu.enqueue_dma source(%dma_start3A_48 : memref<79x128xi32, #tpu.memory_space<hbm>>) target(%arg7 : memref<79x128xi32, #tpu.memory_space<vmem>>) target_semaphore(%arg10 : memref<!tpu.dma_semaphore, #tpu.memory_space<semaphore_mem>>)
    %dma_wait3A_49 = arith.constant 0 : i32
    %dma_wait3A_50 = arith.constant 0 : i32
    %dma_wait3A_51 = tpu.memref_slice %arg4[%add3A, %dma_wait3A_49, %dma_wait3A_50] : memref<32x79x128xi32, #tpu.memory_space<hbm>> -> memref<1x79x128xi32, #tpu.memory_space<hbm>>
    %dma_wait3A_52 = tpu.memref_squeeze %dma_wait3A_51 : memref<1x79x128xi32, #tpu.memory_space<hbm>> -> memref<79x128xi32, #tpu.memory_space<hbm>>
    %dma_wait3A_53 = arith.constant 0 : i32
    %dma_wait3A_54 = arith.constant 0 : i32
    %dma_wait3A_55 = tpu.memref_slice %arg4[%add3A, %dma_wait3A_53, %dma_wait3A_54] : memref<32x79x128xi32, #tpu.memory_space<hbm>> -> memref<1x79x128xi32, #tpu.memory_space<hbm>>
    %dma_wait3A_56 = tpu.memref_squeeze %dma_wait3A_55 : memref<1x79x128xi32, #tpu.memory_space<hbm>> -> memref<79x128xi32, #tpu.memory_space<hbm>>
    tpu.wait_dma2 semaphore(%arg10 : memref<!tpu.dma_semaphore, #tpu.memory_space<semaphore_mem>>) src(%dma_wait3A_56 : memref<79x128xi32, #tpu.memory_space<hbm>>) dst(%arg7 : memref<79x128xi32, #tpu.memory_space<vmem>>)
    %barrier3A = arith.constant 0 : index
    tpu.barrier barrier_id(%barrier3A)
    %scan3A_57 = arith.constant 0 : i32
    %scan3A_58 = arith.constant 0 : i32
    %scan3A_59 = arith.constant 79 : i32
    %scan3A_60 = arith.addi %scan3A_58, %scan3A_59 : i32
    %scan3A_61 = arith.constant 1 : i32
    %scan3A_62 = scf.for %scan3A_69 = %scan3A_58 to %scan3A_60 step %scan3A_61 iter_args(%scan3A_70 = %scan3A_57) -> (i32)  : i32 {
      %dma_start3A_71 = arith.constant 0 : i32
      %dma_start3A_72 = tpu.memref_slice %arg6[%scan3A_69, %dma_start3A_71] : memref<79x128xi32, #tpu.memory_space<vmem>> -> memref<1x128xi32, #tpu.memory_space<vmem>>
      %dma_start3A_73 = tpu.memref_squeeze %dma_start3A_72 : memref<1x128xi32, #tpu.memory_space<vmem>> -> memref<128xi32, #tpu.memory_space<vmem>>
      %dma_start3A_74 = arith.constant 0 : i32
      %dma_start3A_75 = arith.constant 0 : i32
      %dma_start3A_76 = tpu.memref_slice %arg2[%dma_start3A_74, %dma_start3A_75] : memref<10000x128xf32, #tpu.memory_space<hbm>> -> memref<10000x128xf32, #tpu.memory_space<hbm>>
      tpu.enqueue_indirect_dma source(%dma_start3A_76 : memref<10000x128xf32, #tpu.memory_space<hbm>>) target(%arg8 : memref<128x128xf32, #tpu.memory_space<vmem>>) offsets(%dma_start3A_73 : memref<128xi32, #tpu.memory_space<vmem>>) semaphore(%arg10 : memref<!tpu.dma_semaphore, #tpu.memory_space<semaphore_mem>>)
      %dma_wait3A_77 = arith.constant 0 : i32
      %dma_wait3A_78 = tpu.memref_slice %arg6[%scan3A_69, %dma_wait3A_77] : memref<79x128xi32, #tpu.memory_space<vmem>> -> memref<1x128xi32, #tpu.memory_space<vmem>>
      %dma_wait3A_79 = tpu.memref_squeeze %dma_wait3A_78 : memref<1x128xi32, #tpu.memory_space<vmem>> -> memref<128xi32, #tpu.memory_space<vmem>>
      %dma_wait3A_80 = arith.constant 0 : i32
      %dma_wait3A_81 = arith.constant 0 : i32
      %dma_wait3A_82 = tpu.memref_slice %arg2[%dma_wait3A_80, %dma_wait3A_81] : memref<10000x128xf32, #tpu.memory_space<hbm>> -> memref<10000x128xf32, #tpu.memory_space<hbm>>
      tpu.wait_indirect_dma semaphore(%arg10 : memref<!tpu.dma_semaphore, #tpu.memory_space<semaphore_mem>>) src(%dma_wait3A_82 : memref<10000x128xf32, #tpu.memory_space<hbm>>) dst(%arg8 : memref<128x128xf32, #tpu.memory_space<vmem>>)
      "tpu.region"() ({
        %run_scoped3A = tpu.sem_alloc : memref<!tpu.dma_semaphore, #tpu.memory_space<semaphore_mem>>
        %dma_start3A_84 = arith.constant 0 : i32
        %dma_start3A_85 = tpu.memref_slice %arg7[%scan3A_69, %dma_start3A_84] : memref<79x128xi32, #tpu.memory_space<vmem>> -> memref<1x128xi32, #tpu.memory_space<vmem>>
        %dma_start3A_86 = tpu.memref_squeeze %dma_start3A_85 : memref<1x128xi32, #tpu.memory_space<vmem>> -> memref<128xi32, #tpu.memory_space<vmem>>
        %dma_start3A_87 = arith.constant 0 : i32
        %dma_start3A_88 = arith.constant 0 : i32
        %dma_start3A_89 = tpu.memref_slice %arg9[%dma_start3A_87, %dma_start3A_88] : memref<10240x128xf32, #tpu.memory_space<vmem_shared>> -> memref<10240x128xf32, #tpu.memory_space<vmem_shared>>
        tpu.enqueue_indirect_dma source(%arg8 : memref<128x128xf32, #tpu.memory_space<vmem>>) target(%dma_start3A_89 : memref<10240x128xf32, #tpu.memory_space<vmem_shared>>) offsets(%dma_start3A_86 : memref<128xi32, #tpu.memory_space<vmem>>) semaphore(%run_scoped3A : memref<!tpu.dma_semaphore, #tpu.memory_space<semaphore_mem>>) {add = true}
        %dma_wait3A_90 = arith.constant 0 : i32
        %dma_wait3A_91 = tpu.memref_slice %arg7[%scan3A_69, %dma_wait3A_90] : memref<79x128xi32, #tpu.memory_space<vmem>> -> memref<1x128xi32, #tpu.memory_space<vmem>>
        %dma_wait3A_92 = tpu.memref_squeeze %dma_wait3A_91 : memref<1x128xi32, #tpu.memory_space<vmem>> -> memref<128xi32, #tpu.memory_space<vmem>>
        %dma_wait3A_93 = arith.constant 0 : i32
        %dma_wait3A_94 = arith.constant 0 : i32
        %dma_wait3A_95 = tpu.memref_slice %arg9[%dma_wait3A_93, %dma_wait3A_94] : memref<10240x128xf32, #tpu.memory_space<vmem_shared>> -> memref<10240x128xf32, #tpu.memory_space<vmem_shared>>
        tpu.wait_indirect_dma semaphore(%run_scoped3A : memref<!tpu.dma_semaphore, #tpu.memory_space<semaphore_mem>>) src(%arg8 : memref<128x128xf32, #tpu.memory_space<vmem>>) dst(%dma_wait3A_95 : memref<10240x128xf32, #tpu.memory_space<vmem_shared>>)
        tpu.yield
      }) : () -> ()
      %scan3A_83 = arith.constant 0 : i32
      scf.yield %scan3A_83 : i32
    }
    %scan3A_63 = arith.constant 79 : i32
    %barrier3A_64 = arith.constant 0 : index
    tpu.barrier barrier_id(%barrier3A_64)
    %mul3A_65 = arith.constant 640 : i32
    %mul3A_66 = arith.muli %arg1, %mul3A_65 : i32
    %mul3A_67 = arith.constant 640 : i32
    %mul3A_68 = arith.muli %arg1, %mul3A_67 : i32
    "tpu.region"() ({
      %run_scoped3A = tpu.sem_alloc : memref<!tpu.dma_semaphore, #tpu.memory_space<semaphore_mem>>
      %dma_start3A_69 = arith.constant 0 : i32
      %dma_start3A_70 = tpu.memref_slice %arg5[%arg0, %mul3A_68, %dma_start3A_69] : memref<2x10240x128xf32, #tpu.memory_space<hbm>> -> memref<1x640x128xf32, #tpu.memory_space<hbm>>
      %dma_start3A_71 = tpu.memref_squeeze %dma_start3A_70 : memref<1x640x128xf32, #tpu.memory_space<hbm>> -> memref<640x128xf32, #tpu.memory_space<hbm>>
      %dma_start3A_72 = arith.constant 0 : i32
      %dma_start3A_73 = tpu.memref_slice %arg9[%mul3A_66, %dma_start3A_72] : memref<10240x128xf32, #tpu.memory_space<vmem_shared>> -> memref<640x128xf32, #tpu.memory_space<vmem_shared>>
      tpu.enqueue_dma source(%dma_start3A_73 : memref<640x128xf32, #tpu.memory_space<vmem_shared>>) target(%dma_start3A_71 : memref<640x128xf32, #tpu.memory_space<hbm>>) target_semaphore(%run_scoped3A : memref<!tpu.dma_semaphore, #tpu.memory_space<semaphore_mem>>)
      %dma_wait3A_74 = arith.constant 0 : i32
      %dma_wait3A_75 = tpu.memref_slice %arg5[%arg0, %mul3A_68, %dma_wait3A_74] : memref<2x10240x128xf32, #tpu.memory_space<hbm>> -> memref<1x640x128xf32, #tpu.memory_space<hbm>>
      %dma_wait3A_76 = tpu.memref_squeeze %dma_wait3A_75 : memref<1x640x128xf32, #tpu.memory_space<hbm>> -> memref<640x128xf32, #tpu.memory_space<hbm>>
      %dma_wait3A_77 = arith.constant 0 : i32
      %dma_wait3A_78 = tpu.memref_slice %arg9[%mul3A_66, %dma_wait3A_77] : memref<10240x128xf32, #tpu.memory_space<vmem_shared>> -> memref<640x128xf32, #tpu.memory_space<vmem_shared>>
      tpu.wait_dma2 semaphore(%run_scoped3A : memref<!tpu.dma_semaphore, #tpu.memory_space<semaphore_mem>>) src(%dma_wait3A_78 : memref<640x128xf32, #tpu.memory_space<vmem_shared>>) dst(%dma_wait3A_76 : memref<640x128xf32, #tpu.memory_space<hbm>>)
      tpu.yield
    }) : () -> ()
    return
  }
}

module attributes {stable_mosaic.version = 14 : i64} {
  func.func @_t0_body(%arg0: i32, %arg1: memref<2000x128xf32, #tpu.memory_space<vmem>>, %arg2: memref<2x2000x128xf32, #tpu.memory_space<vmem>>, %arg3: memref<4x128xf32, #tpu.memory_space<vmem>>, %arg4: memref<128x128xf32, #tpu.memory_space<vmem>>, %arg5: memref<1x128xf32, #tpu.memory_space<vmem>>, %arg6: memref<128x4xf32, #tpu.memory_space<vmem>>, %arg7: memref<1x4xf32, #tpu.memory_space<vmem>>, %arg8: memref<128x128xf32, #tpu.memory_space<vmem>>, %arg9: memref<128x128xf32, #tpu.memory_space<vmem>>, %arg10: memref<1x128xf32, #tpu.memory_space<vmem>>, %arg11: memref<128x128xf32, #tpu.memory_space<vmem>>, %arg12: memref<1x128xf32, #tpu.memory_space<vmem>>, %arg13: memref<2000x128xf32, #tpu.memory_space<vmem>>, %arg14: memref<2000x128xf32, #tpu.memory_space<vmem>>, %arg15: memref<2000x128xf32, #tpu.memory_space<vmem>>, %arg16: memref<2000x128xf32, #tpu.memory_space<vmem>>, %arg17: memref<2000x128xf32, #tpu.memory_space<vmem>>, %arg18: memref<2000x128xf32, #tpu.memory_space<vmem>>) attributes {dimension_semantics = [#tpu.dimension_semantics<arbitrary>], iteration_bounds = array<i64: 5>, scalar_prefetch = 0 : i64, scratch_operands = 0 : i64, tpu.core_type = #tpu.core_type<tc>, window_params = [{transform_indices = @transform_0, window_bounds = array<i64: 2000, 128>}, {transform_indices = @transform_1, window_bounds = array<i64: 2, 2000, 128>}, {pipeline_mode = #tpu.pipeline_mode<synchronous>, transform_indices = @transform_2, window_bounds = array<i64: 4, 128>}, {pipeline_mode = #tpu.pipeline_mode<synchronous>, transform_indices = @transform_3, window_bounds = array<i64: 128, 128>}, {pipeline_mode = #tpu.pipeline_mode<synchronous>, transform_indices = @transform_4, window_bounds = array<i64: 1, 128>}, {pipeline_mode = #tpu.pipeline_mode<synchronous>, transform_indices = @transform_5, window_bounds = array<i64: 128, 4>}, {pipeline_mode = #tpu.pipeline_mode<synchronous>, transform_indices = @transform_6, window_bounds = array<i64: 1, 4>}, {pipeline_mode = #tpu.pipeline_mode<synchronous>, transform_indices = @transform_7, window_bounds = array<i64: 128, 128>}, {pipeline_mode = #tpu.pipeline_mode<synchronous>, transform_indices = @transform_8, window_bounds = array<i64: 128, 128>}, {pipeline_mode = #tpu.pipeline_mode<synchronous>, transform_indices = @transform_9, window_bounds = array<i64: 1, 128>}, {pipeline_mode = #tpu.pipeline_mode<synchronous>, transform_indices = @transform_10, window_bounds = array<i64: 128, 128>}, {pipeline_mode = #tpu.pipeline_mode<synchronous>, transform_indices = @transform_11, window_bounds = array<i64: 1, 128>}, {transform_indices = @transform_12, window_bounds = array<i64: 2000, 128>}, {transform_indices = @transform_13, window_bounds = array<i64: 2000, 128>}, {transform_indices = @transform_14, window_bounds = array<i64: 2000, 128>}, {transform_indices = @transform_15, window_bounds = array<i64: 2000, 128>}, {transform_indices = @transform_16, window_bounds = array<i64: 2000, 128>}, {transform_indices = @transform_17, window_bounds = array<i64: 2000, 128>}]} {
    %get3A = arith.constant 0 : index
    %get3A_0 = arith.constant 0 : index
    %get3A_1 = vector.load %arg1[%get3A, %get3A_0] : memref<2000x128xf32, #tpu.memory_space<vmem>>, vector<2000x128xf32>
    %get3A_2 = arith.constant 0 : index
    %get3A_3 = arith.constant 0 : index
    %get3A_4 = arith.constant 0 : index
    %get3A_5 = vector.load %arg2[%get3A_2, %get3A_3, %get3A_4] : memref<2x2000x128xf32, #tpu.memory_space<vmem>>, vector<1x2000x1xf32>
    %get3A_6 = vector.shape_cast %get3A_5 : vector<1x2000x1xf32> to vector<2000x1xf32>
    %get3A_7 = arith.constant 1 : index
    %get3A_8 = arith.constant 0 : index
    %get3A_9 = arith.constant 0 : index
    %get3A_10 = vector.load %arg2[%get3A_7, %get3A_8, %get3A_9] : memref<2x2000x128xf32, #tpu.memory_space<vmem>>, vector<1x2000x1xf32>
    %get3A_11 = vector.shape_cast %get3A_10 : vector<1x2000x1xf32> to vector<2000x1xf32>
    %add3A = arith.addf %get3A_6, %get3A_11 : vector<2000x1xf32>
    %add3A_12 = arith.constant 1.000000e+00 : f32
    %add3A_13 = vector.broadcast %add3A_12 : f32 to vector<2000x1xf32>
    %add3A_14 = arith.addf %add3A, %add3A_13 : vector<2000x1xf32>
    %max3A = arith.constant 1.000000e+00 : f32
    %max3A_15 = vector.broadcast %max3A : f32 to vector<2000x1xf32>
    %max3A_16 = arith.maximumf %add3A_14, %max3A_15 : vector<2000x1xf32>
    %rsqrt3A = math.rsqrt %max3A_16 : vector<2000x1xf32>
    %broadcast_in_dim3A = vector.shape_cast %rsqrt3A : vector<2000x1xf32> to vector<2000x1xf32>
    %broadcast_in_dim3A_17 = vector.broadcast %broadcast_in_dim3A : vector<2000x1xf32> to vector<2000x128xf32>
    %get3A_18 = arith.constant 0 : index
    %get3A_19 = arith.constant 0 : index
    %get3A_20 = vector.load %arg4[%get3A_18, %get3A_19] : memref<128x128xf32, #tpu.memory_space<vmem>>, vector<128x128xf32>
    %dot_general3A = arith.constant dense<0.000000e+00> : vector<2000x128xf32>
    %dot_general3A_21 = tpu.matmul %get3A_1, %get3A_20, %dot_general3A {dimension_numbers = #tpu.dot_dimension_numbers<[1], [0], [0], [1], [0, 0, 1, 1], [], []>, precision = #tpu.contract_precision<fp32>, transpose_lhs_hint = false} : vector<2000x128xf32>, vector<128x128xf32>, vector<2000x128xf32> -> vector<2000x128xf32>
    %get3A_22 = arith.constant 0 : index
    %get3A_23 = arith.constant 0 : index
    %get3A_24 = vector.load %arg5[%get3A_22, %get3A_23] : memref<1x128xf32, #tpu.memory_space<vmem>>, vector<1x128xf32>
    %add3A_25 = vector.broadcast %get3A_24 : vector<1x128xf32> to vector<2000x128xf32>
    %add3A_26 = arith.addf %dot_general3A_21, %add3A_25 : vector<2000x128xf32>
    %max3A_27 = arith.constant 0.000000e+00 : f32
    %max3A_28 = vector.broadcast %max3A_27 : f32 to vector<2000x128xf32>
    %max3A_29 = arith.maximumf %add3A_26, %max3A_28 : vector<2000x128xf32>
    %get3A_30 = arith.constant 0 : index
    %get3A_31 = arith.constant 0 : index
    %get3A_32 = vector.load %arg6[%get3A_30, %get3A_31] : memref<128x4xf32, #tpu.memory_space<vmem>>, vector<128x4xf32>
    %dot_general3A_33 = arith.constant dense<0.000000e+00> : vector<2000x4xf32>
    %dot_general3A_34 = tpu.matmul %max3A_29, %get3A_32, %dot_general3A_33 {dimension_numbers = #tpu.dot_dimension_numbers<[1], [0], [0], [1], [0, 0, 1, 1], [], []>, precision = #tpu.contract_precision<fp32>, transpose_lhs_hint = false} : vector<2000x128xf32>, vector<128x4xf32>, vector<2000x4xf32> -> vector<2000x4xf32>
    %get3A_35 = arith.constant 0 : index
    %get3A_36 = arith.constant 0 : index
    %get3A_37 = vector.load %arg7[%get3A_35, %get3A_36] : memref<1x4xf32, #tpu.memory_space<vmem>>, vector<1x4xf32>
    %add3A_38 = vector.broadcast %get3A_37 : vector<1x4xf32> to vector<2000x4xf32>
    %add3A_39 = arith.addf %dot_general3A_34, %add3A_38 : vector<2000x4xf32>
    %reduce_max3A = arith.constant dense<0xFF800000> : vector<2000xf32>
    %reduce_max3A_40 = vector.multi_reduction <maximumf>, %add3A_39, %reduce_max3A [1] : vector<2000x4xf32> to vector<2000xf32>
    %broadcast_in_dim3A_41 = vector.shape_cast %reduce_max3A_40 : vector<2000xf32> to vector<2000x1xf32>
    %sub3A = vector.broadcast %broadcast_in_dim3A_41 : vector<2000x1xf32> to vector<2000x4xf32>
    %sub3A_42 = arith.subf %add3A_39, %sub3A : vector<2000x4xf32>
    %exp3A = math.exp %sub3A_42 : vector<2000x4xf32>
    %reduce_sum3A = arith.constant dense<0.000000e+00> : vector<2000xf32>
    %reduce_sum3A_43 = vector.multi_reduction <add>, %exp3A, %reduce_sum3A [1] : vector<2000x4xf32> to vector<2000xf32>
    %broadcast_in_dim3A_44 = vector.shape_cast %reduce_sum3A_43 : vector<2000xf32> to vector<2000x1xf32>
    %div3A = vector.broadcast %broadcast_in_dim3A_44 : vector<2000x1xf32> to vector<2000x4xf32>
    %div3A_45 = arith.divf %exp3A, %div3A : vector<2000x4xf32>
    %get3A_46 = arith.constant 0 : index
    %get3A_47 = arith.constant 0 : index
    %get3A_48 = vector.load %arg3[%get3A_46, %get3A_47] : memref<4x128xf32, #tpu.memory_space<vmem>>, vector<4x128xf32>
    %dot_general3A_49 = arith.constant dense<0.000000e+00> : vector<2000x128xf32>
    %dot_general3A_50 = tpu.matmul %div3A_45, %get3A_48, %dot_general3A_49 {dimension_numbers = #tpu.dot_dimension_numbers<[1], [0], [0], [1], [0, 0, 1, 1], [], []>, precision = #tpu.contract_precision<fp32>, transpose_lhs_hint = false} : vector<2000x4xf32>, vector<4x128xf32>, vector<2000x128xf32> -> vector<2000x128xf32>
    %mul3A = arith.mulf %get3A_1, %dot_general3A_50 : vector<2000x128xf32>
    %get3A_51 = arith.constant 0 : index
    %get3A_52 = arith.constant 0 : index
    %get3A_53 = vector.load %arg8[%get3A_51, %get3A_52] : memref<128x128xf32, #tpu.memory_space<vmem>>, vector<128x128xf32>
    %dot_general3A_54 = arith.constant dense<0.000000e+00> : vector<2000x128xf32>
    %dot_general3A_55 = tpu.matmul %mul3A, %get3A_53, %dot_general3A_54 {dimension_numbers = #tpu.dot_dimension_numbers<[1], [0], [0], [1], [0, 0, 1, 1], [], []>, precision = #tpu.contract_precision<fp32>, transpose_lhs_hint = false} : vector<2000x128xf32>, vector<128x128xf32>, vector<2000x128xf32> -> vector<2000x128xf32>
    %swap3A = arith.constant 0 : index
    %swap3A_56 = arith.constant 0 : index
    %swap3A_57 = vector.load %arg13[%swap3A, %swap3A_56] : memref<2000x128xf32, #tpu.memory_space<vmem>>, vector<2000x128xf32>
    tpu.vector_store %arg13[%swap3A, %swap3A_56], %mul3A {strides = array<i32>} : memref<2000x128xf32, #tpu.memory_space<vmem>>, vector<2000x128xf32>,
    %mul3A_58 = arith.mulf %dot_general3A_55, %broadcast_in_dim3A_17 : vector<2000x128xf32>
    %swap3A_59 = arith.constant 0 : index
    %swap3A_60 = arith.constant 0 : index
    %swap3A_61 = vector.load %arg14[%swap3A_59, %swap3A_60] : memref<2000x128xf32, #tpu.memory_space<vmem>>, vector<2000x128xf32>
    tpu.vector_store %arg14[%swap3A_59, %swap3A_60], %mul3A_58 {strides = array<i32>} : memref<2000x128xf32, #tpu.memory_space<vmem>>, vector<2000x128xf32>,
    %mul3A_62 = arith.mulf %broadcast_in_dim3A_17, %broadcast_in_dim3A_17 : vector<2000x128xf32>
    %mul3A_63 = arith.mulf %mul3A_62, %dot_general3A_55 : vector<2000x128xf32>
    %swap3A_64 = arith.constant 0 : index
    %swap3A_65 = arith.constant 0 : index
    %swap3A_66 = vector.load %arg15[%swap3A_64, %swap3A_65] : memref<2000x128xf32, #tpu.memory_space<vmem>>, vector<2000x128xf32>
    tpu.vector_store %arg15[%swap3A_64, %swap3A_65], %mul3A_63 {strides = array<i32>} : memref<2000x128xf32, #tpu.memory_space<vmem>>, vector<2000x128xf32>,
    %swap3A_67 = arith.constant 0 : index
    %swap3A_68 = arith.constant 0 : index
    %swap3A_69 = vector.load %arg16[%swap3A_67, %swap3A_68] : memref<2000x128xf32, #tpu.memory_space<vmem>>, vector<2000x128xf32>
    tpu.vector_store %arg16[%swap3A_67, %swap3A_68], %broadcast_in_dim3A_17 {strides = array<i32>} : memref<2000x128xf32, #tpu.memory_space<vmem>>, vector<2000x128xf32>,
    %get3A_70 = arith.constant 0 : index
    %get3A_71 = arith.constant 0 : index
    %get3A_72 = vector.load %arg9[%get3A_70, %get3A_71] : memref<128x128xf32, #tpu.memory_space<vmem>>, vector<128x128xf32>
    %dot_general3A_73 = arith.constant dense<0.000000e+00> : vector<2000x128xf32>
    %dot_general3A_74 = tpu.matmul %get3A_1, %get3A_72, %dot_general3A_73 {dimension_numbers = #tpu.dot_dimension_numbers<[1], [0], [0], [1], [0, 0, 1, 1], [], []>, precision = #tpu.contract_precision<fp32>, transpose_lhs_hint = false} : vector<2000x128xf32>, vector<128x128xf32>, vector<2000x128xf32> -> vector<2000x128xf32>
    %get3A_75 = arith.constant 0 : index
    %get3A_76 = arith.constant 0 : index
    %get3A_77 = vector.load %arg10[%get3A_75, %get3A_76] : memref<1x128xf32, #tpu.memory_space<vmem>>, vector<1x128xf32>
    %add3A_78 = vector.broadcast %get3A_77 : vector<1x128xf32> to vector<2000x128xf32>
    %add3A_79 = arith.addf %dot_general3A_74, %add3A_78 : vector<2000x128xf32>
    %max3A_80 = arith.constant 0.000000e+00 : f32
    %max3A_81 = vector.broadcast %max3A_80 : f32 to vector<2000x128xf32>
    %max3A_82 = arith.maximumf %add3A_79, %max3A_81 : vector<2000x128xf32>
    %swap3A_83 = arith.constant 0 : index
    %swap3A_84 = arith.constant 0 : index
    %swap3A_85 = vector.load %arg17[%swap3A_83, %swap3A_84] : memref<2000x128xf32, #tpu.memory_space<vmem>>, vector<2000x128xf32>
    tpu.vector_store %arg17[%swap3A_83, %swap3A_84], %max3A_82 {strides = array<i32>} : memref<2000x128xf32, #tpu.memory_space<vmem>>, vector<2000x128xf32>,
    %get3A_86 = arith.constant 0 : index
    %get3A_87 = arith.constant 0 : index
    %get3A_88 = vector.load %arg11[%get3A_86, %get3A_87] : memref<128x128xf32, #tpu.memory_space<vmem>>, vector<128x128xf32>
    %dot_general3A_89 = arith.constant dense<0.000000e+00> : vector<2000x128xf32>
    %dot_general3A_90 = tpu.matmul %get3A_1, %get3A_88, %dot_general3A_89 {dimension_numbers = #tpu.dot_dimension_numbers<[1], [0], [0], [1], [0, 0, 1, 1], [], []>, precision = #tpu.contract_precision<fp32>, transpose_lhs_hint = false} : vector<2000x128xf32>, vector<128x128xf32>, vector<2000x128xf32> -> vector<2000x128xf32>
    %get3A_91 = arith.constant 0 : index
    %get3A_92 = arith.constant 0 : index
    %get3A_93 = vector.load %arg12[%get3A_91, %get3A_92] : memref<1x128xf32, #tpu.memory_space<vmem>>, vector<1x128xf32>
    %add3A_94 = vector.broadcast %get3A_93 : vector<1x128xf32> to vector<2000x128xf32>
    %add3A_95 = arith.addf %dot_general3A_90, %add3A_94 : vector<2000x128xf32>
    %max3A_96 = arith.constant 0.000000e+00 : f32
    %max3A_97 = vector.broadcast %max3A_96 : f32 to vector<2000x128xf32>
    %max3A_98 = arith.maximumf %add3A_95, %max3A_97 : vector<2000x128xf32>
    %swap3A_99 = arith.constant 0 : index
    %swap3A_100 = arith.constant 0 : index
    %swap3A_101 = vector.load %arg18[%swap3A_99, %swap3A_100] : memref<2000x128xf32, #tpu.memory_space<vmem>>, vector<2000x128xf32>
    tpu.vector_store %arg18[%swap3A_99, %swap3A_100], %max3A_98 {strides = array<i32>} : memref<2000x128xf32, #tpu.memory_space<vmem>>, vector<2000x128xf32>,
    return
  }
  func.func @transform_0(%arg0: i32) -> (i32, i32) {
    %c0_i32 = arith.constant 0 : i32
    %c0_i32_0 = arith.constant 0 : i32
    return %arg0, %c0_i32 : i32, i32
  }
  func.func @transform_1(%arg0: i32) -> (i32, i32, i32) {
    %c0_i32 = arith.constant 0 : i32
    %c0_i32_0 = arith.constant 0 : i32
    %c0_i32_1 = arith.constant 0 : i32
    return %c0_i32, %arg0, %c0_i32_0 : i32, i32, i32
  }
  func.func @transform_2(%arg0: i32) -> (i32, i32) {
    %c0_i32 = arith.constant 0 : i32
    %c0_i32_0 = arith.constant 0 : i32
    %c0_i32_1 = arith.constant 0 : i32
    return %c0_i32, %c0_i32_0 : i32, i32
  }
  func.func @transform_3(%arg0: i32) -> (i32, i32) {
    %c0_i32 = arith.constant 0 : i32
    %c0_i32_0 = arith.constant 0 : i32
    %c0_i32_1 = arith.constant 0 : i32
    return %c0_i32, %c0_i32_0 : i32, i32
  }
  func.func @transform_4(%arg0: i32) -> (i32, i32) {
    %c0_i32 = arith.constant 0 : i32
    %c0_i32_0 = arith.constant 0 : i32
    %c0_i32_1 = arith.constant 0 : i32
    return %c0_i32, %c0_i32_0 : i32, i32
  }
  func.func @transform_5(%arg0: i32) -> (i32, i32) {
    %c0_i32 = arith.constant 0 : i32
    %c0_i32_0 = arith.constant 0 : i32
    %c0_i32_1 = arith.constant 0 : i32
    return %c0_i32, %c0_i32_0 : i32, i32
  }
  func.func @transform_6(%arg0: i32) -> (i32, i32) {
    %c0_i32 = arith.constant 0 : i32
    %c0_i32_0 = arith.constant 0 : i32
    %c0_i32_1 = arith.constant 0 : i32
    return %c0_i32, %c0_i32_0 : i32, i32
  }
  func.func @transform_7(%arg0: i32) -> (i32, i32) {
    %c0_i32 = arith.constant 0 : i32
    %c0_i32_0 = arith.constant 0 : i32
    %c0_i32_1 = arith.constant 0 : i32
    return %c0_i32, %c0_i32_0 : i32, i32
  }
  func.func @transform_8(%arg0: i32) -> (i32, i32) {
    %c0_i32 = arith.constant 0 : i32
    %c0_i32_0 = arith.constant 0 : i32
    %c0_i32_1 = arith.constant 0 : i32
    return %c0_i32, %c0_i32_0 : i32, i32
  }
  func.func @transform_9(%arg0: i32) -> (i32, i32) {
    %c0_i32 = arith.constant 0 : i32
    %c0_i32_0 = arith.constant 0 : i32
    %c0_i32_1 = arith.constant 0 : i32
    return %c0_i32, %c0_i32_0 : i32, i32
  }
  func.func @transform_10(%arg0: i32) -> (i32, i32) {
    %c0_i32 = arith.constant 0 : i32
    %c0_i32_0 = arith.constant 0 : i32
    %c0_i32_1 = arith.constant 0 : i32
    return %c0_i32, %c0_i32_0 : i32, i32
  }
  func.func @transform_11(%arg0: i32) -> (i32, i32) {
    %c0_i32 = arith.constant 0 : i32
    %c0_i32_0 = arith.constant 0 : i32
    %c0_i32_1 = arith.constant 0 : i32
    return %c0_i32, %c0_i32_0 : i32, i32
  }
  func.func @transform_12(%arg0: i32) -> (i32, i32) {
    %c0_i32 = arith.constant 0 : i32
    %c0_i32_0 = arith.constant 0 : i32
    return %arg0, %c0_i32 : i32, i32
  }
  func.func @transform_13(%arg0: i32) -> (i32, i32) {
    %c0_i32 = arith.constant 0 : i32
    %c0_i32_0 = arith.constant 0 : i32
    return %arg0, %c0_i32 : i32, i32
  }
  func.func @transform_14(%arg0: i32) -> (i32, i32) {
    %c0_i32 = arith.constant 0 : i32
    %c0_i32_0 = arith.constant 0 : i32
    return %arg0, %c0_i32 : i32, i32
  }
  func.func @transform_15(%arg0: i32) -> (i32, i32) {
    %c0_i32 = arith.constant 0 : i32
    %c0_i32_0 = arith.constant 0 : i32
    return %arg0, %c0_i32 : i32, i32
  }
  func.func @transform_16(%arg0: i32) -> (i32, i32) {
    %c0_i32 = arith.constant 0 : i32
    %c0_i32_0 = arith.constant 0 : i32
    return %arg0, %c0_i32 : i32, i32
  }
  func.func @transform_17(%arg0: i32) -> (i32, i32) {
    %c0_i32 = arith.constant 0 : i32
    %c0_i32_0 = arith.constant 0 : i32
    return %arg0, %c0_i32 : i32, i32
  }
}

module attributes {stable_mosaic.version = 14 : i64} {
  func.func @_q1_body(%arg0: i32, %arg1: memref<2000x128xf32, #tpu.memory_space<vmem>>, %arg2: memref<8x128xf32, #tpu.memory_space<vmem>>, %arg3: memref<2000x128xf32, #tpu.memory_space<vmem>>, %arg4: memref<2000x128xf32, #tpu.memory_space<vmem>>, %arg5: memref<1x128xf32, #tpu.memory_space<vmem>>, %arg6: memref<1x128xf32, #tpu.memory_space<vmem>>, %arg7: memref<128x128xf32, #tpu.memory_space<vmem>>, %arg8: memref<2000x128xf32, #tpu.memory_space<vmem>>, %arg9: memref<2000x128xf32, #tpu.memory_space<vmem>>, %arg10: memref<2000x128xf32, #tpu.memory_space<vmem>>) attributes {dimension_semantics = [#tpu.dimension_semantics<arbitrary>], iteration_bounds = array<i64: 5>, scalar_prefetch = 0 : i64, scratch_operands = 0 : i64, tpu.core_type = #tpu.core_type<tc>, window_params = [{transform_indices = @transform_0, window_bounds = array<i64: 2000, 128>}, {pipeline_mode = #tpu.pipeline_mode<synchronous>, transform_indices = @transform_1, window_bounds = array<i64: 8, 128>}, {transform_indices = @transform_2, window_bounds = array<i64: 2000, 128>}, {transform_indices = @transform_3, window_bounds = array<i64: 2000, 128>}, {pipeline_mode = #tpu.pipeline_mode<synchronous>, transform_indices = @transform_4, window_bounds = array<i64: 1, 128>}, {pipeline_mode = #tpu.pipeline_mode<synchronous>, transform_indices = @transform_5, window_bounds = array<i64: 1, 128>}, {pipeline_mode = #tpu.pipeline_mode<synchronous>, transform_indices = @transform_6, window_bounds = array<i64: 128, 128>}, {transform_indices = @transform_7, window_bounds = array<i64: 2000, 128>}, {transform_indices = @transform_8, window_bounds = array<i64: 2000, 128>}, {transform_indices = @transform_9, window_bounds = array<i64: 2000, 128>}]} {
    %get3A = arith.constant 0 : index
    %get3A_0 = arith.constant 0 : index
    %get3A_1 = vector.load %arg1[%get3A, %get3A_0] : memref<2000x128xf32, #tpu.memory_space<vmem>>, vector<2000x128xf32>
    %get3A_2 = arith.constant 0 : index
    %get3A_3 = arith.constant 0 : index
    %get3A_4 = vector.load %arg2[%get3A_2, %get3A_3] : memref<8x128xf32, #tpu.memory_space<vmem>>, vector<8x128xf32>
    %get3A_5 = arith.constant 0 : index
    %get3A_6 = arith.constant 0 : index
    %get3A_7 = vector.load %arg5[%get3A_5, %get3A_6] : memref<1x128xf32, #tpu.memory_space<vmem>>, vector<1x128xf32>
    %get3A_8 = arith.constant 0 : index
    %get3A_9 = arith.constant 0 : index
    %get3A_10 = vector.load %arg6[%get3A_8, %get3A_9] : memref<1x128xf32, #tpu.memory_space<vmem>>, vector<1x128xf32>
    %slice3A = vector.extract_strided_slice %get3A_4 {offsets = [0, 0], sizes = [1, 128], strides = [1, 1]} : vector<8x128xf32> to vector<1x128xf32>
    %slice3A_11 = vector.extract_strided_slice %get3A_4 {offsets = [1, 0], sizes = [1, 128], strides = [1, 1]} : vector<8x128xf32> to vector<1x128xf32>
    %mul3A = arith.constant 9.99999974E-5 : f32
    %mul3A_12 = vector.broadcast %mul3A : f32 to vector<1x128xf32>
    %mul3A_13 = arith.mulf %slice3A_11, %mul3A_12 : vector<1x128xf32>
    %sub3A = vector.broadcast %slice3A : vector<1x128xf32> to vector<2000x128xf32>
    %sub3A_14 = arith.subf %get3A_1, %sub3A : vector<2000x128xf32>
    %add3A = arith.constant 9.99999974E-6 : f32
    %add3A_15 = vector.broadcast %add3A : f32 to vector<1x128xf32>
    %add3A_16 = arith.addf %mul3A_13, %add3A_15 : vector<1x128xf32>
    %rsqrt3A = math.rsqrt %add3A_16 : vector<1x128xf32>
    %mul3A_17 = vector.broadcast %rsqrt3A : vector<1x128xf32> to vector<2000x128xf32>
    %mul3A_18 = arith.mulf %sub3A_14, %mul3A_17 : vector<2000x128xf32>
    %mul3A_19 = vector.broadcast %get3A_7 : vector<1x128xf32> to vector<2000x128xf32>
    %mul3A_20 = arith.mulf %mul3A_18, %mul3A_19 : vector<2000x128xf32>
    %add3A_21 = vector.broadcast %get3A_10 : vector<1x128xf32> to vector<2000x128xf32>
    %add3A_22 = arith.addf %mul3A_20, %add3A_21 : vector<2000x128xf32>
    %max3A = arith.constant 0.000000e+00 : f32
    %max3A_23 = vector.broadcast %max3A : f32 to vector<2000x128xf32>
    %max3A_24 = arith.maximumf %add3A_22, %max3A_23 : vector<2000x128xf32>
    %get3A_25 = arith.constant 0 : index
    %get3A_26 = arith.constant 0 : index
    %get3A_27 = vector.load %arg3[%get3A_25, %get3A_26] : memref<2000x128xf32, #tpu.memory_space<vmem>>, vector<2000x128xf32>
    %add3A_28 = arith.addf %max3A_24, %get3A_27 : vector<2000x128xf32>
    %get3A_29 = arith.constant 0 : index
    %get3A_30 = arith.constant 0 : index
    %get3A_31 = vector.load %arg7[%get3A_29, %get3A_30] : memref<128x128xf32, #tpu.memory_space<vmem>>, vector<128x128xf32>
    %dot_general3A = arith.constant dense<0.000000e+00> : vector<2000x128xf32>
    %dot_general3A_32 = tpu.matmul %add3A_28, %get3A_31, %dot_general3A {dimension_numbers = #tpu.dot_dimension_numbers<[1], [0], [0], [1], [0, 0, 1, 1], [], []>, precision = #tpu.contract_precision<fp32>, transpose_lhs_hint = false} : vector<2000x128xf32>, vector<128x128xf32>, vector<2000x128xf32> -> vector<2000x128xf32>
    %get3A_33 = arith.constant 0 : index
    %get3A_34 = arith.constant 0 : index
    %get3A_35 = vector.load %arg4[%get3A_33, %get3A_34] : memref<2000x128xf32, #tpu.memory_space<vmem>>, vector<2000x128xf32>
    %swap3A = arith.constant 0 : index
    %swap3A_36 = arith.constant 0 : index
    %swap3A_37 = vector.load %arg8[%swap3A, %swap3A_36] : memref<2000x128xf32, #tpu.memory_space<vmem>>, vector<2000x128xf32>
    tpu.vector_store %arg8[%swap3A, %swap3A_36], %add3A_28 {strides = array<i32>} : memref<2000x128xf32, #tpu.memory_space<vmem>>, vector<2000x128xf32>,
    %mul3A_38 = arith.mulf %dot_general3A_32, %get3A_35 : vector<2000x128xf32>
    %swap3A_39 = arith.constant 0 : index
    %swap3A_40 = arith.constant 0 : index
    %swap3A_41 = vector.load %arg9[%swap3A_39, %swap3A_40] : memref<2000x128xf32, #tpu.memory_space<vmem>>, vector<2000x128xf32>
    tpu.vector_store %arg9[%swap3A_39, %swap3A_40], %mul3A_38 {strides = array<i32>} : memref<2000x128xf32, #tpu.memory_space<vmem>>, vector<2000x128xf32>,
    %mul3A_42 = arith.mulf %get3A_35, %get3A_35 : vector<2000x128xf32>
    %mul3A_43 = arith.mulf %mul3A_42, %dot_general3A_32 : vector<2000x128xf32>
    %swap3A_44 = arith.constant 0 : index
    %swap3A_45 = arith.constant 0 : index
    %swap3A_46 = vector.load %arg10[%swap3A_44, %swap3A_45] : memref<2000x128xf32, #tpu.memory_space<vmem>>, vector<2000x128xf32>
    tpu.vector_store %arg10[%swap3A_44, %swap3A_45], %mul3A_43 {strides = array<i32>} : memref<2000x128xf32, #tpu.memory_space<vmem>>, vector<2000x128xf32>,
    return
  }
  func.func @transform_0(%arg0: i32) -> (i32, i32) {
    %c0_i32 = arith.constant 0 : i32
    %c0_i32_0 = arith.constant 0 : i32
    return %arg0, %c0_i32 : i32, i32
  }
  func.func @transform_1(%arg0: i32) -> (i32, i32) {
    %c0_i32 = arith.constant 0 : i32
    %c0_i32_0 = arith.constant 0 : i32
    %c0_i32_1 = arith.constant 0 : i32
    return %c0_i32, %c0_i32_0 : i32, i32
  }
  func.func @transform_2(%arg0: i32) -> (i32, i32) {
    %c0_i32 = arith.constant 0 : i32
    %c0_i32_0 = arith.constant 0 : i32
    return %arg0, %c0_i32 : i32, i32
  }
  func.func @transform_3(%arg0: i32) -> (i32, i32) {
    %c0_i32 = arith.constant 0 : i32
    %c0_i32_0 = arith.constant 0 : i32
    return %arg0, %c0_i32 : i32, i32
  }
  func.func @transform_4(%arg0: i32) -> (i32, i32) {
    %c0_i32 = arith.constant 0 : i32
    %c0_i32_0 = arith.constant 0 : i32
    %c0_i32_1 = arith.constant 0 : i32
    return %c0_i32, %c0_i32_0 : i32, i32
  }
  func.func @transform_5(%arg0: i32) -> (i32, i32) {
    %c0_i32 = arith.constant 0 : i32
    %c0_i32_0 = arith.constant 0 : i32
    %c0_i32_1 = arith.constant 0 : i32
    return %c0_i32, %c0_i32_0 : i32, i32
  }
  func.func @transform_6(%arg0: i32) -> (i32, i32) {
    %c0_i32 = arith.constant 0 : i32
    %c0_i32_0 = arith.constant 0 : i32
    %c0_i32_1 = arith.constant 0 : i32
    return %c0_i32, %c0_i32_0 : i32, i32
  }
  func.func @transform_7(%arg0: i32) -> (i32, i32) {
    %c0_i32 = arith.constant 0 : i32
    %c0_i32_0 = arith.constant 0 : i32
    return %arg0, %c0_i32 : i32, i32
  }
  func.func @transform_8(%arg0: i32) -> (i32, i32) {
    %c0_i32 = arith.constant 0 : i32
    %c0_i32_0 = arith.constant 0 : i32
    return %arg0, %c0_i32 : i32, i32
  }
  func.func @transform_9(%arg0: i32) -> (i32, i32) {
    %c0_i32 = arith.constant 0 : i32
    %c0_i32_0 = arith.constant 0 : i32
    return %arg0, %c0_i32 : i32, i32
  }
}

module attributes {stable_mosaic.version = 14 : i64} {
  func.func @_p_body(%arg0: i32, %arg1: memref<2x2000x128xf32, #tpu.memory_space<vmem>>, %arg2: memref<2000x128xf32, #tpu.memory_space<vmem>>, %arg3: memref<2000x128xf32, #tpu.memory_space<vmem>>, %arg4: memref<1x128xf32, #tpu.memory_space<vmem>>, %arg5: memref<2000x128xf32, #tpu.memory_space<vmem>>, %arg6: memref<8x128xf32, #tpu.memory_space<vmem>>) attributes {dimension_semantics = [#tpu.dimension_semantics<arbitrary>], iteration_bounds = array<i64: 5>, scalar_prefetch = 0 : i64, scratch_operands = 0 : i64, tpu.core_type = #tpu.core_type<tc>, window_params = [{transform_indices = @transform_0, window_bounds = array<i64: 2, 2000, 128>}, {transform_indices = @transform_1, window_bounds = array<i64: 2000, 128>}, {transform_indices = @transform_2, window_bounds = array<i64: 2000, 128>}, {pipeline_mode = #tpu.pipeline_mode<synchronous>, transform_indices = @transform_3, window_bounds = array<i64: 1, 128>}, {transform_indices = @transform_4, window_bounds = array<i64: 2000, 128>}, {pipeline_mode = #tpu.pipeline_mode<synchronous>, transform_indices = @transform_5, window_bounds = array<i64: 8, 128>}]} {
    %get3A = arith.constant 0 : index
    %get3A_0 = arith.constant 0 : index
    %get3A_1 = arith.constant 0 : index
    %get3A_2 = vector.load %arg1[%get3A, %get3A_0, %get3A_1] : memref<2x2000x128xf32, #tpu.memory_space<vmem>>, vector<1x2000x128xf32>
    %get3A_3 = vector.shape_cast %get3A_2 : vector<1x2000x128xf32> to vector<2000x128xf32>
    %get3A_4 = arith.constant 1 : index
    %get3A_5 = arith.constant 0 : index
    %get3A_6 = arith.constant 0 : index
    %get3A_7 = vector.load %arg1[%get3A_4, %get3A_5, %get3A_6] : memref<2x2000x128xf32, #tpu.memory_space<vmem>>, vector<1x2000x128xf32>
    %get3A_8 = vector.shape_cast %get3A_7 : vector<1x2000x128xf32> to vector<2000x128xf32>
    %add3A = arith.addf %get3A_3, %get3A_8 : vector<2000x128xf32>
    %get3A_9 = arith.constant 0 : index
    %get3A_10 = arith.constant 0 : index
    %get3A_11 = vector.load %arg3[%get3A_9, %get3A_10] : memref<2000x128xf32, #tpu.memory_space<vmem>>, vector<2000x128xf32>
    %mul3A = arith.mulf %get3A_11, %add3A : vector<2000x128xf32>
    %get3A_12 = arith.constant 0 : index
    %get3A_13 = arith.constant 0 : index
    %get3A_14 = vector.load %arg2[%get3A_12, %get3A_13] : memref<2000x128xf32, #tpu.memory_space<vmem>>, vector<2000x128xf32>
    %add3A_15 = arith.addf %mul3A, %get3A_14 : vector<2000x128xf32>
    %get3A_16 = arith.constant 0 : index
    %get3A_17 = arith.constant 0 : index
    %get3A_18 = vector.load %arg4[%get3A_16, %get3A_17] : memref<1x128xf32, #tpu.memory_space<vmem>>, vector<1x128xf32>
    %add3A_19 = vector.broadcast %get3A_18 : vector<1x128xf32> to vector<2000x128xf32>
    %add3A_20 = arith.addf %add3A_15, %add3A_19 : vector<2000x128xf32>
    %swap3A = arith.constant 0 : index
    %swap3A_21 = arith.constant 0 : index
    %swap3A_22 = vector.load %arg5[%swap3A, %swap3A_21] : memref<2000x128xf32, #tpu.memory_space<vmem>>, vector<2000x128xf32>
    tpu.vector_store %arg5[%swap3A, %swap3A_21], %add3A_20 {strides = array<i32>} : memref<2000x128xf32, #tpu.memory_space<vmem>>, vector<2000x128xf32>,
    %reduce_sum3A = arith.constant dense<0.000000e+00> : vector<128xf32>
    %reduce_sum3A_23 = vector.multi_reduction <add>, %add3A_20, %reduce_sum3A [0] : vector<2000x128xf32> to vector<128xf32>
    %broadcast_in_dim3A = vector.shape_cast %reduce_sum3A_23 : vector<128xf32> to vector<1x128xf32>
    %mul3A_24 = arith.constant 5.000000e-04 : f32
    %mul3A_25 = vector.broadcast %mul3A_24 : f32 to vector<1x128xf32>
    %mul3A_26 = arith.mulf %broadcast_in_dim3A, %mul3A_25 : vector<1x128xf32>
    %sub3A = vector.broadcast %mul3A_26 : vector<1x128xf32> to vector<2000x128xf32>
    %sub3A_27 = arith.subf %add3A_20, %sub3A : vector<2000x128xf32>
    %mul3A_28 = arith.mulf %sub3A_27, %sub3A_27 : vector<2000x128xf32>
    %reduce_sum3A_29 = arith.constant dense<0.000000e+00> : vector<128xf32>
    %reduce_sum3A_30 = vector.multi_reduction <add>, %mul3A_28, %reduce_sum3A_29 [0] : vector<2000x128xf32> to vector<128xf32>
    %broadcast_in_dim3A_31 = vector.shape_cast %reduce_sum3A_30 : vector<128xf32> to vector<1x128xf32>
    %broadcast_in_dim3A_32 = arith.constant 0.000000e+00 : f32
    %broadcast_in_dim3A_33 = vector.broadcast %broadcast_in_dim3A_32 : f32 to vector<6x128xf32>
    %eq3A = arith.constant 0 : i32
    %eq3A_34 = arith.cmpi eq, %arg0, %eq3A : i32
    %convert_element_type3A = arith.extui %eq3A_34 : i1 to i32
    %cond3A = arith.constant 0 : i32
    %cond3A_35 = arith.cmpi ne, %convert_element_type3A, %cond3A : i32
    scf.if %cond3A_35 {
      %concatenate3A = tpu.concatenate %mul3A_26, %broadcast_in_dim3A_31, %broadcast_in_dim3A_33 in 0 : vector<1x128xf32>, vector<1x128xf32>, vector<6x128xf32> -> vector<8x128xf32>
      %swap3A_40 = arith.constant 0 : index
      %swap3A_41 = arith.constant 0 : index
      %swap3A_42 = vector.load %arg6[%swap3A_40, %swap3A_41] : memref<8x128xf32, #tpu.memory_space<vmem>>, vector<8x128xf32>
      tpu.vector_store %arg6[%swap3A_40, %swap3A_41], %concatenate3A {strides = array<i32>} : memref<8x128xf32, #tpu.memory_space<vmem>>, vector<8x128xf32>,
    } else {
    }
    %gt3A = arith.constant 0 : i32
    %gt3A_36 = arith.cmpi sgt, %arg0, %gt3A : i32
    %convert_element_type3A_37 = arith.extui %gt3A_36 : i1 to i32
    %cond3A_38 = arith.constant 0 : i32
    %cond3A_39 = arith.cmpi ne, %convert_element_type3A_37, %cond3A_38 : i32
    scf.if %cond3A_39 {
      %convert_element_type3A_40 = arith.sitofp %arg0 : i32 to f32
      %mul3A_41 = arith.constant 2.000000e+03 : f32
      %mul3A_42 = arith.mulf %convert_element_type3A_40, %mul3A_41 : f32
      %add3A_43 = arith.constant 2.000000e+03 : f32
      %add3A_44 = arith.addf %mul3A_42, %add3A_43 : f32
      %get3A_45 = arith.constant 0 : index
      %get3A_46 = arith.constant 0 : index
      %get3A_47 = vector.load %arg6[%get3A_45, %get3A_46] : memref<8x128xf32, #tpu.memory_space<vmem>>, vector<1x128xf32>
      %get3A_48 = arith.constant 1 : index
      %get3A_49 = arith.constant 0 : index
      %get3A_50 = vector.load %arg6[%get3A_48, %get3A_49] : memref<8x128xf32, #tpu.memory_space<vmem>>, vector<1x128xf32>
      %sub3A_51 = arith.subf %mul3A_26, %get3A_47 : vector<1x128xf32>
      %div3A = arith.constant 2.000000e+03 : f32
      %div3A_52 = arith.divf %div3A, %add3A_44 : f32
      %mul3A_53 = vector.broadcast %div3A_52 : f32 to vector<1x128xf32>
      %mul3A_54 = arith.mulf %sub3A_51, %mul3A_53 : vector<1x128xf32>
      %add3A_55 = arith.addf %get3A_47, %mul3A_54 : vector<1x128xf32>
      %add3A_56 = arith.addf %get3A_50, %broadcast_in_dim3A_31 : vector<1x128xf32>
      %mul3A_57 = arith.mulf %sub3A_51, %sub3A_51 : vector<1x128xf32>
      %mul3A_58 = arith.constant 2.000000e+03 : f32
      %mul3A_59 = arith.mulf %mul3A_42, %mul3A_58 : f32
      %div3A_60 = arith.divf %mul3A_59, %add3A_44 : f32
      %mul3A_61 = vector.broadcast %div3A_60 : f32 to vector<1x128xf32>
      %mul3A_62 = arith.mulf %mul3A_57, %mul3A_61 : vector<1x128xf32>
      %add3A_63 = arith.addf %add3A_56, %mul3A_62 : vector<1x128xf32>
      %concatenate3A = tpu.concatenate %add3A_55, %add3A_63, %broadcast_in_dim3A_33 in 0 : vector<1x128xf32>, vector<1x128xf32>, vector<6x128xf32> -> vector<8x128xf32>
      %swap3A_64 = arith.constant 0 : index
      %swap3A_65 = arith.constant 0 : index
      %swap3A_66 = vector.load %arg6[%swap3A_64, %swap3A_65] : memref<8x128xf32, #tpu.memory_space<vmem>>, vector<8x128xf32>
      tpu.vector_store %arg6[%swap3A_64, %swap3A_65], %concatenate3A {strides = array<i32>} : memref<8x128xf32, #tpu.memory_space<vmem>>, vector<8x128xf32>,
    } else {
    }
    return
  }
  func.func @transform_0(%arg0: i32) -> (i32, i32, i32) {
    %c0_i32 = arith.constant 0 : i32
    %c0_i32_0 = arith.constant 0 : i32
    %c0_i32_1 = arith.constant 0 : i32
    return %c0_i32, %arg0, %c0_i32_0 : i32, i32, i32
  }
  func.func @transform_1(%arg0: i32) -> (i32, i32) {
    %c0_i32 = arith.constant 0 : i32
    %c0_i32_0 = arith.constant 0 : i32
    return %arg0, %c0_i32 : i32, i32
  }
  func.func @transform_2(%arg0: i32) -> (i32, i32) {
    %c0_i32 = arith.constant 0 : i32
    %c0_i32_0 = arith.constant 0 : i32
    return %arg0, %c0_i32 : i32, i32
  }
  func.func @transform_3(%arg0: i32) -> (i32, i32) {
    %c0_i32 = arith.constant 0 : i32
    %c0_i32_0 = arith.constant 0 : i32
    %c0_i32_1 = arith.constant 0 : i32
    return %c0_i32, %c0_i32_0 : i32, i32
  }
  func.func @transform_4(%arg0: i32) -> (i32, i32) {
    %c0_i32 = arith.constant 0 : i32
    %c0_i32_0 = arith.constant 0 : i32
    return %arg0, %c0_i32 : i32, i32
  }
  func.func @transform_5(%arg0: i32) -> (i32, i32) {
    %c0_i32 = arith.constant 0 : i32
    %c0_i32_0 = arith.constant 0 : i32
    %c0_i32_1 = arith.constant 0 : i32
    return %c0_i32, %c0_i32_0 : i32, i32
  }
}

module attributes {stable_mosaic.version = 14 : i64} {
  func.func @_q2_body(%arg0: i32, %arg1: memref<2000x128xf32, #tpu.memory_space<vmem>>, %arg2: memref<8x128xf32, #tpu.memory_space<vmem>>, %arg3: memref<2000x128xf32, #tpu.memory_space<vmem>>, %arg4: memref<2000x128xf32, #tpu.memory_space<vmem>>, %arg5: memref<2000x128xf32, #tpu.memory_space<vmem>>, %arg6: memref<1x128xf32, #tpu.memory_space<vmem>>, %arg7: memref<1x128xf32, #tpu.memory_space<vmem>>, %arg8: memref<128x1xf32, #tpu.memory_space<vmem>>, %arg9: memref<128x1xf32, #tpu.memory_space<vmem>>, %arg10: memref<1x1xf32, #tpu.memory_space<vmem>>, %arg11: memref<128x128xf32, #tpu.memory_space<vmem>>, %arg12: memref<2000x128xf32, #tpu.memory_space<vmem>>, %arg13: memref<2000x128xf32, #tpu.memory_space<vmem>>) attributes {dimension_semantics = [#tpu.dimension_semantics<arbitrary>], iteration_bounds = array<i64: 5>, scalar_prefetch = 0 : i64, scratch_operands = 0 : i64, tpu.core_type = #tpu.core_type<tc>, window_params = [{transform_indices = @transform_0, window_bounds = array<i64: 2000, 128>}, {pipeline_mode = #tpu.pipeline_mode<synchronous>, transform_indices = @transform_1, window_bounds = array<i64: 8, 128>}, {transform_indices = @transform_2, window_bounds = array<i64: 2000, 128>}, {transform_indices = @transform_3, window_bounds = array<i64: 2000, 128>}, {transform_indices = @transform_4, window_bounds = array<i64: 2000, 128>}, {pipeline_mode = #tpu.pipeline_mode<synchronous>, transform_indices = @transform_5, window_bounds = array<i64: 1, 128>}, {pipeline_mode = #tpu.pipeline_mode<synchronous>, transform_indices = @transform_6, window_bounds = array<i64: 1, 128>}, {pipeline_mode = #tpu.pipeline_mode<synchronous>, transform_indices = @transform_7, window_bounds = array<i64: 128, 1>}, {pipeline_mode = #tpu.pipeline_mode<synchronous>, transform_indices = @transform_8, window_bounds = array<i64: 128, 1>}, {pipeline_mode = #tpu.pipeline_mode<synchronous>, transform_indices = @transform_9, window_bounds = array<i64: 1, 1>}, {pipeline_mode = #tpu.pipeline_mode<synchronous>, transform_indices = @transform_10, window_bounds = array<i64: 128, 128>}, {transform_indices = @transform_11, window_bounds = array<i64: 2000, 128>}, {transform_indices = @transform_12, window_bounds = array<i64: 2000, 128>}]} {
    %get3A = arith.constant 0 : index
    %get3A_0 = arith.constant 0 : index
    %get3A_1 = vector.load %arg1[%get3A, %get3A_0] : memref<2000x128xf32, #tpu.memory_space<vmem>>, vector<2000x128xf32>
    %get3A_2 = arith.constant 0 : index
    %get3A_3 = arith.constant 0 : index
    %get3A_4 = vector.load %arg2[%get3A_2, %get3A_3] : memref<8x128xf32, #tpu.memory_space<vmem>>, vector<8x128xf32>
    %get3A_5 = arith.constant 0 : index
    %get3A_6 = arith.constant 0 : index
    %get3A_7 = vector.load %arg6[%get3A_5, %get3A_6] : memref<1x128xf32, #tpu.memory_space<vmem>>, vector<1x128xf32>
    %get3A_8 = arith.constant 0 : index
    %get3A_9 = arith.constant 0 : index
    %get3A_10 = vector.load %arg7[%get3A_8, %get3A_9] : memref<1x128xf32, #tpu.memory_space<vmem>>, vector<1x128xf32>
    %slice3A = vector.extract_strided_slice %get3A_4 {offsets = [0, 0], sizes = [1, 128], strides = [1, 1]} : vector<8x128xf32> to vector<1x128xf32>
    %slice3A_11 = vector.extract_strided_slice %get3A_4 {offsets = [1, 0], sizes = [1, 128], strides = [1, 1]} : vector<8x128xf32> to vector<1x128xf32>
    %mul3A = arith.constant 9.99999974E-5 : f32
    %mul3A_12 = vector.broadcast %mul3A : f32 to vector<1x128xf32>
    %mul3A_13 = arith.mulf %slice3A_11, %mul3A_12 : vector<1x128xf32>
    %sub3A = vector.broadcast %slice3A : vector<1x128xf32> to vector<2000x128xf32>
    %sub3A_14 = arith.subf %get3A_1, %sub3A : vector<2000x128xf32>
    %add3A = arith.constant 9.99999974E-6 : f32
    %add3A_15 = vector.broadcast %add3A : f32 to vector<1x128xf32>
    %add3A_16 = arith.addf %mul3A_13, %add3A_15 : vector<1x128xf32>
    %rsqrt3A = math.rsqrt %add3A_16 : vector<1x128xf32>
    %mul3A_17 = vector.broadcast %rsqrt3A : vector<1x128xf32> to vector<2000x128xf32>
    %mul3A_18 = arith.mulf %sub3A_14, %mul3A_17 : vector<2000x128xf32>
    %mul3A_19 = vector.broadcast %get3A_7 : vector<1x128xf32> to vector<2000x128xf32>
    %mul3A_20 = arith.mulf %mul3A_18, %mul3A_19 : vector<2000x128xf32>
    %add3A_21 = vector.broadcast %get3A_10 : vector<1x128xf32> to vector<2000x128xf32>
    %add3A_22 = arith.addf %mul3A_20, %add3A_21 : vector<2000x128xf32>
    %max3A = arith.constant 0.000000e+00 : f32
    %max3A_23 = vector.broadcast %max3A : f32 to vector<2000x128xf32>
    %max3A_24 = arith.maximumf %add3A_22, %max3A_23 : vector<2000x128xf32>
    %get3A_25 = arith.constant 0 : index
    %get3A_26 = arith.constant 0 : index
    %get3A_27 = vector.load %arg3[%get3A_25, %get3A_26] : memref<2000x128xf32, #tpu.memory_space<vmem>>, vector<2000x128xf32>
    %add3A_28 = arith.addf %max3A_24, %get3A_27 : vector<2000x128xf32>
    %get3A_29 = arith.constant 0 : index
    %get3A_30 = arith.constant 0 : index
    %get3A_31 = vector.load %arg4[%get3A_29, %get3A_30] : memref<2000x128xf32, #tpu.memory_space<vmem>>, vector<2000x128xf32>
    %get3A_32 = arith.constant 0 : index
    %get3A_33 = arith.constant 0 : index
    %get3A_34 = vector.load %arg8[%get3A_32, %get3A_33] : memref<128x1xf32, #tpu.memory_space<vmem>>, vector<128x1xf32>
    %dot_general3A = arith.constant dense<0.000000e+00> : vector<2000x1xf32>
    %dot_general3A_35 = tpu.matmul %add3A_28, %get3A_34, %dot_general3A {dimension_numbers = #tpu.dot_dimension_numbers<[1], [0], [0], [1], [0, 0, 1, 1], [], []>, precision = #tpu.contract_precision<fp32>, transpose_lhs_hint = false} : vector<2000x128xf32>, vector<128x1xf32>, vector<2000x1xf32> -> vector<2000x1xf32>
    %get3A_36 = arith.constant 0 : index
    %get3A_37 = arith.constant 0 : index
    %get3A_38 = vector.load %arg9[%get3A_36, %get3A_37] : memref<128x1xf32, #tpu.memory_space<vmem>>, vector<128x1xf32>
    %dot_general3A_39 = arith.constant dense<0.000000e+00> : vector<2000x1xf32>
    %dot_general3A_40 = tpu.matmul %get3A_31, %get3A_38, %dot_general3A_39 {dimension_numbers = #tpu.dot_dimension_numbers<[1], [0], [0], [1], [0, 0, 1, 1], [], []>, precision = #tpu.contract_precision<fp32>, transpose_lhs_hint = false} : vector<2000x128xf32>, vector<128x1xf32>, vector<2000x1xf32> -> vector<2000x1xf32>
    %add3A_41 = arith.addf %dot_general3A_35, %dot_general3A_40 : vector<2000x1xf32>
    %get3A_42 = arith.constant 0 : index
    %get3A_43 = arith.constant 0 : index
    %get3A_44 = vector.load %arg10[%get3A_42, %get3A_43] : memref<1x1xf32, #tpu.memory_space<vmem>>, vector<1x1xf32>
    %add3A_45 = vector.broadcast %get3A_44 : vector<1x1xf32> to vector<2000x1xf32>
    %add3A_46 = arith.addf %add3A_41, %add3A_45 : vector<2000x1xf32>
    %logistic3A = arith.negf %add3A_46 : vector<2000x1xf32>
    %logistic3A_47 = math.exp %logistic3A : vector<2000x1xf32>
    %logistic3A_48 = arith.constant 1.000000e+00 : f32
    %logistic3A_49 = vector.broadcast %logistic3A_48 : f32 to vector<2000x1xf32>
    %logistic3A_50 = arith.addf %logistic3A_49, %logistic3A_47 : vector<2000x1xf32>
    %logistic3A_51 = arith.divf %logistic3A_49, %logistic3A_50 : vector<2000x1xf32>
    %mul3A_52 = vector.broadcast %logistic3A_51 : vector<2000x1xf32> to vector<2000x128xf32>
    %mul3A_53 = arith.mulf %mul3A_52, %add3A_28 : vector<2000x128xf32>
    %sub3A_54 = arith.constant 1.000000e+00 : f32
    %sub3A_55 = vector.broadcast %sub3A_54 : f32 to vector<2000x1xf32>
    %sub3A_56 = arith.subf %sub3A_55, %logistic3A_51 : vector<2000x1xf32>
    %mul3A_57 = vector.broadcast %sub3A_56 : vector<2000x1xf32> to vector<2000x128xf32>
    %mul3A_58 = arith.mulf %mul3A_57, %get3A_31 : vector<2000x128xf32>
    %add3A_59 = arith.addf %mul3A_53, %mul3A_58 : vector<2000x128xf32>
    %get3A_60 = arith.constant 0 : index
    %get3A_61 = arith.constant 0 : index
    %get3A_62 = vector.load %arg11[%get3A_60, %get3A_61] : memref<128x128xf32, #tpu.memory_space<vmem>>, vector<128x128xf32>
    %dot_general3A_63 = arith.constant dense<0.000000e+00> : vector<2000x128xf32>
    %dot_general3A_64 = tpu.matmul %add3A_59, %get3A_62, %dot_general3A_63 {dimension_numbers = #tpu.dot_dimension_numbers<[1], [0], [0], [1], [0, 0, 1, 1], [], []>, precision = #tpu.contract_precision<fp32>, transpose_lhs_hint = false} : vector<2000x128xf32>, vector<128x128xf32>, vector<2000x128xf32> -> vector<2000x128xf32>
    %get3A_65 = arith.constant 0 : index
    %get3A_66 = arith.constant 0 : index
    %get3A_67 = vector.load %arg5[%get3A_65, %get3A_66] : memref<2000x128xf32, #tpu.memory_space<vmem>>, vector<2000x128xf32>
    %mul3A_68 = arith.mulf %dot_general3A_64, %get3A_67 : vector<2000x128xf32>
    %swap3A = arith.constant 0 : index
    %swap3A_69 = arith.constant 0 : index
    %swap3A_70 = vector.load %arg12[%swap3A, %swap3A_69] : memref<2000x128xf32, #tpu.memory_space<vmem>>, vector<2000x128xf32>
    tpu.vector_store %arg12[%swap3A, %swap3A_69], %mul3A_68 {strides = array<i32>} : memref<2000x128xf32, #tpu.memory_space<vmem>>, vector<2000x128xf32>,
    %mul3A_71 = arith.mulf %get3A_67, %get3A_67 : vector<2000x128xf32>
    %mul3A_72 = arith.mulf %mul3A_71, %dot_general3A_64 : vector<2000x128xf32>
    %swap3A_73 = arith.constant 0 : index
    %swap3A_74 = arith.constant 0 : index
    %swap3A_75 = vector.load %arg13[%swap3A_73, %swap3A_74] : memref<2000x128xf32, #tpu.memory_space<vmem>>, vector<2000x128xf32>
    tpu.vector_store %arg13[%swap3A_73, %swap3A_74], %mul3A_72 {strides = array<i32>} : memref<2000x128xf32, #tpu.memory_space<vmem>>, vector<2000x128xf32>,
    return
  }
  func.func @transform_0(%arg0: i32) -> (i32, i32) {
    %c0_i32 = arith.constant 0 : i32
    %c0_i32_0 = arith.constant 0 : i32
    return %arg0, %c0_i32 : i32, i32
  }
  func.func @transform_1(%arg0: i32) -> (i32, i32) {
    %c0_i32 = arith.constant 0 : i32
    %c0_i32_0 = arith.constant 0 : i32
    %c0_i32_1 = arith.constant 0 : i32
    return %c0_i32, %c0_i32_0 : i32, i32
  }
  func.func @transform_2(%arg0: i32) -> (i32, i32) {
    %c0_i32 = arith.constant 0 : i32
    %c0_i32_0 = arith.constant 0 : i32
    return %arg0, %c0_i32 : i32, i32
  }
  func.func @transform_3(%arg0: i32) -> (i32, i32) {
    %c0_i32 = arith.constant 0 : i32
    %c0_i32_0 = arith.constant 0 : i32
    return %arg0, %c0_i32 : i32, i32
  }
  func.func @transform_4(%arg0: i32) -> (i32, i32) {
    %c0_i32 = arith.constant 0 : i32
    %c0_i32_0 = arith.constant 0 : i32
    return %arg0, %c0_i32 : i32, i32
  }
  func.func @transform_5(%arg0: i32) -> (i32, i32) {
    %c0_i32 = arith.constant 0 : i32
    %c0_i32_0 = arith.constant 0 : i32
    %c0_i32_1 = arith.constant 0 : i32
    return %c0_i32, %c0_i32_0 : i32, i32
  }
  func.func @transform_6(%arg0: i32) -> (i32, i32) {
    %c0_i32 = arith.constant 0 : i32
    %c0_i32_0 = arith.constant 0 : i32
    %c0_i32_1 = arith.constant 0 : i32
    return %c0_i32, %c0_i32_0 : i32, i32
  }
  func.func @transform_7(%arg0: i32) -> (i32, i32) {
    %c0_i32 = arith.constant 0 : i32
    %c0_i32_0 = arith.constant 0 : i32
    %c0_i32_1 = arith.constant 0 : i32
    return %c0_i32, %c0_i32_0 : i32, i32
  }
  func.func @transform_8(%arg0: i32) -> (i32, i32) {
    %c0_i32 = arith.constant 0 : i32
    %c0_i32_0 = arith.constant 0 : i32
    %c0_i32_1 = arith.constant 0 : i32
    return %c0_i32, %c0_i32_0 : i32, i32
  }
  func.func @transform_9(%arg0: i32) -> (i32, i32) {
    %c0_i32 = arith.constant 0 : i32
    %c0_i32_0 = arith.constant 0 : i32
    %c0_i32_1 = arith.constant 0 : i32
    return %c0_i32, %c0_i32_0 : i32, i32
  }
  func.func @transform_10(%arg0: i32) -> (i32, i32) {
    %c0_i32 = arith.constant 0 : i32
    %c0_i32_0 = arith.constant 0 : i32
    %c0_i32_1 = arith.constant 0 : i32
    return %c0_i32, %c0_i32_0 : i32, i32
  }
  func.func @transform_11(%arg0: i32) -> (i32, i32) {
    %c0_i32 = arith.constant 0 : i32
    %c0_i32_0 = arith.constant 0 : i32
    return %arg0, %c0_i32 : i32, i32
  }
  func.func @transform_12(%arg0: i32) -> (i32, i32) {
    %c0_i32 = arith.constant 0 : i32
    %c0_i32_0 = arith.constant 0 : i32
    return %arg0, %c0_i32 : i32, i32
  }
}

module attributes {stable_mosaic.version = 14 : i64} {
  func.func @_q3_body(%arg0: i32, %arg1: memref<2000x128xf32, #tpu.memory_space<vmem>>, %arg2: memref<8x128xf32, #tpu.memory_space<vmem>>, %arg3: memref<2000x128xf32, #tpu.memory_space<vmem>>, %arg4: memref<1x128xf32, #tpu.memory_space<vmem>>, %arg5: memref<1x128xf32, #tpu.memory_space<vmem>>, %arg6: memref<128x1xf32, #tpu.memory_space<vmem>>, %arg7: memref<128x1xf32, #tpu.memory_space<vmem>>, %arg8: memref<1x1xf32, #tpu.memory_space<vmem>>, %arg9: memref<128x64xf32, #tpu.memory_space<vmem>>, %arg10: memref<1x64xf32, #tpu.memory_space<vmem>>, %arg11: memref<64x1xf32, #tpu.memory_space<vmem>>, %arg12: memref<1x1xf32, #tpu.memory_space<vmem>>, %arg13: memref<2000x1xf32, #tpu.memory_space<vmem>>) attributes {dimension_semantics = [#tpu.dimension_semantics<arbitrary>], iteration_bounds = array<i64: 5>, scalar_prefetch = 0 : i64, scratch_operands = 0 : i64, tpu.core_type = #tpu.core_type<tc>, window_params = [{transform_indices = @transform_0, window_bounds = array<i64: 2000, 128>}, {pipeline_mode = #tpu.pipeline_mode<synchronous>, transform_indices = @transform_1, window_bounds = array<i64: 8, 128>}, {transform_indices = @transform_2, window_bounds = array<i64: 2000, 128>}, {pipeline_mode = #tpu.pipeline_mode<synchronous>, transform_indices = @transform_3, window_bounds = array<i64: 1, 128>}, {pipeline_mode = #tpu.pipeline_mode<synchronous>, transform_indices = @transform_4, window_bounds = array<i64: 1, 128>}, {pipeline_mode = #tpu.pipeline_mode<synchronous>, transform_indices = @transform_5, window_bounds = array<i64: 128, 1>}, {pipeline_mode = #tpu.pipeline_mode<synchronous>, transform_indices = @transform_6, window_bounds = array<i64: 128, 1>}, {pipeline_mode = #tpu.pipeline_mode<synchronous>, transform_indices = @transform_7, window_bounds = array<i64: 1, 1>}, {pipeline_mode = #tpu.pipeline_mode<synchronous>, transform_indices = @transform_8, window_bounds = array<i64: 128, 64>}, {pipeline_mode = #tpu.pipeline_mode<synchronous>, transform_indices = @transform_9, window_bounds = array<i64: 1, 64>}, {pipeline_mode = #tpu.pipeline_mode<synchronous>, transform_indices = @transform_10, window_bounds = array<i64: 64, 1>}, {pipeline_mode = #tpu.pipeline_mode<synchronous>, transform_indices = @transform_11, window_bounds = array<i64: 1, 1>}, {transform_indices = @transform_12, window_bounds = array<i64: 2000, 1>}]} {
    %get3A = arith.constant 0 : index
    %get3A_0 = arith.constant 0 : index
    %get3A_1 = vector.load %arg1[%get3A, %get3A_0] : memref<2000x128xf32, #tpu.memory_space<vmem>>, vector<2000x128xf32>
    %get3A_2 = arith.constant 0 : index
    %get3A_3 = arith.constant 0 : index
    %get3A_4 = vector.load %arg2[%get3A_2, %get3A_3] : memref<8x128xf32, #tpu.memory_space<vmem>>, vector<8x128xf32>
    %get3A_5 = arith.constant 0 : index
    %get3A_6 = arith.constant 0 : index
    %get3A_7 = vector.load %arg4[%get3A_5, %get3A_6] : memref<1x128xf32, #tpu.memory_space<vmem>>, vector<1x128xf32>
    %get3A_8 = arith.constant 0 : index
    %get3A_9 = arith.constant 0 : index
    %get3A_10 = vector.load %arg5[%get3A_8, %get3A_9] : memref<1x128xf32, #tpu.memory_space<vmem>>, vector<1x128xf32>
    %slice3A = vector.extract_strided_slice %get3A_4 {offsets = [0, 0], sizes = [1, 128], strides = [1, 1]} : vector<8x128xf32> to vector<1x128xf32>
    %slice3A_11 = vector.extract_strided_slice %get3A_4 {offsets = [1, 0], sizes = [1, 128], strides = [1, 1]} : vector<8x128xf32> to vector<1x128xf32>
    %mul3A = arith.constant 9.99999974E-5 : f32
    %mul3A_12 = vector.broadcast %mul3A : f32 to vector<1x128xf32>
    %mul3A_13 = arith.mulf %slice3A_11, %mul3A_12 : vector<1x128xf32>
    %sub3A = vector.broadcast %slice3A : vector<1x128xf32> to vector<2000x128xf32>
    %sub3A_14 = arith.subf %get3A_1, %sub3A : vector<2000x128xf32>
    %add3A = arith.constant 9.99999974E-6 : f32
    %add3A_15 = vector.broadcast %add3A : f32 to vector<1x128xf32>
    %add3A_16 = arith.addf %mul3A_13, %add3A_15 : vector<1x128xf32>
    %rsqrt3A = math.rsqrt %add3A_16 : vector<1x128xf32>
    %mul3A_17 = vector.broadcast %rsqrt3A : vector<1x128xf32> to vector<2000x128xf32>
    %mul3A_18 = arith.mulf %sub3A_14, %mul3A_17 : vector<2000x128xf32>
    %mul3A_19 = vector.broadcast %get3A_7 : vector<1x128xf32> to vector<2000x128xf32>
    %mul3A_20 = arith.mulf %mul3A_18, %mul3A_19 : vector<2000x128xf32>
    %add3A_21 = vector.broadcast %get3A_10 : vector<1x128xf32> to vector<2000x128xf32>
    %add3A_22 = arith.addf %mul3A_20, %add3A_21 : vector<2000x128xf32>
    %get3A_23 = arith.constant 0 : index
    %get3A_24 = arith.constant 0 : index
    %get3A_25 = vector.load %arg3[%get3A_23, %get3A_24] : memref<2000x128xf32, #tpu.memory_space<vmem>>, vector<2000x128xf32>
    %get3A_26 = arith.constant 0 : index
    %get3A_27 = arith.constant 0 : index
    %get3A_28 = vector.load %arg6[%get3A_26, %get3A_27] : memref<128x1xf32, #tpu.memory_space<vmem>>, vector<128x1xf32>
    %dot_general3A = arith.constant dense<0.000000e+00> : vector<2000x1xf32>
    %dot_general3A_29 = tpu.matmul %add3A_22, %get3A_28, %dot_general3A {dimension_numbers = #tpu.dot_dimension_numbers<[1], [0], [0], [1], [0, 0, 1, 1], [], []>, precision = #tpu.contract_precision<fp32>, transpose_lhs_hint = false} : vector<2000x128xf32>, vector<128x1xf32>, vector<2000x1xf32> -> vector<2000x1xf32>
    %get3A_30 = arith.constant 0 : index
    %get3A_31 = arith.constant 0 : index
    %get3A_32 = vector.load %arg7[%get3A_30, %get3A_31] : memref<128x1xf32, #tpu.memory_space<vmem>>, vector<128x1xf32>
    %dot_general3A_33 = arith.constant dense<0.000000e+00> : vector<2000x1xf32>
    %dot_general3A_34 = tpu.matmul %get3A_25, %get3A_32, %dot_general3A_33 {dimension_numbers = #tpu.dot_dimension_numbers<[1], [0], [0], [1], [0, 0, 1, 1], [], []>, precision = #tpu.contract_precision<fp32>, transpose_lhs_hint = false} : vector<2000x128xf32>, vector<128x1xf32>, vector<2000x1xf32> -> vector<2000x1xf32>
    %add3A_35 = arith.addf %dot_general3A_29, %dot_general3A_34 : vector<2000x1xf32>
    %get3A_36 = arith.constant 0 : index
    %get3A_37 = arith.constant 0 : index
    %get3A_38 = vector.load %arg8[%get3A_36, %get3A_37] : memref<1x1xf32, #tpu.memory_space<vmem>>, vector<1x1xf32>
    %add3A_39 = vector.broadcast %get3A_38 : vector<1x1xf32> to vector<2000x1xf32>
    %add3A_40 = arith.addf %add3A_35, %add3A_39 : vector<2000x1xf32>
    %logistic3A = arith.negf %add3A_40 : vector<2000x1xf32>
    %logistic3A_41 = math.exp %logistic3A : vector<2000x1xf32>
    %logistic3A_42 = arith.constant 1.000000e+00 : f32
    %logistic3A_43 = vector.broadcast %logistic3A_42 : f32 to vector<2000x1xf32>
    %logistic3A_44 = arith.addf %logistic3A_43, %logistic3A_41 : vector<2000x1xf32>
    %logistic3A_45 = arith.divf %logistic3A_43, %logistic3A_44 : vector<2000x1xf32>
    %mul3A_46 = vector.broadcast %logistic3A_45 : vector<2000x1xf32> to vector<2000x128xf32>
    %mul3A_47 = arith.mulf %mul3A_46, %add3A_22 : vector<2000x128xf32>
    %sub3A_48 = arith.constant 1.000000e+00 : f32
    %sub3A_49 = vector.broadcast %sub3A_48 : f32 to vector<2000x1xf32>
    %sub3A_50 = arith.subf %sub3A_49, %logistic3A_45 : vector<2000x1xf32>
    %mul3A_51 = vector.broadcast %sub3A_50 : vector<2000x1xf32> to vector<2000x128xf32>
    %mul3A_52 = arith.mulf %mul3A_51, %get3A_25 : vector<2000x128xf32>
    %add3A_53 = arith.addf %mul3A_47, %mul3A_52 : vector<2000x128xf32>
    %get3A_54 = arith.constant 0 : index
    %get3A_55 = arith.constant 0 : index
    %get3A_56 = vector.load %arg9[%get3A_54, %get3A_55] : memref<128x64xf32, #tpu.memory_space<vmem>>, vector<128x64xf32>
    %dot_general3A_57 = arith.constant dense<0.000000e+00> : vector<2000x64xf32>
    %dot_general3A_58 = tpu.matmul %add3A_53, %get3A_56, %dot_general3A_57 {dimension_numbers = #tpu.dot_dimension_numbers<[1], [0], [0], [1], [0, 0, 1, 1], [], []>, precision = #tpu.contract_precision<fp32>, transpose_lhs_hint = false} : vector<2000x128xf32>, vector<128x64xf32>, vector<2000x64xf32> -> vector<2000x64xf32>
    %get3A_59 = arith.constant 0 : index
    %get3A_60 = arith.constant 0 : index
    %get3A_61 = vector.load %arg10[%get3A_59, %get3A_60] : memref<1x64xf32, #tpu.memory_space<vmem>>, vector<1x64xf32>
    %add3A_62 = vector.broadcast %get3A_61 : vector<1x64xf32> to vector<2000x64xf32>
    %add3A_63 = arith.addf %dot_general3A_58, %add3A_62 : vector<2000x64xf32>
    %max3A = arith.constant 0.000000e+00 : f32
    %max3A_64 = vector.broadcast %max3A : f32 to vector<2000x64xf32>
    %max3A_65 = arith.maximumf %add3A_63, %max3A_64 : vector<2000x64xf32>
    %get3A_66 = arith.constant 0 : index
    %get3A_67 = arith.constant 0 : index
    %get3A_68 = vector.load %arg11[%get3A_66, %get3A_67] : memref<64x1xf32, #tpu.memory_space<vmem>>, vector<64x1xf32>
    %dot_general3A_69 = arith.constant dense<0.000000e+00> : vector<2000x1xf32>
    %dot_general3A_70 = tpu.matmul %max3A_65, %get3A_68, %dot_general3A_69 {dimension_numbers = #tpu.dot_dimension_numbers<[1], [0], [0], [1], [0, 0, 1, 1], [], []>, precision = #tpu.contract_precision<fp32>, transpose_lhs_hint = false} : vector<2000x64xf32>, vector<64x1xf32>, vector<2000x1xf32> -> vector<2000x1xf32>
    %get3A_71 = arith.constant 0 : index
    %get3A_72 = arith.constant 0 : index
    %get3A_73 = vector.load %arg12[%get3A_71, %get3A_72] : memref<1x1xf32, #tpu.memory_space<vmem>>, vector<1x1xf32>
    %add3A_74 = vector.broadcast %get3A_73 : vector<1x1xf32> to vector<2000x1xf32>
    %add3A_75 = arith.addf %dot_general3A_70, %add3A_74 : vector<2000x1xf32>
    %swap3A = arith.constant 0 : index
    %swap3A_76 = arith.constant 0 : index
    %swap3A_77 = vector.load %arg13[%swap3A, %swap3A_76] : memref<2000x1xf32, #tpu.memory_space<vmem>>, vector<2000x1xf32>
    tpu.vector_store %arg13[%swap3A, %swap3A_76], %add3A_75 {strides = array<i32>} : memref<2000x1xf32, #tpu.memory_space<vmem>>, vector<2000x1xf32>,
    return
  }
  func.func @transform_0(%arg0: i32) -> (i32, i32) {
    %c0_i32 = arith.constant 0 : i32
    %c0_i32_0 = arith.constant 0 : i32
    return %arg0, %c0_i32 : i32, i32
  }
  func.func @transform_1(%arg0: i32) -> (i32, i32) {
    %c0_i32 = arith.constant 0 : i32
    %c0_i32_0 = arith.constant 0 : i32
    %c0_i32_1 = arith.constant 0 : i32
    return %c0_i32, %c0_i32_0 : i32, i32
  }
  func.func @transform_2(%arg0: i32) -> (i32, i32) {
    %c0_i32 = arith.constant 0 : i32
    %c0_i32_0 = arith.constant 0 : i32
    return %arg0, %c0_i32 : i32, i32
  }
  func.func @transform_3(%arg0: i32) -> (i32, i32) {
    %c0_i32 = arith.constant 0 : i32
    %c0_i32_0 = arith.constant 0 : i32
    %c0_i32_1 = arith.constant 0 : i32
    return %c0_i32, %c0_i32_0 : i32, i32
  }
  func.func @transform_4(%arg0: i32) -> (i32, i32) {
    %c0_i32 = arith.constant 0 : i32
    %c0_i32_0 = arith.constant 0 : i32
    %c0_i32_1 = arith.constant 0 : i32
    return %c0_i32, %c0_i32_0 : i32, i32
  }
  func.func @transform_5(%arg0: i32) -> (i32, i32) {
    %c0_i32 = arith.constant 0 : i32
    %c0_i32_0 = arith.constant 0 : i32
    %c0_i32_1 = arith.constant 0 : i32
    return %c0_i32, %c0_i32_0 : i32, i32
  }
  func.func @transform_6(%arg0: i32) -> (i32, i32) {
    %c0_i32 = arith.constant 0 : i32
    %c0_i32_0 = arith.constant 0 : i32
    %c0_i32_1 = arith.constant 0 : i32
    return %c0_i32, %c0_i32_0 : i32, i32
  }
  func.func @transform_7(%arg0: i32) -> (i32, i32) {
    %c0_i32 = arith.constant 0 : i32
    %c0_i32_0 = arith.constant 0 : i32
    %c0_i32_1 = arith.constant 0 : i32
    return %c0_i32, %c0_i32_0 : i32, i32
  }
  func.func @transform_8(%arg0: i32) -> (i32, i32) {
    %c0_i32 = arith.constant 0 : i32
    %c0_i32_0 = arith.constant 0 : i32
    %c0_i32_1 = arith.constant 0 : i32
    return %c0_i32, %c0_i32_0 : i32, i32
  }
  func.func @transform_9(%arg0: i32) -> (i32, i32) {
    %c0_i32 = arith.constant 0 : i32
    %c0_i32_0 = arith.constant 0 : i32
    %c0_i32_1 = arith.constant 0 : i32
    return %c0_i32, %c0_i32_0 : i32, i32
  }
  func.func @transform_10(%arg0: i32) -> (i32, i32) {
    %c0_i32 = arith.constant 0 : i32
    %c0_i32_0 = arith.constant 0 : i32
    %c0_i32_1 = arith.constant 0 : i32
    return %c0_i32, %c0_i32_0 : i32, i32
  }
  func.func @transform_11(%arg0: i32) -> (i32, i32) {
    %c0_i32 = arith.constant 0 : i32
    %c0_i32_0 = arith.constant 0 : i32
    %c0_i32_1 = arith.constant 0 : i32
    return %c0_i32, %c0_i32_0 : i32, i32
  }
  func.func @transform_12(%arg0: i32) -> (i32, i32) {
    %c0_i32 = arith.constant 0 : i32
    %c0_i32_0 = arith.constant 0 : i32
    return %arg0, %c0_i32 : i32, i32
  }
}

</mosaic_0001>

<sc_bundles>
// kernel: kernel.13.cloned.1.call-start
scs
__scs_entry_jumppad:
0x0: {  	(pc) =	sbr.rel $0x88, $3  }
0x1: {  	(tag) =	ssettag $0x0;
	lr =	simm.s32 $0x1  }
0x2: {  	[smem:$0x3F83] =	sst lr;
	_ =	strace $0xD0000000  }
0x3: {  	_ = 	snop  }
0x4: {  	_ = 	snop  }
0x5: {  	_ = 	snop  }
0x6: {  	_ = 	snop  }
0x7: {  	_ = 	snop  }
__scs_overlays_trampoline_lowered:
0x8: {  	[smem:$0x3F92] =	sst s0  }
0x9: {  	[smem:$0x3F93] =	sst s1  }
0xa: {  	[smem:$0x3F94] =	sst s2  }
0xb: {  	[smem:$0x3F95] =	sst s3  }
0xc: {  	[smem:$0x3F96] =	sst s4  }
0xd: {  	[smem:$0x3F97] =	sst s5  }
0xe: {  	[smem:$0x3F98] =	sst s6  }
0xf: {  	[smem:$0x3F99] =	sst s7  }
0x10: {  	[smem:$0x3F9A] =	sst s8  }
0x11: {  	[smem:$0x3F9B] =	sst s9;
	s0 =	simm.s32 @!p0 $0x0  }
0x12: {  	s1 =	sld [smem:$0x3F81];
	s0 =	simm.s32 @p0 $0x1  }
0x13: {  	[smem:$0x3F9C] =	sst s0;
	s0 =	simm.s32 @!p1 $0x0  }
0x14: {  	s2 =	sld [smem:$0x3F80];
	s0 =	simm.s32 @p1 $0x1  }
0x15: {  	[smem:$0x3F9D] =	sst s0;
	s0 =	simm.s32 @!p2 $0x0  }
0x16: {  	s3 =	sld [smem:$0x3FDB];
	s0 =	simm.s32 @p2 $0x1  }
0x17: {  	s4 =	simm.s32 $0x1BF5;
	[smem:$0x3F9F] =	sst s0  }
0x18: {  	s0 =	sld [smem:$0x3F82];
	_ =	swait.ge [sflag:s4], $0x0  }
0x19: {  	s7 =	sld [smem:$0x3F83]  }
0x1a: {  	s8 =	sadd.s32 $0xFFFFE003, lr  }
0x1b: {  	s9 =	sadd.s32 $0xFFFFFEF7, lr;
	s5 =	simm.s32 $0xFFFFFFFF;
	p2 =	slt.u32 s8, $0xFFFFF086  }
0x1c: {  	p1 =	slt.u32 s9, $0xF7A;
	s5 =	simm.s32 @!p2 $0x0  }
0x1d: {  	s5 =	simm.s32 @p1 $0x1;
	p0 =	seq.s32 s7, s2  }
0x1e: {  	s7 =	smul.u32 @!p0 $0xF7A, s2;
	p2 =	seq.s32 @!p0 s5, $0x0  }
0x1f: {  	s9 =	smul.u32 $0xF7A, s1;
	s8 =	simm.s32 @!p0 $0x1BF5;
	p2 =	por !p2, p0  }
0x20: {  	[sflag:s8] =	ssyncset.s32 @!p0 $0xFFFFF086;
	s6 =	sadd.s32 @!p0 s3, s7;
	s7 =	simm.s32 @!p0 $0x108  }
0x21: {  	s3 =	sadd.s32 s3, s9;
	s6 =	sadd.s32 @!p0 $0x88, s6;
	s7 =	simm.s32 @p2 $0x1082  }
0x22: {  	[simem:s7], [sflag:s8] =	dma.local @!p0 [hbm:s6], $0xF7A  }
0x23: {  	s9 =	sor.u32 $0xD0000000, s2;
	s6 =	simm.s32 $0x108;
	_ =	swait.ge @!p0 [sflag:s8], $0x0  }
0x24: {  	s3 =	sadd.s32 $0x88, s3;
	s6 =	simm.s32 @!p1 $0x1082;
	[sflag:s4] =	ssyncset.s32 $0xFFFFF086  }
0x25: {  	[simem:s6], [sflag:s4] =	dma.local [hbm:s3], $0xF7A  }
0x26: {  	[smem:$0x3F83] =	sst s1;
	(tag) =	ssettag s2;
	_ =	strace s9  }
0x27: {  	s1 =	sld [smem:$0x3F93]  }
0x28: {  	s2 =	sld [smem:$0x3F94]  }
0x29: {  	s4 =	sld [smem:$0x3F96]  }
0x2a: {  	p0 =	seq.s32 s5, $0x0;
	s5 =	sld [smem:$0x3F97]  }
0x2b: {  	s6 =	sld [smem:$0x3F98]  }
0x2c: {  	s7 =	sld [smem:$0x3F99]  }
0x2d: {  	s3 =	simm.s32 $0x108;
	s8 =	sld [smem:$0x3F9A]  }
0x2e: {  	s3 =	simm.s32 @!p0 $0x1082;
	s9 =	sld [smem:$0x3F9B]  }
0x2f: {  	lr =	sadd.s32 s0, s3;
	s0 =	sld [smem:$0x3F92]  }
0x30: {  	s3 =	sld [smem:$0x3F95]  }
0x31: {  	[smem:$0x3F9E] =	sst s10  }
0x32: {  	s10 =	sld [smem:$0x3F9C];
	_ =	sdelay $0x3  }
0x33: {  	p0 =	seq.s32 s10, $0x1;
	s10 =	sld [smem:$0x3F9E];
	_ =	sdelay $0x3  }
0x34: {  	[smem:$0x3F9E] =	sst s10  }
0x35: {  	s10 =	sld [smem:$0x3F9D];
	_ =	sdelay $0x3  }
0x36: {  	p1 =	seq.s32 s10, $0x1;
	s10 =	sld [smem:$0x3F9E];
	_ =	sdelay $0x3  }
0x37: {  	[smem:$0x3F9E] =	sst s10  }
0x38: {  	s10 =	sld [smem:$0x3F9F]  }
0x39: {  	_ = 	snop;
	(pc) =	sbr.ind lr, $3  }
0x3a: {  	_ = 	snop  }
0x3b: {  	_ = 	snop  }
0x3c: {  	p2 =	seq.s32 s10, $0x1;
	s10 =	sld [smem:$0x3F9E]  }
0x3d: {  	_ =	shalt  }
0x3e: {  	_ =	shalt  }
0x3f: {  	_ =	shalt  }
0x40: {  	_ =	shalt  }
0x41: {  	_ =	shalt  }
0x42: {  	_ =	shalt  }
0x43: {  	_ =	shalt  }
0x44: {  	_ =	shalt  }
0x45: {  	_ =	shalt  }
0x46: {  	_ =	shalt  }
0x47: {  	_ =	shalt  }
0x48: {  	_ =	shalt  }
0x49: {  	_ =	shalt  }
0x4a: {  	_ =	shalt  }
0x4b: {  	_ =	shalt  }
0x4c: {  	_ =	shalt  }
0x4d: {  	_ =	shalt  }
0x4e: {  	_ =	shalt  }
0x4f: {  	_ =	shalt  }
0x50: {  	_ =	shalt  }
0x51: {  	_ =	shalt  }
0x52: {  	_ =	shalt  }
0x53: {  	_ =	shalt  }
0x54: {  	_ =	shalt  }
0x55: {  	_ =	shalt  }
0x56: {  	_ =	shalt  }
0x57: {  	_ =	shalt  }
0x58: {  	_ =	shalt  }
0x59: {  	_ =	shalt  }
0x5a: {  	_ =	shalt  }
0x5b: {  	_ =	shalt  }
0x5c: {  	_ =	shalt  }
0x5d: {  	_ =	shalt  }
0x5e: {  	_ =	shalt  }
0x5f: {  	_ =	shalt  }
0x60: {  	_ =	shalt  }
0x61: {  	_ =	shalt  }
0x62: {  	_ =	shalt  }
0x63: {  	_ =	shalt  }
0x64: {  	_ =	shalt  }
0x65: {  	_ =	shalt  }
0x66: {  	_ =	shalt  }
0x67: {  	_ =	shalt  }
0x68: {  	_ =	shalt  }
0x69: {  	_ =	shalt  }
0x6a: {  	_ =	shalt  }
0x6b: {  	_ =	shalt  }
0x6c: {  	_ =	shalt  }
0x6d: {  	_ =	shalt  }
0x6e: {  	_ =	shalt  }
0x6f: {  	_ =	shalt  }
0x70: {  	_ =	shalt  }
0x71: {  	_ =	shalt  }
0x72: {  	_ =	shalt  }
0x73: {  	_ =	shalt  }
0x74: {  	_ =	shalt  }
0x75: {  	_ =	shalt  }
0x76: {  	_ =	shalt  }
0x77: {  	_ =	shalt  }
0x78: {  	_ =	shalt  }
0x79: {  	_ =	shalt  }
0x7a: {  	_ =	shalt  }
0x7b: {  	_ =	shalt  }
0x7c: {  	_ =	shalt  }
0x7d: {  	_ =	shalt  }
0x7e: {  	_ =	shalt  }
0x7f: {  	_ =	shalt  }
0x80: {  	_ =	shalt  }
0x81: {  	_ =	shalt  }
0x82: {  	_ =	shalt  }
0x83: {  	_ =	shalt  }
0x84: {  	_ =	shalt  }
0x85: {  	_ =	shalt  }
0x86: {  	_ =	shalt  }
0x87: {  	_ =	shalt  }
.Lfunc_end0:
.L_simem_size_0:
called_computation_lowered:
.L_overlay_start_0:
0x88: {  	s2 =	sld [smem:$0x3FD9]  }
0x89: {  	s3 =	sld [smem:$0x3FFE];
	_ =	sdelay $0x1  }
0x8a: {  	s1 =	srdreg.scid  }
0x8b: {  	s0 =	sand.u32 $0x1, s1  }
0x8c: {  	s16 =	sshll.u32 s0, $0xA;
	s2 =	sadd.s32 s3, s2  }
0x8d: {  	s2 =	sadd.s32 s2, s16  }
0x8e: {  	[smem:$0x3FAA] =	sst s2  }
0x8f: {  	_ = 	snop  }
0x90: {  	(tm) =	ssettm $0x1  }
0x91: {  	s17 =	sld [smem:$0x3FFB];
	_ =	sdelay $0x3  }
0x92: {  	_ =	strace s17  }
0x93: {  	s2 =	sld [smem:$0x3FFC];
	_ =	sdelay $0x3  }
0x94: {  	_ =	strace s2  }
0x95: {  	s2 =	sld [smem:$0x3FFD];
	_ =	sdelay $0x3  }
0x96: {  	_ =	strace s2  }
0x97: {  	_ =	strace $0x8FFFFFFF  }
0x98: {  	s18 =	sld [smem:$0x3FDB];
	_ =	sdelay $0x1  }
0x99: {  	s19 =	simm.s32 $_scs_section_size  }
0x9a: {  	s4 =	simm.s32 $_size__tile_overlayer_lowered;
	s5 =	simm.s32 $_tile_overlayer_lowered  }
0x9b: {  	s22 =	simm.s32 $0x1BFF;
	s21 =	sshll.u32 s5, $0x1;
	s2 =	sadd.s32 s19, s18  }
0x9c: {  	s6 =	simm.s32 $0x0;
	s20 =	sshll.u32 s4, $0x1;
	s4 =	sadd.s32 s21, s2  }
0x9d: {  	[timem:s6], [sflag:s22] =	dma.local [hbm:s4], s20  }
0x9e: {  	_ =	swait.ge [sflag:s22], s20  }
0x9f: {  	s3 =	ssub.s32 $0x0, s20;
	[sflag:s22] =	ssyncset.done $0x0  }
0xa0: {  	[sflag:s22] =	ssyncadd.s32 s3;
	_ =	sdelay $0x1  }
0xa1: {  	s23 =	simm.s32 $0x1B8B  }
0xa2: {  	_ =	swait.ge [sflag:s23], $0x1  }
0xa3: {  	[sflag:s23] =	ssyncset.done $0x0  }
0xa4: {  	s25 =	simm.s32 $0x1B8E;
	s24 =	sld [smem:$0x3FFE];
	[sflag:s23] =	ssyncadd.s32 $0xFFFFFFFF  }
0xa5: {  	s26 =	simm.s32 $execute0_lowered;
	[smem:$0x3FD2] =	sst s25  }
0xa6: {  	s4 =	sshll.u32 s26, $0x1;
	_ =	strace $0x80000046;
	[dreg:$0x1] =	wrdreg $0xFFFFFFFF  }
0xa7: {  	s28 =	simm.s32 $_size_execute0_lowered;
	s2 =	sadd.s32 s2, s4;
	[dreg:$0x0] =	wrdreg $0x0  }
0xa8: {  	s4 =	sshll.u32 s28, $0x1;
	[dreg:$0x2] =	wrdreg s2  }
0xa9: {  	[dreg:$0x3] =	wrdreg s4  }
0xaa: {  	[dreg:$0x4] =	wrdreg $0xC0  }
0xab: {  	_ =	task [dreg:s6], $0x5FFFF  }
0xac: {  	[dreg:$0x1] =	wrdreg $0xFFFFFFFF  }
0xad: {  	[dreg:$0x0] =	wrdreg $0x60  }
0xae: {  	[dreg:$0x2] =	wrdreg s24  }
0xaf: {  	[dreg:$0x3] =	wrdreg $0x68000  }
0xb0: {  	[dreg:$0x4] =	wrdreg $0x9  }
0xb1: {  	_ =	task.clear_ibuf [dreg:s6], $0x5FFFF;
	_ =	strace $0x90000046  }
0xb2: {  	s29 =	simm.s32 $0x9;
	_ =	strace $0x80000048  }
0xb3: {  	_ =	swait.ge [sflag:s29], $0x1  }
0xb4: {  	[sflag:s29] =	ssyncadd.s32 $0xFFFFFFFF  }
0xb5: {  	_ =	strace $0x90000048  }
0xb6: {  	_ =	sfence  }
0xb7: {  	s30 =	sld [smem:$0x0];
	_ =	sdelay $0x2  }
0xb8: {  	s31 =	sshll.u32 s1, $0xD;
	s1 =	sshrl.u32 s1, $0x2  }
0xb9: {  	s3 =	sand.u32 $0x4000, s31;
	s1 =	sadd.s32 s1, s30  }
0xba: {  	s0 =	sor.u32 s3, s0;
	s1 =	sshll.u32 s1, $0x11  }
0xbb: {  	s0 =	sor.u32 s1, s0  }
0xbc: {  	s0 =	sadd.s32 $0x8F2B, s0  }
0xbd: {  	[sflag:s0] =	ssyncadd.remote.s32 $0x1  }
0xbe: {  	_ =	sfence.sel $0xFFFF  }
0xbf: {  	[dreg:$0x0] =	wrdreg $0xFFFFFFFF;
	(pc) =	sbr.abs _section_cstart, $3  }
0xc0: {  	[dreg:$0x1] =	wrdreg $0xFFFFFFFF  }
0xc1: {  	_ =	task.clear_ibuf [dreg:s6], $0x2FFFF;
	_ =	strace $0x9FFFFFFF  }
0xc2: {  	(tm) =	ssettm $0x7FFFFFFF  }
0xc3: {  	_ =	shalt  }
tec
execute0_lowered:
.L_overlay_start_1:
0x0: {  	(tag) =	ssettag $0x1  }
0x1: {  	s1 =	srdreg.scid;
	s5 =	rddreg [dreg:$0x0]  }
0x2: {  	s0 =	stileid.u32;
	s2 =	rddreg [dreg:$0x1];
	s3 =	simm.s32 $0x0  }
0x3: {  	s13 =	simm.s32 $0x2;
	s14 =	simm.s32 $0x1;
	s15 =	simm.s32 $0x80  }
0x4: {  	s4 =	sand.u32 $0x1, s1;
	s26 =	sshll.u32 s0, $0x1;
	s8 =	smul.u32 $0x14000, s0  }
0x5: {  	[smem:$0x7FF] =	sst s3;
	s9 =	smul.u32 $0x50000, s0;
	s16 =	sshll.u32 s0, $0x6  }
0x6: {  	s1 =	sor.u32 s4, s26;
	s7 =	smul.u32 $0x140000, s4;
	s29 =	ssub.s32 $0x2, s4  }
0x7: {  	s16 =	sor.u32 $0x1C02, s16;
	s6 =	smul.u32 $0x500, s1;
	s1 =	rddreg [dreg:$0x2]  }
0x8: {  	_ =	strace $0x80000047;
	s30 =	sshrl.u32 s9, $0x2;
	s31 =	sshrl.u32 s29, $0x1  }
0x9: {  	s28 =	sadd.s32 s8, s7;
	s4 =	sadd.s32 s30, s2;
	s12 =	ssub.s32 s29, s31  }
0xa: {  	s10 =	sadd.s32 s6, s5;
	s6 =	sshrl.u32 s28, $0x3;
	s7 =	sadd.s32 $0xC000, s4  }
0xb: {  	s8 =	sadd.s32 $0x10000, s4;
	s17 =	sshrl.u32 s4, $0x3;
	s11 =	sadd.s32 s6, s5  }
0xc: {  	s5 =	sadd.s32 $0x4000, s4;
	s6 =	sadd.s32 $0x8000, s4;
	s9 =	sadd.s32 $0x7000, s10  }
0xd: {  	v0 =	vimm.f32 $0.0e+00;
	v1 =	vimm.f32 $1.000000000e+00;
	s10 =	sadd.s32 $0x11000, s11;
	s11 =	smax.u32 s12, $0x1;
	s12 =	simm.s32 $0x2800  }
.LBB2_1:
0xe: {  	s18 =	simm.s32 $0x0;
	s19 =	simm.s32 $0x200  }
.LBB2_2:
0xf: {  	p0 =	sne.s32 s19, $0xFE00;
	[tilespmem:s18+$0x2870] =	vst v0  }
0x10: {  	[tilespmem:s18+$0x2800] =	vst v0  }
0x11: {  	[tilespmem:s18+$0x2810] =	vst v0  }
.Ltmp0:
0x12: {  	[tilespmem:s18+$0x2820] =	vst v0;
	(pc) =	sbr.rel @p0 .LBB2_2-.Ltmp0, $4  }
0x13: {  	[tilespmem:s18+$0x2830] =	vst v0  }
0x14: {  	[tilespmem:s18+$0x2840] =	vst v0  }
0x15: {  	[tilespmem:s18+$0x2850] =	vst v0  }
0x16: {  	[tilespmem:s18+$0x2860] =	vst v0;
	s18 =	sshra.s32 s19, $0x2;
	s19 =	sadd.s32 $0x200, s19  }
0x17: {  	[tilespmem:s18+$0x2870] =	vst v0  }
0x18: {  	[tilespmem:s18+$0x2800] =	vst v0  }
0x19: {  	[tilespmem:s18+$0x2810] =	vst v0  }
0x1a: {  	[tilespmem:s18+$0x2820] =	vst v0  }
0x1b: {  	[tilespmem:s18+$0x2830] =	vst v0  }
0x1c: {  	[tilespmem:s18+$0x2840] =	vst v0  }
0x1d: {  	[tilespmem:s18+$0x2850] =	vst v0  }
0x1e: {  	[tilespmem:s18+$0x2860] =	vst v0  }
0x1f: {  	[spmem:s4] =	stream.linear.scatter [tilespmem:s12], [sflag:$0x2], $0x4000, $0x38;
	[tilespmem:$0x1A800] =	vst v63  }
0x20: {  	_ =	swait.ge [sflag:s13], $0x4000  }
0x21: {  	[sflag:s13] =	ssyncset.done $0x0  }
0x22: {  	[sflag:s13] =	ssyncadd.s32 $0xFFFFC000  }
0x23: {  	[spmem:s5] =	stream.linear.scatter [tilespmem:s12], [sflag:$0x2], $0x4000, $0x38;
	[tilespmem:$0x1A800] =	vst v63  }
0x24: {  	_ =	swait.ge [sflag:s13], $0x4000  }
0x25: {  	[sflag:s13] =	ssyncset.done $0x0  }
0x26: {  	[sflag:s13] =	ssyncadd.s32 $0xFFFFC000  }
0x27: {  	[spmem:s6] =	stream.linear.scatter [tilespmem:s12], [sflag:$0x2], $0x4000, $0x38;
	[tilespmem:$0x1A800] =	vst v63  }
0x28: {  	_ =	swait.ge [sflag:s13], $0x4000  }
0x29: {  	[sflag:s13] =	ssyncset.done $0x0  }
0x2a: {  	[sflag:s13] =	ssyncadd.s32 $0xFFFFC000  }
0x2b: {  	[spmem:s7] =	stream.linear.scatter [tilespmem:s12], [sflag:$0x2], $0x4000, $0x38;
	[tilespmem:$0x1A800] =	vst v63  }
0x2c: {  	_ =	swait.ge [sflag:s13], $0x4000  }
0x2d: {  	[sflag:s13] =	ssyncset.done $0x0  }
0x2e: {  	[sflag:s13] =	ssyncadd.s32 $0xFFFFC000  }
0x2f: {  	[spmem:s8] =	stream.linear.scatter [tilespmem:s12], [sflag:$0x2], $0x4000, $0x38;
	[tilespmem:$0x1A800] =	vst v63  }
0x30: {  	_ =	swait.ge [sflag:s13], $0x4000  }
0x31: {  	[sflag:s13] =	ssyncset.done $0x0  }
0x32: {  	s18 =	simm.s32 $0x0;
	s19 =	simm.s32 $0x200;
	[sflag:s13] =	ssyncadd.s32 $0xFFFFC000  }
.LBB2_4:
0x33: {  	p0 =	sne.s32 s19, $0xFE00;
	[tilespmem:s18+$0x2870] =	vst v1  }
0x34: {  	[tilespmem:s18+$0x2800] =	vst v1  }
0x35: {  	[tilespmem:s18+$0x2810] =	vst v1  }
.Ltmp1:
0x36: {  	[tilespmem:s18+$0x2820] =	vst v1;
	(pc) =	sbr.rel @p0 .LBB2_4-.Ltmp1, $4  }
0x37: {  	[tilespmem:s18+$0x2830] =	vst v1  }
0x38: {  	[tilespmem:s18+$0x2840] =	vst v1  }
0x39: {  	[tilespmem:s18+$0x2850] =	vst v1  }
0x3a: {  	[tilespmem:s18+$0x2860] =	vst v1;
	s18 =	sshra.s32 s19, $0x2;
	s19 =	sadd.s32 $0x200, s19  }
0x3b: {  	[tilespmem:s18+$0x2870] =	vst v1  }
0x3c: {  	[tilespmem:s18+$0x2800] =	vst v1  }
0x3d: {  	[tilespmem:s18+$0x2810] =	vst v1  }
0x3e: {  	[tilespmem:s18+$0x2820] =	vst v1  }
0x3f: {  	[tilespmem:s18+$0x2830] =	vst v1  }
0x40: {  	[tilespmem:s18+$0x2840] =	vst v1  }
0x41: {  	[tilespmem:s18+$0x2850] =	vst v1  }
0x42: {  	[tilespmem:s18+$0x2860] =	vst v1;
	s30 =	simm.s32 $0x0  }
0x43: {  	[tilespmem:s30], [sflag:$0x1] =	stream.linear.gather [hbm4b:s9+s30], $0x2780, $0x38;
	[tilespmem:$0x1A800] =	vst v63  }
0x44: {  	_ =	swait.ge [sflag:s14], $0x2780  }
0x45: {  	[sflag:s14] =	ssyncset.done $0x0  }
0x46: {  	[sflag:s14] =	ssyncadd.s32 $0xFFFFD880  }
0x47: {  	s31 =	simm.s32 $0x0;
	[bflag:$0x0] =	sbarrier.arrive $0xFFFF  }
0x48: {  	[spmem:s2] =	stream.indirect.scatter.add.f32 [tilespmem:s12], [sflag:$0x2], $0x80, s31, s15, $0xb8;
	[tilespmem:$0x1A800] =	vst v63  }
0x49: {  	_ =	swait.ge [sflag:s13], $0x4000  }
0x4a: {  	s18 =	simm.s32 $0x200;
	[sflag:s13] =	ssyncset.done $0x0  }
.LBB2_6:
0x4b: {  	s19 =	sshra.s32 s18, $0x2;
	[sflag:s13] =	ssyncadd.s32 $0xFFFFC000;
	p0 =	sne.s32 s18, $0x9C00  }
0x4c: {  	[spmem:s2] =	stream.indirect.scatter.add.f32 [tilespmem:s12], [sflag:$0x2], $0x80, s19, s15, $0xb8;
	[tilespmem:$0x1A800] =	vst v63  }
.Ltmp2:
0x4d: {  	_ = 	snop;
	(pc) =	sbr.rel @p0 .LBB2_6-.Ltmp2, $4  }
0x4e: {  	_ = 	snop  }
0x4f: {  	s18 =	sadd.s32 $0x200, s18  }
0x50: {  	_ =	swait.ge [sflag:s13], $0x4000  }
0x51: {  	[sflag:s13] =	ssyncset.done $0x0  }
0x52: {  	s3 =	sadd.s32 $0x1, s3  }
0x53: {  	[sflag:s13] =	ssyncadd.s32 $0xFFFFC000;
	p0 =	sne.s32 s3, s11  }
.Ltmp3:
0x54: {  	[bflag:$0x0] =	sbarrier.arrive $0xFFFF;
	(pc) =	sbr.rel @p0 .LBB2_1-.Ltmp3, $4  }
0x55: {  	[hbm:s10], [sflag:s16] =	dma.local [spmem:s17], $0x2800  }
0x56: {  	_ =	swait.ge [sflag:s13], $0x2800  }
0x57: {  	[sflag:s13] =	ssyncset.done $0x0  }
0x58: {  	[sflag:s13] =	ssyncadd.s32 $0xFFFFD800  }
0x59: {  	_ =	sfence.sel $0x180000  }
0x5a: {  	[bflag:$0x0] =	sbarrier.arrive $0xFFFF  }
0x5b: {  	p0 =	sne.s32 s0, $0x0;
	_ =	strace $0x90000047  }
0x5c: {  	s0 =	sadd.s32 @!p0 $0x100000, s1;
	[bflag:$0x2] =	sbarrier.arrive $0xFFFF  }
0x5d: {  	[sflag:s0] =	ssyncadd.tile.s32 @!p0 $0x1;
	_ =	shalt  }
.Lfunc_end2:
_tile_overlayer_lowered:
.L_overlay_start_2:
0x5e: {  	(tag) =	ssettag $0x2  }
0x5f: {  	s0 =	rddreg [dreg:$0x0];
	s2 =	stileid.u32  }
0x60: {  	s1 =	rddreg [dreg:$0x1];
	p0 =	sne.s32 s2, $0x0  }
0x61: {  	s3 =	rddreg [dreg:$0x2];
	[bflag:$0x3] =	sbarrier.arrive $0xFFFF;
	s2 =	simm.s32 @!p0 $0x1C02  }
0x62: {  	[timem:s3], [sflag:s2] =	dma.local @!p0 [hbm:s0], s1  }
0x63: {  	s0 =	simm.s32 @!p0 $0x2  }
0x64: {  	_ =	swait.ge @!p0 [sflag:s0], s1  }
0x65: {  	s1 =	ssub.s32 @!p0 $0x0, s1;
	[sflag:s0] =	ssyncset.done @!p0 $0x0  }
0x66: {  	[sflag:s0] =	ssyncadd.s32 @!p0 s1  }
0x67: {  	[bflag:$0x3] =	sbarrier.arrive $0xFFFF  }
0x68: {  	_ =	shalt  }

// kernel: kernel.16.cloned.1.call-start
scs
__scs_entry_jumppad:
0x0: {  	(pc) =	sbr.rel $0x88, $3  }
0x1: {  	(tag) =	ssettag $0x0;
	lr =	simm.s32 $0x1  }
0x2: {  	[smem:$0x3F83] =	sst lr;
	_ =	strace $0xD0000000  }
0x3: {  	_ = 	snop  }
0x4: {  	_ = 	snop  }
0x5: {  	_ = 	snop  }
0x6: {  	_ = 	snop  }
0x7: {  	_ = 	snop  }
__scs_overlays_trampoline_lowered:
0x8: {  	[smem:$0x3F92] =	sst s0  }
0x9: {  	[smem:$0x3F93] =	sst s1  }
0xa: {  	[smem:$0x3F94] =	sst s2  }
0xb: {  	[smem:$0x3F95] =	sst s3  }
0xc: {  	[smem:$0x3F96] =	sst s4  }
0xd: {  	[smem:$0x3F97] =	sst s5  }
0xe: {  	[smem:$0x3F98] =	sst s6  }
0xf: {  	[smem:$0x3F99] =	sst s7  }
0x10: {  	[smem:$0x3F9A] =	sst s8  }
0x11: {  	[smem:$0x3F9B] =	sst s9;
	s0 =	simm.s32 @!p0 $0x0  }
0x12: {  	s1 =	sld [smem:$0x3F81];
	s0 =	simm.s32 @p0 $0x1  }
0x13: {  	[smem:$0x3F9C] =	sst s0;
	s0 =	simm.s32 @!p1 $0x0  }
0x14: {  	s2 =	sld [smem:$0x3F80];
	s0 =	simm.s32 @p1 $0x1  }
0x15: {  	[smem:$0x3F9D] =	sst s0;
	s0 =	simm.s32 @!p2 $0x0  }
0x16: {  	s3 =	sld [smem:$0x3FDB];
	s0 =	simm.s32 @p2 $0x1  }
0x17: {  	s4 =	simm.s32 $0x1BF5;
	[smem:$0x3F9F] =	sst s0  }
0x18: {  	s0 =	sld [smem:$0x3F82];
	_ =	swait.ge [sflag:s4], $0x0  }
0x19: {  	s7 =	sld [smem:$0x3F83]  }
0x1a: {  	s8 =	sadd.s32 $0xFFFFE003, lr  }
0x1b: {  	s9 =	sadd.s32 $0xFFFFFEF7, lr;
	s5 =	simm.s32 $0xFFFFFFFF;
	p2 =	slt.u32 s8, $0xFFFFF086  }
0x1c: {  	p1 =	slt.u32 s9, $0xF7A;
	s5 =	simm.s32 @!p2 $0x0  }
0x1d: {  	s5 =	simm.s32 @p1 $0x1;
	p0 =	seq.s32 s7, s2  }
0x1e: {  	s7 =	smul.u32 @!p0 $0xF7A, s2;
	p2 =	seq.s32 @!p0 s5, $0x0  }
0x1f: {  	s9 =	smul.u32 $0xF7A, s1;
	s8 =	simm.s32 @!p0 $0x1BF5;
	p2 =	por !p2, p0  }
0x20: {  	[sflag:s8] =	ssyncset.s32 @!p0 $0xFFFFF086;
	s6 =	sadd.s32 @!p0 s3, s7;
	s7 =	simm.s32 @!p0 $0x108  }
0x21: {  	s3 =	sadd.s32 s3, s9;
	s6 =	sadd.s32 @!p0 $0x88, s6;
	s7 =	simm.s32 @p2 $0x1082  }
0x22: {  	[simem:s7], [sflag:s8] =	dma.local @!p0 [hbm:s6], $0xF7A  }
0x23: {  	s9 =	sor.u32 $0xD0000000, s2;
	s6 =	simm.s32 $0x108;
	_ =	swait.ge @!p0 [sflag:s8], $0x0  }
0x24: {  	s3 =	sadd.s32 $0x88, s3;
	s6 =	simm.s32 @!p1 $0x1082;
	[sflag:s4] =	ssyncset.s32 $0xFFFFF086  }
0x25: {  	[simem:s6], [sflag:s4] =	dma.local [hbm:s3], $0xF7A  }
0x26: {  	[smem:$0x3F83] =	sst s1;
	(tag) =	ssettag s2;
	_ =	strace s9  }
0x27: {  	s1 =	sld [smem:$0x3F93]  }
0x28: {  	s2 =	sld [smem:$0x3F94]  }
0x29: {  	s4 =	sld [smem:$0x3F96]  }
0x2a: {  	p0 =	seq.s32 s5, $0x0;
	s5 =	sld [smem:$0x3F97]  }
0x2b: {  	s6 =	sld [smem:$0x3F98]  }
0x2c: {  	s7 =	sld [smem:$0x3F99]  }
0x2d: {  	s3 =	simm.s32 $0x108;
	s8 =	sld [smem:$0x3F9A]  }
0x2e: {  	s3 =	simm.s32 @!p0 $0x1082;
	s9 =	sld [smem:$0x3F9B]  }
0x2f: {  	lr =	sadd.s32 s0, s3;
	s0 =	sld [smem:$0x3F92]  }
0x30: {  	s3 =	sld [smem:$0x3F95]  }
0x31: {  	[smem:$0x3F9E] =	sst s10  }
0x32: {  	s10 =	sld [smem:$0x3F9C];
	_ =	sdelay $0x3  }
0x33: {  	p0 =	seq.s32 s10, $0x1;
	s10 =	sld [smem:$0x3F9E];
	_ =	sdelay $0x3  }
0x34: {  	[smem:$0x3F9E] =	sst s10  }
0x35: {  	s10 =	sld [smem:$0x3F9D];
	_ =	sdelay $0x3  }
0x36: {  	p1 =	seq.s32 s10, $0x1;
	s10 =	sld [smem:$0x3F9E];
	_ =	sdelay $0x3  }
0x37: {  	[smem:$0x3F9E] =	sst s10  }
0x38: {  	s10 =	sld [smem:$0x3F9F]  }
0x39: {  	_ = 	snop;
	(pc) =	sbr.ind lr, $3  }
0x3a: {  	_ = 	snop  }
0x3b: {  	_ = 	snop  }
0x3c: {  	p2 =	seq.s32 s10, $0x1;
	s10 =	sld [smem:$0x3F9E]  }
0x3d: {  	_ =	shalt  }
0x3e: {  	_ =	shalt  }
0x3f: {  	_ =	shalt  }
0x40: {  	_ =	shalt  }
0x41: {  	_ =	shalt  }
0x42: {  	_ =	shalt  }
0x43: {  	_ =	shalt  }
0x44: {  	_ =	shalt  }
0x45: {  	_ =	shalt  }
0x46: {  	_ =	shalt  }
0x47: {  	_ =	shalt  }
0x48: {  	_ =	shalt  }
0x49: {  	_ =	shalt  }
0x4a: {  	_ =	shalt  }
0x4b: {  	_ =	shalt  }
0x4c: {  	_ =	shalt  }
0x4d: {  	_ =	shalt  }
0x4e: {  	_ =	shalt  }
0x4f: {  	_ =	shalt  }
0x50: {  	_ =	shalt  }
0x51: {  	_ =	shalt  }
0x52: {  	_ =	shalt  }
0x53: {  	_ =	shalt  }
0x54: {  	_ =	shalt  }
0x55: {  	_ =	shalt  }
0x56: {  	_ =	shalt  }
0x57: {  	_ =	shalt  }
0x58: {  	_ =	shalt  }
0x59: {  	_ =	shalt  }
0x5a: {  	_ =	shalt  }
0x5b: {  	_ =	shalt  }
0x5c: {  	_ =	shalt  }
0x5d: {  	_ =	shalt  }
0x5e: {  	_ =	shalt  }
0x5f: {  	_ =	shalt  }
0x60: {  	_ =	shalt  }
0x61: {  	_ =	shalt  }
0x62: {  	_ =	shalt  }
0x63: {  	_ =	shalt  }
0x64: {  	_ =	shalt  }
0x65: {  	_ =	shalt  }
0x66: {  	_ =	shalt  }
0x67: {  	_ =	shalt  }
0x68: {  	_ =	shalt  }
0x69: {  	_ =	shalt  }
0x6a: {  	_ =	shalt  }
0x6b: {  	_ =	shalt  }
0x6c: {  	_ =	shalt  }
0x6d: {  	_ =	shalt  }
0x6e: {  	_ =	shalt  }
0x6f: {  	_ =	shalt  }
0x70: {  	_ =	shalt  }
0x71: {  	_ =	shalt  }
0x72: {  	_ =	shalt  }
0x73: {  	_ =	shalt  }
0x74: {  	_ =	shalt  }
0x75: {  	_ =	shalt  }
0x76: {  	_ =	shalt  }
0x77: {  	_ =	shalt  }
0x78: {  	_ =	shalt  }
0x79: {  	_ =	shalt  }
0x7a: {  	_ =	shalt  }
0x7b: {  	_ =	shalt  }
0x7c: {  	_ =	shalt  }
0x7d: {  	_ =	shalt  }
0x7e: {  	_ =	shalt  }
0x7f: {  	_ =	shalt  }
0x80: {  	_ =	shalt  }
0x81: {  	_ =	shalt  }
0x82: {  	_ =	shalt  }
0x83: {  	_ =	shalt  }
0x84: {  	_ =	shalt  }
0x85: {  	_ =	shalt  }
0x86: {  	_ =	shalt  }
0x87: {  	_ =	shalt  }
.Lfunc_end0:
.L_simem_size_0:
called_computation.1_lowered:
.L_overlay_start_0:
0x88: {  	s2 =	sld [smem:$0x3FD9]  }
0x89: {  	s3 =	sld [smem:$0x3FFE];
	_ =	sdelay $0x1  }
0x8a: {  	s1 =	srdreg.scid  }
0x8b: {  	s0 =	sand.u32 $0x1, s1  }
0x8c: {  	s16 =	sshll.u32 s0, $0xA;
	s2 =	sadd.s32 s3, s2  }
0x8d: {  	s2 =	sadd.s32 s2, s16  }
0x8e: {  	[smem:$0x3FAA] =	sst s2  }
0x8f: {  	_ = 	snop  }
0x90: {  	(tm) =	ssettm $0x1  }
0x91: {  	s17 =	sld [smem:$0x3FFB];
	_ =	sdelay $0x3  }
0x92: {  	_ =	strace s17  }
0x93: {  	s2 =	sld [smem:$0x3FFC];
	_ =	sdelay $0x3  }
0x94: {  	_ =	strace s2  }
0x95: {  	s2 =	sld [smem:$0x3FFD];
	_ =	sdelay $0x3  }
0x96: {  	_ =	strace s2  }
0x97: {  	_ =	strace $0x8FFFFFFF  }
0x98: {  	s18 =	sld [smem:$0x3FDB];
	_ =	sdelay $0x1  }
0x99: {  	s19 =	simm.s32 $_scs_section_size  }
0x9a: {  	s4 =	simm.s32 $_size__tile_overlayer_lowered;
	s5 =	simm.s32 $_tile_overlayer_lowered  }
0x9b: {  	s22 =	simm.s32 $0x1BFF;
	s21 =	sshll.u32 s5, $0x1;
	s2 =	sadd.s32 s19, s18  }
0x9c: {  	s6 =	simm.s32 $0x0;
	s20 =	sshll.u32 s4, $0x1;
	s4 =	sadd.s32 s21, s2  }
0x9d: {  	[timem:s6], [sflag:s22] =	dma.local [hbm:s4], s20  }
0x9e: {  	_ =	swait.ge [sflag:s22], s20  }
0x9f: {  	s3 =	ssub.s32 $0x0, s20;
	[sflag:s22] =	ssyncset.done $0x0  }
0xa0: {  	[sflag:s22] =	ssyncadd.s32 s3;
	_ =	sdelay $0x1  }
0xa1: {  	s23 =	simm.s32 $0x1B8B  }
0xa2: {  	_ =	swait.ge [sflag:s23], $0x1  }
0xa3: {  	[sflag:s23] =	ssyncset.done $0x0  }
0xa4: {  	s25 =	simm.s32 $0x1B8E;
	s24 =	sld [smem:$0x3FFE];
	[sflag:s23] =	ssyncadd.s32 $0xFFFFFFFF  }
0xa5: {  	s26 =	simm.s32 $execute0_lowered;
	[smem:$0x3FD2] =	sst s25  }
0xa6: {  	s4 =	sshll.u32 s26, $0x1;
	_ =	strace $0x80000049;
	[dreg:$0x1] =	wrdreg $0xFFFFFFFF  }
0xa7: {  	s28 =	simm.s32 $_size_execute0_lowered;
	s2 =	sadd.s32 s2, s4;
	[dreg:$0x0] =	wrdreg $0x0  }
0xa8: {  	s4 =	sshll.u32 s28, $0x1;
	[dreg:$0x2] =	wrdreg s2  }
0xa9: {  	[dreg:$0x3] =	wrdreg s4  }
0xaa: {  	[dreg:$0x4] =	wrdreg $0xC0  }
0xab: {  	_ =	task [dreg:s6], $0x5FFFF  }
0xac: {  	[dreg:$0x1] =	wrdreg $0xFFFFFFFF  }
0xad: {  	[dreg:$0x0] =	wrdreg $0x60  }
0xae: {  	[dreg:$0x2] =	wrdreg s24  }
0xaf: {  	[dreg:$0x3] =	wrdreg $0x90000  }
0xb0: {  	[dreg:$0x4] =	wrdreg $0x9  }
0xb1: {  	_ =	task.clear_ibuf [dreg:s6], $0x5FFFF;
	_ =	strace $0x90000049  }
0xb2: {  	s29 =	simm.s32 $0x9;
	_ =	strace $0x8000004B  }
0xb3: {  	_ =	swait.ge [sflag:s29], $0x1  }
0xb4: {  	[sflag:s29] =	ssyncadd.s32 $0xFFFFFFFF  }
0xb5: {  	_ =	strace $0x9000004B  }
0xb6: {  	_ =	sfence  }
0xb7: {  	s30 =	sld [smem:$0x0];
	_ =	sdelay $0x2  }
0xb8: {  	s31 =	sshll.u32 s1, $0xD;
	s1 =	sshrl.u32 s1, $0x2  }
0xb9: {  	s3 =	sand.u32 $0x4000, s31;
	s1 =	sadd.s32 s1, s30  }
0xba: {  	s0 =	sor.u32 s3, s0;
	s1 =	sshll.u32 s1, $0x11  }
0xbb: {  	s0 =	sor.u32 s1, s0  }
0xbc: {  	s0 =	sadd.s32 $0x8F2B, s0  }
0xbd: {  	[sflag:s0] =	ssyncadd.remote.s32 $0x1  }
0xbe: {  	_ =	sfence.sel $0xFFFF  }
0xbf: {  	[dreg:$0x0] =	wrdreg $0xFFFFFFFF;
	(pc) =	sbr.abs _section_cstart, $3  }
0xc0: {  	[dreg:$0x1] =	wrdreg $0xFFFFFFFF  }
0xc1: {  	_ =	task.clear_ibuf [dreg:s6], $0x2FFFF;
	_ =	strace $0x9FFFFFFF  }
0xc2: {  	(tm) =	ssettm $0x7FFFFFFF  }
0xc3: {  	_ =	shalt  }
tec
execute0_lowered:
.L_overlay_start_1:
0x0: {  	(tag) =	ssettag $0x1  }
0x1: {  	s1 =	srdreg.scid;
	s6 =	rddreg [dreg:$0x0]  }
0x2: {  	s0 =	stileid.u32;
	s2 =	rddreg [dreg:$0x1];
	s3 =	simm.s32 $0x0  }
0x3: {  	s14 =	simm.s32 $0x5000;
	s15 =	simm.s32 $0x2;
	s16 =	simm.s32 $0x1  }
0x4: {  	s17 =	simm.s32 $0x2800;
	s18 =	simm.s32 $0x80;
	s5 =	sand.u32 $0x1, s1  }
0x5: {  	s26 =	sshll.u32 s0, $0x1;
	s9 =	smul.u32 $0x14000, s0;
	[smem:$0x7FF] =	sst s3  }
0x6: {  	s10 =	smul.u32 $0x50000, s0;
	s4 =	sadd.s32 $0x11000, s6;
	s19 =	sshll.u32 s0, $0x6  }
0x7: {  	s1 =	sor.u32 s5, s26;
	s8 =	smul.u32 $0x140000, s5;
	s29 =	ssub.s32 $0x2, s5  }
0x8: {  	s19 =	sor.u32 $0x1C02, s19;
	s7 =	smul.u32 $0x500, s1;
	s1 =	rddreg [dreg:$0x2]  }
0x9: {  	_ =	strace $0x8000004A;
	s30 =	sshrl.u32 s10, $0x2;
	s31 =	sshrl.u32 s29, $0x1  }
0xa: {  	s28 =	sadd.s32 s9, s8;
	s5 =	sadd.s32 s30, s2;
	s13 =	ssub.s32 s29, s31  }
0xb: {  	s11 =	sadd.s32 s7, s6;
	s7 =	sshrl.u32 s28, $0x3;
	s8 =	sadd.s32 $0xC000, s5  }
0xc: {  	s9 =	sadd.s32 $0x10000, s5;
	s13 =	smax.u32 s13, $0x1;
	s20 =	sshrl.u32 s5, $0x3  }
0xd: {  	s12 =	sadd.s32 s7, s6;
	s6 =	sadd.s32 $0x4000, s5;
	s7 =	sadd.s32 $0x8000, s5  }
0xe: {  	v0 =	vimm.f32 $0.0e+00;
	s10 =	sadd.s32 $0x61000, s11;
	s11 =	sadd.s32 $0x7000, s11;
	s12 =	sadd.s32 $0xE0600, s12  }
.LBB2_1:
0xf: {  	s21 =	simm.s32 $0x0;
	s22 =	simm.s32 $0x200  }
.LBB2_2:
0x10: {  	p0 =	sne.s32 s22, $0xFE00;
	[tilespmem:s21+$0x5070] =	vst v0  }
0x11: {  	[tilespmem:s21+$0x5000] =	vst v0  }
0x12: {  	[tilespmem:s21+$0x5010] =	vst v0  }
.Ltmp0:
0x13: {  	[tilespmem:s21+$0x5020] =	vst v0;
	(pc) =	sbr.rel @p0 .LBB2_2-.Ltmp0, $4  }
0x14: {  	[tilespmem:s21+$0x5030] =	vst v0  }
0x15: {  	[tilespmem:s21+$0x5040] =	vst v0  }
0x16: {  	[tilespmem:s21+$0x5050] =	vst v0  }
0x17: {  	[tilespmem:s21+$0x5060] =	vst v0;
	s21 =	sshra.s32 s22, $0x2;
	s22 =	sadd.s32 $0x200, s22  }
0x18: {  	[tilespmem:s21+$0x5070] =	vst v0  }
0x19: {  	[tilespmem:s21+$0x5000] =	vst v0  }
0x1a: {  	[tilespmem:s21+$0x5010] =	vst v0  }
0x1b: {  	[tilespmem:s21+$0x5020] =	vst v0  }
0x1c: {  	[tilespmem:s21+$0x5030] =	vst v0  }
0x1d: {  	[tilespmem:s21+$0x5040] =	vst v0  }
0x1e: {  	[tilespmem:s21+$0x5050] =	vst v0  }
0x1f: {  	[tilespmem:s21+$0x5060] =	vst v0  }
0x20: {  	[spmem:s5] =	stream.linear.scatter [tilespmem:s14], [sflag:$0x2], $0x4000, $0x38;
	[tilespmem:$0x1D000] =	vst v63  }
0x21: {  	_ =	swait.ge [sflag:s15], $0x4000  }
0x22: {  	[sflag:s15] =	ssyncset.done $0x0  }
0x23: {  	[sflag:s15] =	ssyncadd.s32 $0xFFFFC000  }
0x24: {  	[spmem:s6] =	stream.linear.scatter [tilespmem:s14], [sflag:$0x2], $0x4000, $0x38;
	[tilespmem:$0x1D000] =	vst v63  }
0x25: {  	_ =	swait.ge [sflag:s15], $0x4000  }
0x26: {  	[sflag:s15] =	ssyncset.done $0x0  }
0x27: {  	[sflag:s15] =	ssyncadd.s32 $0xFFFFC000  }
0x28: {  	[spmem:s7] =	stream.linear.scatter [tilespmem:s14], [sflag:$0x2], $0x4000, $0x38;
	[tilespmem:$0x1D000] =	vst v63  }
0x29: {  	_ =	swait.ge [sflag:s15], $0x4000  }
0x2a: {  	[sflag:s15] =	ssyncset.done $0x0  }
0x2b: {  	[sflag:s15] =	ssyncadd.s32 $0xFFFFC000  }
0x2c: {  	[spmem:s8] =	stream.linear.scatter [tilespmem:s14], [sflag:$0x2], $0x4000, $0x38;
	[tilespmem:$0x1D000] =	vst v63  }
0x2d: {  	_ =	swait.ge [sflag:s15], $0x4000  }
0x2e: {  	[sflag:s15] =	ssyncset.done $0x0  }
0x2f: {  	[sflag:s15] =	ssyncadd.s32 $0xFFFFC000  }
0x30: {  	[spmem:s9] =	stream.linear.scatter [tilespmem:s14], [sflag:$0x2], $0x4000, $0x38;
	[tilespmem:$0x1D000] =	vst v63  }
0x31: {  	_ =	swait.ge [sflag:s15], $0x4000  }
0x32: {  	[sflag:s15] =	ssyncset.done $0x0  }
0x33: {  	s29 =	simm.s32 $0x0;
	[sflag:s15] =	ssyncadd.s32 $0xFFFFC000  }
0x34: {  	[tilespmem:s29], [sflag:$0x1] =	stream.linear.gather [hbm4b:s10+s29], $0x2780, $0x38;
	[tilespmem:$0x1D000] =	vst v63  }
0x35: {  	_ =	swait.ge [sflag:s16], $0x2780  }
0x36: {  	[sflag:s16] =	ssyncset.done $0x0  }
0x37: {  	[sflag:s16] =	ssyncadd.s32 $0xFFFFD880  }
0x38: {  	[tilespmem:s17], [sflag:$0x1] =	stream.linear.gather [hbm4b:s11+s29], $0x2780, $0x38;
	[tilespmem:$0x1D000] =	vst v63  }
0x39: {  	_ =	swait.ge [sflag:s16], $0x2780  }
0x3a: {  	[sflag:s16] =	ssyncset.done $0x0  }
0x3b: {  	[sflag:s16] =	ssyncadd.s32 $0xFFFFD880  }
0x3c: {  	s30 =	simm.s32 $0x0;
	[bflag:$0x0] =	sbarrier.arrive $0xFFFF  }
0x3d: {  	[tilespmem:s14], [sflag:$0x1] =	stream.indirect.gather [hbm4b:s4+s18], $0x80, s30, s18, $0xb8;
	[tilespmem:$0x1D000] =	vst v63  }
0x3e: {  	_ =	swait.ge [sflag:s16], $0x4000  }
0x3f: {  	[sflag:s16] =	ssyncset.done $0x0  }
0x40: {  	s31 =	simm.s32 $0x2800;
	[sflag:s16] =	ssyncadd.s32 $0xFFFFC000  }
0x41: {  	[spmem:s2] =	stream.indirect.scatter.add.f32 [tilespmem:s14], [sflag:$0x2], $0x80, s31, s18, $0xb8;
	[tilespmem:$0x1D000] =	vst v63  }
0x42: {  	_ =	swait.ge [sflag:s15], $0x4000  }
0x43: {  	s21 =	simm.s32 $0x200;
	s22 =	simm.s32 $0x400;
	[sflag:s15] =	ssyncset.done $0x0  }
.LBB2_4:
0x44: {  	s23 =	sshra.s32 s21, $0x2  }
0x45: {  	[sflag:s15] =	ssyncadd.s32 $0xFFFFC000;
	s21 =	smov.u32 s22;
	s24 =	sadd.s32 $0x200, s22  }
0x46: {  	[tilespmem:s14], [sflag:$0x1] =	stream.indirect.gather [hbm4b:s4+s18], $0x80, s23, s18, $0xb8;
	[tilespmem:$0x1D000] =	vst v63  }
0x47: {  	p0 =	sne.s32 s22, $0x9C00;
	_ =	swait.ge [sflag:s16], $0x4000  }
.Ltmp1:
0x48: {  	[sflag:s16] =	ssyncset.done $0x0;
	(pc) =	sbr.rel @p0 .LBB2_4-.Ltmp1, $4  }
0x49: {  	s22 =	sadd.s32 $0x2800, s23;
	[sflag:s16] =	ssyncadd.s32 $0xFFFFC000  }
0x4a: {  	[spmem:s2] =	stream.indirect.scatter.add.f32 [tilespmem:s14], [sflag:$0x2], $0x80, s22, s18, $0xb8;
	[tilespmem:$0x1D000] =	vst v63  }
0x4b: {  	_ =	swait.ge [sflag:s15], $0x4000  }
0x4c: {  	s22 =	smov.u32 s24;
	[sflag:s15] =	ssyncset.done $0x0  }
0x4d: {  	s21 =	sshra.s32 s21, $0x2;
	[sflag:s15] =	ssyncadd.s32 $0xFFFFC000  }
0x4e: {  	[tilespmem:s14], [sflag:$0x1] =	stream.indirect.gather [hbm4b:s4+s18], $0x80, s21, s18, $0xb8;
	[tilespmem:$0x1D000] =	vst v63  }
0x4f: {  	_ =	swait.ge [sflag:s16], $0x4000  }
0x50: {  	[sflag:s16] =	ssyncset.done $0x0  }
0x51: {  	s21 =	sadd.s32 $0x2800, s21;
	[sflag:s16] =	ssyncadd.s32 $0xFFFFC000  }
0x52: {  	[spmem:s2] =	stream.indirect.scatter.add.f32 [tilespmem:s14], [sflag:$0x2], $0x80, s21, s18, $0xb8;
	[tilespmem:$0x1D000] =	vst v63  }
0x53: {  	_ =	swait.ge [sflag:s15], $0x4000  }
0x54: {  	s3 =	sadd.s32 $0x1, s3;
	[sflag:s15] =	ssyncset.done $0x0  }
0x55: {  	p0 =	sne.s32 s3, s13;
	[sflag:s15] =	ssyncadd.s32 $0xFFFFC000  }
.Ltmp2:
0x56: {  	[bflag:$0x0] =	sbarrier.arrive $0xFFFF;
	(pc) =	sbr.rel @p0 .LBB2_1-.Ltmp2, $4  }
0x57: {  	[hbm:s12], [sflag:s19] =	dma.local [spmem:s20], $0x2800  }
0x58: {  	_ =	swait.ge [sflag:s15], $0x2800  }
0x59: {  	[sflag:s15] =	ssyncset.done $0x0  }
0x5a: {  	[sflag:s15] =	ssyncadd.s32 $0xFFFFD800  }
0x5b: {  	_ =	sfence.sel $0x180000  }
0x5c: {  	[bflag:$0x0] =	sbarrier.arrive $0xFFFF  }
0x5d: {  	p0 =	sne.s32 s0, $0x0;
	_ =	strace $0x9000004A  }
0x5e: {  	s0 =	sadd.s32 @!p0 $0x100000, s1;
	[bflag:$0x2] =	sbarrier.arrive $0xFFFF  }
0x5f: {  	[sflag:s0] =	ssyncadd.tile.s32 @!p0 $0x1;
	_ =	shalt  }
.Lfunc_end2:
_tile_overlayer_lowered:
.L_overlay_start_2:
0x60: {  	(tag) =	ssettag $0x2  }
0x61: {  	s0 =	rddreg [dreg:$0x0];
	s2 =	stileid.u32  }
0x62: {  	s1 =	rddreg [dreg:$0x1];
	p0 =	sne.s32 s2, $0x0  }
0x63: {  	s3 =	rddreg [dreg:$0x2];
	[bflag:$0x3] =	sbarrier.arrive $0xFFFF;
	s2 =	simm.s32 @!p0 $0x1C02  }
0x64: {  	[timem:s3], [sflag:s2] =	dma.local @!p0 [hbm:s0], s1  }
0x65: {  	s0 =	simm.s32 @!p0 $0x2  }
0x66: {  	_ =	swait.ge @!p0 [sflag:s0], s1  }
0x67: {  	s1 =	ssub.s32 @!p0 $0x0, s1;
	[sflag:s0] =	ssyncset.done @!p0 $0x0  }
0x68: {  	[sflag:s0] =	ssyncadd.s32 @!p0 s1  }
0x69: {  	[bflag:$0x3] =	sbarrier.arrive $0xFFFF  }
0x6a: {  	_ =	shalt  }

// kernel: kernel.19.cloned.1.call-start
scs
__scs_entry_jumppad:
0x0: {  	(pc) =	sbr.rel $0x88, $3  }
0x1: {  	(tag) =	ssettag $0x0;
	lr =	simm.s32 $0x1  }
0x2: {  	[smem:$0x3F83] =	sst lr;
	_ =	strace $0xD0000000  }
0x3: {  	_ = 	snop  }
0x4: {  	_ = 	snop  }
0x5: {  	_ = 	snop  }
0x6: {  	_ = 	snop  }
0x7: {  	_ = 	snop  }
__scs_overlays_trampoline_lowered:
0x8: {  	[smem:$0x3F92] =	sst s0  }
0x9: {  	[smem:$0x3F93] =	sst s1  }
0xa: {  	[smem:$0x3F94] =	sst s2  }
0xb: {  	[smem:$0x3F95] =	sst s3  }
0xc: {  	[smem:$0x3F96] =	sst s4  }
0xd: {  	[smem:$0x3F97] =	sst s5  }
0xe: {  	[smem:$0x3F98] =	sst s6  }
0xf: {  	[smem:$0x3F99] =	sst s7  }
0x10: {  	[smem:$0x3F9A] =	sst s8  }
0x11: {  	[smem:$0x3F9B] =	sst s9;
	s0 =	simm.s32 @!p0 $0x0  }
0x12: {  	s1 =	sld [smem:$0x3F81];
	s0 =	simm.s32 @p0 $0x1  }
0x13: {  	[smem:$0x3F9C] =	sst s0;
	s0 =	simm.s32 @!p1 $0x0  }
0x14: {  	s2 =	sld [smem:$0x3F80];
	s0 =	simm.s32 @p1 $0x1  }
0x15: {  	[smem:$0x3F9D] =	sst s0;
	s0 =	simm.s32 @!p2 $0x0  }
0x16: {  	s3 =	sld [smem:$0x3FDB];
	s0 =	simm.s32 @p2 $0x1  }
0x17: {  	s4 =	simm.s32 $0x1BF5;
	[smem:$0x3F9F] =	sst s0  }
0x18: {  	s0 =	sld [smem:$0x3F82];
	_ =	swait.ge [sflag:s4], $0x0  }
0x19: {  	s7 =	sld [smem:$0x3F83]  }
0x1a: {  	s8 =	sadd.s32 $0xFFFFE003, lr  }
0x1b: {  	s9 =	sadd.s32 $0xFFFFFEF7, lr;
	s5 =	simm.s32 $0xFFFFFFFF;
	p2 =	slt.u32 s8, $0xFFFFF086  }
0x1c: {  	p1 =	slt.u32 s9, $0xF7A;
	s5 =	simm.s32 @!p2 $0x0  }
0x1d: {  	s5 =	simm.s32 @p1 $0x1;
	p0 =	seq.s32 s7, s2  }
0x1e: {  	s7 =	smul.u32 @!p0 $0xF7A, s2;
	p2 =	seq.s32 @!p0 s5, $0x0  }
0x1f: {  	s9 =	smul.u32 $0xF7A, s1;
	s8 =	simm.s32 @!p0 $0x1BF5;
	p2 =	por !p2, p0  }
0x20: {  	[sflag:s8] =	ssyncset.s32 @!p0 $0xFFFFF086;
	s6 =	sadd.s32 @!p0 s3, s7;
	s7 =	simm.s32 @!p0 $0x108  }
0x21: {  	s3 =	sadd.s32 s3, s9;
	s6 =	sadd.s32 @!p0 $0x88, s6;
	s7 =	simm.s32 @p2 $0x1082  }
0x22: {  	[simem:s7], [sflag:s8] =	dma.local @!p0 [hbm:s6], $0xF7A  }
0x23: {  	s9 =	sor.u32 $0xD0000000, s2;
	s6 =	simm.s32 $0x108;
	_ =	swait.ge @!p0 [sflag:s8], $0x0  }
0x24: {  	s3 =	sadd.s32 $0x88, s3;
	s6 =	simm.s32 @!p1 $0x1082;
	[sflag:s4] =	ssyncset.s32 $0xFFFFF086  }
0x25: {  	[simem:s6], [sflag:s4] =	dma.local [hbm:s3], $0xF7A  }
0x26: {  	[smem:$0x3F83] =	sst s1;
	(tag) =	ssettag s2;
	_ =	strace s9  }
0x27: {  	s1 =	sld [smem:$0x3F93]  }
0x28: {  	s2 =	sld [smem:$0x3F94]  }
0x29: {  	s4 =	sld [smem:$0x3F96]  }
0x2a: {  	p0 =	seq.s32 s5, $0x0;
	s5 =	sld [smem:$0x3F97]  }
0x2b: {  	s6 =	sld [smem:$0x3F98]  }
0x2c: {  	s7 =	sld [smem:$0x3F99]  }
0x2d: {  	s3 =	simm.s32 $0x108;
	s8 =	sld [smem:$0x3F9A]  }
0x2e: {  	s3 =	simm.s32 @!p0 $0x1082;
	s9 =	sld [smem:$0x3F9B]  }
0x2f: {  	lr =	sadd.s32 s0, s3;
	s0 =	sld [smem:$0x3F92]  }
0x30: {  	s3 =	sld [smem:$0x3F95]  }
0x31: {  	[smem:$0x3F9E] =	sst s10  }
0x32: {  	s10 =	sld [smem:$0x3F9C];
	_ =	sdelay $0x3  }
0x33: {  	p0 =	seq.s32 s10, $0x1;
	s10 =	sld [smem:$0x3F9E];
	_ =	sdelay $0x3  }
0x34: {  	[smem:$0x3F9E] =	sst s10  }
0x35: {  	s10 =	sld [smem:$0x3F9D];
	_ =	sdelay $0x3  }
0x36: {  	p1 =	seq.s32 s10, $0x1;
	s10 =	sld [smem:$0x3F9E];
	_ =	sdelay $0x3  }
0x37: {  	[smem:$0x3F9E] =	sst s10  }
0x38: {  	s10 =	sld [smem:$0x3F9F]  }
0x39: {  	_ = 	snop;
	(pc) =	sbr.ind lr, $3  }
0x3a: {  	_ = 	snop  }
0x3b: {  	_ = 	snop  }
0x3c: {  	p2 =	seq.s32 s10, $0x1;
	s10 =	sld [smem:$0x3F9E]  }
0x3d: {  	_ =	shalt  }
0x3e: {  	_ =	shalt  }
0x3f: {  	_ =	shalt  }
0x40: {  	_ =	shalt  }
0x41: {  	_ =	shalt  }
0x42: {  	_ =	shalt  }
0x43: {  	_ =	shalt  }
0x44: {  	_ =	shalt  }
0x45: {  	_ =	shalt  }
0x46: {  	_ =	shalt  }
0x47: {  	_ =	shalt  }
0x48: {  	_ =	shalt  }
0x49: {  	_ =	shalt  }
0x4a: {  	_ =	shalt  }
0x4b: {  	_ =	shalt  }
0x4c: {  	_ =	shalt  }
0x4d: {  	_ =	shalt  }
0x4e: {  	_ =	shalt  }
0x4f: {  	_ =	shalt  }
0x50: {  	_ =	shalt  }
0x51: {  	_ =	shalt  }
0x52: {  	_ =	shalt  }
0x53: {  	_ =	shalt  }
0x54: {  	_ =	shalt  }
0x55: {  	_ =	shalt  }
0x56: {  	_ =	shalt  }
0x57: {  	_ =	shalt  }
0x58: {  	_ =	shalt  }
0x59: {  	_ =	shalt  }
0x5a: {  	_ =	shalt  }
0x5b: {  	_ =	shalt  }
0x5c: {  	_ =	shalt  }
0x5d: {  	_ =	shalt  }
0x5e: {  	_ =	shalt  }
0x5f: {  	_ =	shalt  }
0x60: {  	_ =	shalt  }
0x61: {  	_ =	shalt  }
0x62: {  	_ =	shalt  }
0x63: {  	_ =	shalt  }
0x64: {  	_ =	shalt  }
0x65: {  	_ =	shalt  }
0x66: {  	_ =	shalt  }
0x67: {  	_ =	shalt  }
0x68: {  	_ =	shalt  }
0x69: {  	_ =	shalt  }
0x6a: {  	_ =	shalt  }
0x6b: {  	_ =	shalt  }
0x6c: {  	_ =	shalt  }
0x6d: {  	_ =	shalt  }
0x6e: {  	_ =	shalt  }
0x6f: {  	_ =	shalt  }
0x70: {  	_ =	shalt  }
0x71: {  	_ =	shalt  }
0x72: {  	_ =	shalt  }
0x73: {  	_ =	shalt  }
0x74: {  	_ =	shalt  }
0x75: {  	_ =	shalt  }
0x76: {  	_ =	shalt  }
0x77: {  	_ =	shalt  }
0x78: {  	_ =	shalt  }
0x79: {  	_ =	shalt  }
0x7a: {  	_ =	shalt  }
0x7b: {  	_ =	shalt  }
0x7c: {  	_ =	shalt  }
0x7d: {  	_ =	shalt  }
0x7e: {  	_ =	shalt  }
0x7f: {  	_ =	shalt  }
0x80: {  	_ =	shalt  }
0x81: {  	_ =	shalt  }
0x82: {  	_ =	shalt  }
0x83: {  	_ =	shalt  }
0x84: {  	_ =	shalt  }
0x85: {  	_ =	shalt  }
0x86: {  	_ =	shalt  }
0x87: {  	_ =	shalt  }
.Lfunc_end0:
.L_simem_size_0:
called_computation.2_lowered:
.L_overlay_start_0:
0x88: {  	s2 =	sld [smem:$0x3FD9]  }
0x89: {  	s3 =	sld [smem:$0x3FFE];
	_ =	sdelay $0x1  }
0x8a: {  	s1 =	srdreg.scid  }
0x8b: {  	s0 =	sand.u32 $0x1, s1  }
0x8c: {  	s16 =	sshll.u32 s0, $0xA;
	s2 =	sadd.s32 s3, s2  }
0x8d: {  	s2 =	sadd.s32 s2, s16  }
0x8e: {  	[smem:$0x3FAA] =	sst s2  }
0x8f: {  	_ = 	snop  }
0x90: {  	(tm) =	ssettm $0x1  }
0x91: {  	s17 =	sld [smem:$0x3FFB];
	_ =	sdelay $0x3  }
0x92: {  	_ =	strace s17  }
0x93: {  	s2 =	sld [smem:$0x3FFC];
	_ =	sdelay $0x3  }
0x94: {  	_ =	strace s2  }
0x95: {  	s2 =	sld [smem:$0x3FFD];
	_ =	sdelay $0x3  }
0x96: {  	_ =	strace s2  }
0x97: {  	_ =	strace $0x8FFFFFFF  }
0x98: {  	s18 =	sld [smem:$0x3FDB];
	_ =	sdelay $0x1  }
0x99: {  	s19 =	simm.s32 $_scs_section_size  }
0x9a: {  	s4 =	simm.s32 $_size__tile_overlayer_lowered;
	s5 =	simm.s32 $_tile_overlayer_lowered  }
0x9b: {  	s22 =	simm.s32 $0x1BFF;
	s21 =	sshll.u32 s5, $0x1;
	s2 =	sadd.s32 s19, s18  }
0x9c: {  	s6 =	simm.s32 $0x0;
	s20 =	sshll.u32 s4, $0x1;
	s4 =	sadd.s32 s21, s2  }
0x9d: {  	[timem:s6], [sflag:s22] =	dma.local [hbm:s4], s20  }
0x9e: {  	_ =	swait.ge [sflag:s22], s20  }
0x9f: {  	s3 =	ssub.s32 $0x0, s20;
	[sflag:s22] =	ssyncset.done $0x0  }
0xa0: {  	[sflag:s22] =	ssyncadd.s32 s3;
	_ =	sdelay $0x1  }
0xa1: {  	s23 =	simm.s32 $0x1B8B  }
0xa2: {  	_ =	swait.ge [sflag:s23], $0x1  }
0xa3: {  	[sflag:s23] =	ssyncset.done $0x0  }
0xa4: {  	s25 =	simm.s32 $0x1B8E;
	s24 =	sld [smem:$0x3FFE];
	[sflag:s23] =	ssyncadd.s32 $0xFFFFFFFF  }
0xa5: {  	s26 =	simm.s32 $execute0_lowered;
	[smem:$0x3FD2] =	sst s25  }
0xa6: {  	s4 =	sshll.u32 s26, $0x1;
	_ =	strace $0x8000004C;
	[dreg:$0x1] =	wrdreg $0xFFFFFFFF  }
0xa7: {  	s28 =	simm.s32 $_size_execute0_lowered;
	s2 =	sadd.s32 s2, s4;
	[dreg:$0x0] =	wrdreg $0x0  }
0xa8: {  	s4 =	sshll.u32 s28, $0x1;
	[dreg:$0x2] =	wrdreg s2  }
0xa9: {  	[dreg:$0x3] =	wrdreg s4  }
0xaa: {  	[dreg:$0x4] =	wrdreg $0xC0  }
0xab: {  	_ =	task [dreg:s6], $0x5FFFF  }
0xac: {  	[dreg:$0x1] =	wrdreg $0xFFFFFFFF  }
0xad: {  	[dreg:$0x0] =	wrdreg $0x60  }
0xae: {  	[dreg:$0x2] =	wrdreg s24  }
0xaf: {  	[dreg:$0x3] =	wrdreg $0x90000  }
0xb0: {  	[dreg:$0x4] =	wrdreg $0x9  }
0xb1: {  	_ =	task.clear_ibuf [dreg:s6], $0x5FFFF;
	_ =	strace $0x9000004C  }
0xb2: {  	s29 =	simm.s32 $0x9;
	_ =	strace $0x8000004E  }
0xb3: {  	_ =	swait.ge [sflag:s29], $0x1  }
0xb4: {  	[sflag:s29] =	ssyncadd.s32 $0xFFFFFFFF  }
0xb5: {  	_ =	strace $0x9000004E  }
0xb6: {  	_ =	sfence  }
0xb7: {  	s30 =	sld [smem:$0x0];
	_ =	sdelay $0x2  }
0xb8: {  	s31 =	sshll.u32 s1, $0xD;
	s1 =	sshrl.u32 s1, $0x2  }
0xb9: {  	s3 =	sand.u32 $0x4000, s31;
	s1 =	sadd.s32 s1, s30  }
0xba: {  	s0 =	sor.u32 s3, s0;
	s1 =	sshll.u32 s1, $0x11  }
0xbb: {  	s0 =	sor.u32 s1, s0  }
0xbc: {  	s0 =	sadd.s32 $0x8F2B, s0  }
0xbd: {  	[sflag:s0] =	ssyncadd.remote.s32 $0x1  }
0xbe: {  	_ =	sfence.sel $0xFFFF  }
0xbf: {  	[dreg:$0x0] =	wrdreg $0xFFFFFFFF;
	(pc) =	sbr.abs _section_cstart, $3  }
0xc0: {  	[dreg:$0x1] =	wrdreg $0xFFFFFFFF  }
0xc1: {  	_ =	task.clear_ibuf [dreg:s6], $0x2FFFF;
	_ =	strace $0x9FFFFFFF  }
0xc2: {  	(tm) =	ssettm $0x7FFFFFFF  }
0xc3: {  	_ =	shalt  }
tec
execute0_lowered:
.L_overlay_start_1:
0x0: {  	(tag) =	ssettag $0x1  }
0x1: {  	s1 =	srdreg.scid;
	s6 =	rddreg [dreg:$0x0]  }
0x2: {  	s0 =	stileid.u32;
	s2 =	rddreg [dreg:$0x1];
	s3 =	simm.s32 $0x0  }
0x3: {  	s14 =	simm.s32 $0x5000;
	s15 =	simm.s32 $0x2;
	s16 =	simm.s32 $0x1  }
0x4: {  	s17 =	simm.s32 $0x2800;
	s18 =	simm.s32 $0x80;
	s5 =	sand.u32 $0x1, s1  }
0x5: {  	s26 =	sshll.u32 s0, $0x1;
	s9 =	smul.u32 $0x14000, s0;
	[smem:$0x7FF] =	sst s3  }
0x6: {  	s10 =	smul.u32 $0x50000, s0;
	s4 =	sadd.s32 $0x11000, s6;
	s19 =	sshll.u32 s0, $0x6  }
0x7: {  	s1 =	sor.u32 s5, s26;
	s8 =	smul.u32 $0x140000, s5;
	s29 =	ssub.s32 $0x2, s5  }
0x8: {  	s19 =	sor.u32 $0x1C02, s19;
	s7 =	smul.u32 $0x500, s1;
	s1 =	rddreg [dreg:$0x2]  }
0x9: {  	_ =	strace $0x8000004D;
	s30 =	sshrl.u32 s10, $0x2;
	s31 =	sshrl.u32 s29, $0x1  }
0xa: {  	s28 =	sadd.s32 s9, s8;
	s5 =	sadd.s32 s30, s2;
	s13 =	ssub.s32 s29, s31  }
0xb: {  	s11 =	sadd.s32 s7, s6;
	s7 =	sshrl.u32 s28, $0x3;
	s8 =	sadd.s32 $0xC000, s5  }
0xc: {  	s9 =	sadd.s32 $0x10000, s5;
	s13 =	smax.u32 s13, $0x1;
	s20 =	sshrl.u32 s5, $0x3  }
0xd: {  	s12 =	sadd.s32 s7, s6;
	s6 =	sadd.s32 $0x4000, s5;
	s7 =	sadd.s32 $0x8000, s5  }
0xe: {  	v0 =	vimm.f32 $0.0e+00;
	s10 =	sadd.s32 $0x61000, s11;
	s11 =	sadd.s32 $0x7000, s11;
	s12 =	sadd.s32 $0xE0600, s12  }
.LBB2_1:
0xf: {  	s21 =	simm.s32 $0x0;
	s22 =	simm.s32 $0x200  }
.LBB2_2:
0x10: {  	p0 =	sne.s32 s22, $0xFE00;
	[tilespmem:s21+$0x5070] =	vst v0  }
0x11: {  	[tilespmem:s21+$0x5000] =	vst v0  }
0x12: {  	[tilespmem:s21+$0x5010] =	vst v0  }
.Ltmp0:
0x13: {  	[tilespmem:s21+$0x5020] =	vst v0;
	(pc) =	sbr.rel @p0 .LBB2_2-.Ltmp0, $4  }
0x14: {  	[tilespmem:s21+$0x5030] =	vst v0  }
0x15: {  	[tilespmem:s21+$0x5040] =	vst v0  }
0x16: {  	[tilespmem:s21+$0x5050] =	vst v0  }
0x17: {  	[tilespmem:s21+$0x5060] =	vst v0;
	s21 =	sshra.s32 s22, $0x2;
	s22 =	sadd.s32 $0x200, s22  }
0x18: {  	[tilespmem:s21+$0x5070] =	vst v0  }
0x19: {  	[tilespmem:s21+$0x5000] =	vst v0  }
0x1a: {  	[tilespmem:s21+$0x5010] =	vst v0  }
0x1b: {  	[tilespmem:s21+$0x5020] =	vst v0  }
0x1c: {  	[tilespmem:s21+$0x5030] =	vst v0  }
0x1d: {  	[tilespmem:s21+$0x5040] =	vst v0  }
0x1e: {  	[tilespmem:s21+$0x5050] =	vst v0  }
0x1f: {  	[tilespmem:s21+$0x5060] =	vst v0  }
0x20: {  	[spmem:s5] =	stream.linear.scatter [tilespmem:s14], [sflag:$0x2], $0x4000, $0x38;
	[tilespmem:$0x1D000] =	vst v63  }
0x21: {  	_ =	swait.ge [sflag:s15], $0x4000  }
0x22: {  	[sflag:s15] =	ssyncset.done $0x0  }
0x23: {  	[sflag:s15] =	ssyncadd.s32 $0xFFFFC000  }
0x24: {  	[spmem:s6] =	stream.linear.scatter [tilespmem:s14], [sflag:$0x2], $0x4000, $0x38;
	[tilespmem:$0x1D000] =	vst v63  }
0x25: {  	_ =	swait.ge [sflag:s15], $0x4000  }
0x26: {  	[sflag:s15] =	ssyncset.done $0x0  }
0x27: {  	[sflag:s15] =	ssyncadd.s32 $0xFFFFC000  }
0x28: {  	[spmem:s7] =	stream.linear.scatter [tilespmem:s14], [sflag:$0x2], $0x4000, $0x38;
	[tilespmem:$0x1D000] =	vst v63  }
0x29: {  	_ =	swait.ge [sflag:s15], $0x4000  }
0x2a: {  	[sflag:s15] =	ssyncset.done $0x0  }
0x2b: {  	[sflag:s15] =	ssyncadd.s32 $0xFFFFC000  }
0x2c: {  	[spmem:s8] =	stream.linear.scatter [tilespmem:s14], [sflag:$0x2], $0x4000, $0x38;
	[tilespmem:$0x1D000] =	vst v63  }
0x2d: {  	_ =	swait.ge [sflag:s15], $0x4000  }
0x2e: {  	[sflag:s15] =	ssyncset.done $0x0  }
0x2f: {  	[sflag:s15] =	ssyncadd.s32 $0xFFFFC000  }
0x30: {  	[spmem:s9] =	stream.linear.scatter [tilespmem:s14], [sflag:$0x2], $0x4000, $0x38;
	[tilespmem:$0x1D000] =	vst v63  }
0x31: {  	_ =	swait.ge [sflag:s15], $0x4000  }
0x32: {  	[sflag:s15] =	ssyncset.done $0x0  }
0x33: {  	s29 =	simm.s32 $0x0;
	[sflag:s15] =	ssyncadd.s32 $0xFFFFC000  }
0x34: {  	[tilespmem:s29], [sflag:$0x1] =	stream.linear.gather [hbm4b:s10+s29], $0x2780, $0x38;
	[tilespmem:$0x1D000] =	vst v63  }
0x35: {  	_ =	swait.ge [sflag:s16], $0x2780  }
0x36: {  	[sflag:s16] =	ssyncset.done $0x0  }
0x37: {  	[sflag:s16] =	ssyncadd.s32 $0xFFFFD880  }
0x38: {  	[tilespmem:s17], [sflag:$0x1] =	stream.linear.gather [hbm4b:s11+s29], $0x2780, $0x38;
	[tilespmem:$0x1D000] =	vst v63  }
0x39: {  	_ =	swait.ge [sflag:s16], $0x2780  }
0x3a: {  	[sflag:s16] =	ssyncset.done $0x0  }
0x3b: {  	[sflag:s16] =	ssyncadd.s32 $0xFFFFD880  }
0x3c: {  	s30 =	simm.s32 $0x0;
	[bflag:$0x0] =	sbarrier.arrive $0xFFFF  }
0x3d: {  	[tilespmem:s14], [sflag:$0x1] =	stream.indirect.gather [hbm4b:s4+s18], $0x80, s30, s18, $0xb8;
	[tilespmem:$0x1D000] =	vst v63  }
0x3e: {  	_ =	swait.ge [sflag:s16], $0x4000  }
0x3f: {  	[sflag:s16] =	ssyncset.done $0x0  }
0x40: {  	s31 =	simm.s32 $0x2800;
	[sflag:s16] =	ssyncadd.s32 $0xFFFFC000  }
0x41: {  	[spmem:s2] =	stream.indirect.scatter.add.f32 [tilespmem:s14], [sflag:$0x2], $0x80, s31, s18, $0xb8;
	[tilespmem:$0x1D000] =	vst v63  }
0x42: {  	_ =	swait.ge [sflag:s15], $0x4000  }
0x43: {  	s21 =	simm.s32 $0x200;
	s22 =	simm.s32 $0x400;
	[sflag:s15] =	ssyncset.done $0x0  }
.LBB2_4:
0x44: {  	s23 =	sshra.s32 s21, $0x2  }
0x45: {  	[sflag:s15] =	ssyncadd.s32 $0xFFFFC000;
	s21 =	smov.u32 s22;
	s24 =	sadd.s32 $0x200, s22  }
0x46: {  	[tilespmem:s14], [sflag:$0x1] =	stream.indirect.gather [hbm4b:s4+s18], $0x80, s23, s18, $0xb8;
	[tilespmem:$0x1D000] =	vst v63  }
0x47: {  	p0 =	sne.s32 s22, $0x9C00;
	_ =	swait.ge [sflag:s16], $0x4000  }
.Ltmp1:
0x48: {  	[sflag:s16] =	ssyncset.done $0x0;
	(pc) =	sbr.rel @p0 .LBB2_4-.Ltmp1, $4  }
0x49: {  	s22 =	sadd.s32 $0x2800, s23;
	[sflag:s16] =	ssyncadd.s32 $0xFFFFC000  }
0x4a: {  	[spmem:s2] =	stream.indirect.scatter.add.f32 [tilespmem:s14], [sflag:$0x2], $0x80, s22, s18, $0xb8;
	[tilespmem:$0x1D000] =	vst v63  }
0x4b: {  	_ =	swait.ge [sflag:s15], $0x4000  }
0x4c: {  	s22 =	smov.u32 s24;
	[sflag:s15] =	ssyncset.done $0x0  }
0x4d: {  	s21 =	sshra.s32 s21, $0x2;
	[sflag:s15] =	ssyncadd.s32 $0xFFFFC000  }
0x4e: {  	[tilespmem:s14], [sflag:$0x1] =	stream.indirect.gather [hbm4b:s4+s18], $0x80, s21, s18, $0xb8;
	[tilespmem:$0x1D000] =	vst v63  }
0x4f: {  	_ =	swait.ge [sflag:s16], $0x4000  }
0x50: {  	[sflag:s16] =	ssyncset.done $0x0  }
0x51: {  	s21 =	sadd.s32 $0x2800, s21;
	[sflag:s16] =	ssyncadd.s32 $0xFFFFC000  }
0x52: {  	[spmem:s2] =	stream.indirect.scatter.add.f32 [tilespmem:s14], [sflag:$0x2], $0x80, s21, s18, $0xb8;
	[tilespmem:$0x1D000] =	vst v63  }
0x53: {  	_ =	swait.ge [sflag:s15], $0x4000  }
0x54: {  	s3 =	sadd.s32 $0x1, s3;
	[sflag:s15] =	ssyncset.done $0x0  }
0x55: {  	p0 =	sne.s32 s3, s13;
	[sflag:s15] =	ssyncadd.s32 $0xFFFFC000  }
.Ltmp2:
0x56: {  	[bflag:$0x0] =	sbarrier.arrive $0xFFFF;
	(pc) =	sbr.rel @p0 .LBB2_1-.Ltmp2, $4  }
0x57: {  	[hbm:s12], [sflag:s19] =	dma.local [spmem:s20], $0x2800  }
0x58: {  	_ =	swait.ge [sflag:s15], $0x2800  }
0x59: {  	[sflag:s15] =	ssyncset.done $0x0  }
0x5a: {  	[sflag:s15] =	ssyncadd.s32 $0xFFFFD800  }
0x5b: {  	_ =	sfence.sel $0x180000  }
0x5c: {  	[bflag:$0x0] =	sbarrier.arrive $0xFFFF  }
0x5d: {  	p0 =	sne.s32 s0, $0x0;
	_ =	strace $0x9000004D  }
0x5e: {  	s0 =	sadd.s32 @!p0 $0x100000, s1;
	[bflag:$0x2] =	sbarrier.arrive $0xFFFF  }
0x5f: {  	[sflag:s0] =	ssyncadd.tile.s32 @!p0 $0x1;
	_ =	shalt  }
.Lfunc_end2:
_tile_overlayer_lowered:
.L_overlay_start_2:
0x60: {  	(tag) =	ssettag $0x2  }
0x61: {  	s0 =	rddreg [dreg:$0x0];
	s2 =	stileid.u32  }
0x62: {  	s1 =	rddreg [dreg:$0x1];
	p0 =	sne.s32 s2, $0x0  }
0x63: {  	s3 =	rddreg [dreg:$0x2];
	[bflag:$0x3] =	sbarrier.arrive $0xFFFF;
	s2 =	simm.s32 @!p0 $0x1C02  }
0x64: {  	[timem:s3], [sflag:s2] =	dma.local @!p0 [hbm:s0], s1  }
0x65: {  	s0 =	simm.s32 @!p0 $0x2  }
0x66: {  	_ =	swait.ge @!p0 [sflag:s0], s1  }
0x67: {  	s1 =	ssub.s32 @!p0 $0x0, s1;
	[sflag:s0] =	ssyncset.done @!p0 $0x0  }
0x68: {  	[sflag:s0] =	ssyncadd.s32 @!p0 s1  }
0x69: {  	[bflag:$0x3] =	sbarrier.arrive $0xFFFF  }
0x6a: {  	_ =	shalt  }

// kernel: kernel.22.cloned.1.call-start
scs
__scs_entry_jumppad:
0x0: {  	(pc) =	sbr.rel $0x88, $3  }
0x1: {  	(tag) =	ssettag $0x0;
	lr =	simm.s32 $0x1  }
0x2: {  	[smem:$0x3F83] =	sst lr;
	_ =	strace $0xD0000000  }
0x3: {  	_ = 	snop  }
0x4: {  	_ = 	snop  }
0x5: {  	_ = 	snop  }
0x6: {  	_ = 	snop  }
0x7: {  	_ = 	snop  }
__scs_overlays_trampoline_lowered:
0x8: {  	[smem:$0x3F92] =	sst s0  }
0x9: {  	[smem:$0x3F93] =	sst s1  }
0xa: {  	[smem:$0x3F94] =	sst s2  }
0xb: {  	[smem:$0x3F95] =	sst s3  }
0xc: {  	[smem:$0x3F96] =	sst s4  }
0xd: {  	[smem:$0x3F97] =	sst s5  }
0xe: {  	[smem:$0x3F98] =	sst s6  }
0xf: {  	[smem:$0x3F99] =	sst s7  }
0x10: {  	[smem:$0x3F9A] =	sst s8  }
0x11: {  	[smem:$0x3F9B] =	sst s9;
	s0 =	simm.s32 @!p0 $0x0  }
0x12: {  	s1 =	sld [smem:$0x3F81];
	s0 =	simm.s32 @p0 $0x1  }
0x13: {  	[smem:$0x3F9C] =	sst s0;
	s0 =	simm.s32 @!p1 $0x0  }
0x14: {  	s2 =	sld [smem:$0x3F80];
	s0 =	simm.s32 @p1 $0x1  }
0x15: {  	[smem:$0x3F9D] =	sst s0;
	s0 =	simm.s32 @!p2 $0x0  }
0x16: {  	s3 =	sld [smem:$0x3FDB];
	s0 =	simm.s32 @p2 $0x1  }
0x17: {  	s4 =	simm.s32 $0x1BF5;
	[smem:$0x3F9F] =	sst s0  }
0x18: {  	s0 =	sld [smem:$0x3F82];
	_ =	swait.ge [sflag:s4], $0x0  }
0x19: {  	s7 =	sld [smem:$0x3F83]  }
0x1a: {  	s8 =	sadd.s32 $0xFFFFE003, lr  }
0x1b: {  	s9 =	sadd.s32 $0xFFFFFEF7, lr;
	s5 =	simm.s32 $0xFFFFFFFF;
	p2 =	slt.u32 s8, $0xFFFFF086  }
0x1c: {  	p1 =	slt.u32 s9, $0xF7A;
	s5 =	simm.s32 @!p2 $0x0  }
0x1d: {  	s5 =	simm.s32 @p1 $0x1;
	p0 =	seq.s32 s7, s2  }
0x1e: {  	s7 =	smul.u32 @!p0 $0xF7A, s2;
	p2 =	seq.s32 @!p0 s5, $0x0  }
0x1f: {  	s9 =	smul.u32 $0xF7A, s1;
	s8 =	simm.s32 @!p0 $0x1BF5;
	p2 =	por !p2, p0  }
0x20: {  	[sflag:s8] =	ssyncset.s32 @!p0 $0xFFFFF086;
	s6 =	sadd.s32 @!p0 s3, s7;
	s7 =	simm.s32 @!p0 $0x108  }
0x21: {  	s3 =	sadd.s32 s3, s9;
	s6 =	sadd.s32 @!p0 $0x88, s6;
	s7 =	simm.s32 @p2 $0x1082  }
0x22: {  	[simem:s7], [sflag:s8] =	dma.local @!p0 [hbm:s6], $0xF7A  }
0x23: {  	s9 =	sor.u32 $0xD0000000, s2;
	s6 =	simm.s32 $0x108;
	_ =	swait.ge @!p0 [sflag:s8], $0x0  }
0x24: {  	s3 =	sadd.s32 $0x88, s3;
	s6 =	simm.s32 @!p1 $0x1082;
	[sflag:s4] =	ssyncset.s32 $0xFFFFF086  }
0x25: {  	[simem:s6], [sflag:s4] =	dma.local [hbm:s3], $0xF7A  }
0x26: {  	[smem:$0x3F83] =	sst s1;
	(tag) =	ssettag s2;
	_ =	strace s9  }
0x27: {  	s1 =	sld [smem:$0x3F93]  }
0x28: {  	s2 =	sld [smem:$0x3F94]  }
0x29: {  	s4 =	sld [smem:$0x3F96]  }
0x2a: {  	p0 =	seq.s32 s5, $0x0;
	s5 =	sld [smem:$0x3F97]  }
0x2b: {  	s6 =	sld [smem:$0x3F98]  }
0x2c: {  	s7 =	sld [smem:$0x3F99]  }
0x2d: {  	s3 =	simm.s32 $0x108;
	s8 =	sld [smem:$0x3F9A]  }
0x2e: {  	s3 =	simm.s32 @!p0 $0x1082;
	s9 =	sld [smem:$0x3F9B]  }
0x2f: {  	lr =	sadd.s32 s0, s3;
	s0 =	sld [smem:$0x3F92]  }
0x30: {  	s3 =	sld [smem:$0x3F95]  }
0x31: {  	[smem:$0x3F9E] =	sst s10  }
0x32: {  	s10 =	sld [smem:$0x3F9C];
	_ =	sdelay $0x3  }
0x33: {  	p0 =	seq.s32 s10, $0x1;
	s10 =	sld [smem:$0x3F9E];
	_ =	sdelay $0x3  }
0x34: {  	[smem:$0x3F9E] =	sst s10  }
0x35: {  	s10 =	sld [smem:$0x3F9D];
	_ =	sdelay $0x3  }
0x36: {  	p1 =	seq.s32 s10, $0x1;
	s10 =	sld [smem:$0x3F9E];
	_ =	sdelay $0x3  }
0x37: {  	[smem:$0x3F9E] =	sst s10  }
0x38: {  	s10 =	sld [smem:$0x3F9F]  }
0x39: {  	_ = 	snop;
	(pc) =	sbr.ind lr, $3  }
0x3a: {  	_ = 	snop  }
0x3b: {  	_ = 	snop  }
0x3c: {  	p2 =	seq.s32 s10, $0x1;
	s10 =	sld [smem:$0x3F9E]  }
0x3d: {  	_ =	shalt  }
0x3e: {  	_ =	shalt  }
0x3f: {  	_ =	shalt  }
0x40: {  	_ =	shalt  }
0x41: {  	_ =	shalt  }
0x42: {  	_ =	shalt  }
0x43: {  	_ =	shalt  }
0x44: {  	_ =	shalt  }
0x45: {  	_ =	shalt  }
0x46: {  	_ =	shalt  }
0x47: {  	_ =	shalt  }
0x48: {  	_ =	shalt  }
0x49: {  	_ =	shalt  }
0x4a: {  	_ =	shalt  }
0x4b: {  	_ =	shalt  }
0x4c: {  	_ =	shalt  }
0x4d: {  	_ =	shalt  }
0x4e: {  	_ =	shalt  }
0x4f: {  	_ =	shalt  }
0x50: {  	_ =	shalt  }
0x51: {  	_ =	shalt  }
0x52: {  	_ =	shalt  }
0x53: {  	_ =	shalt  }
0x54: {  	_ =	shalt  }
0x55: {  	_ =	shalt  }
0x56: {  	_ =	shalt  }
0x57: {  	_ =	shalt  }
0x58: {  	_ =	shalt  }
0x59: {  	_ =	shalt  }
0x5a: {  	_ =	shalt  }
0x5b: {  	_ =	shalt  }
0x5c: {  	_ =	shalt  }
0x5d: {  	_ =	shalt  }
0x5e: {  	_ =	shalt  }
0x5f: {  	_ =	shalt  }
0x60: {  	_ =	shalt  }
0x61: {  	_ =	shalt  }
0x62: {  	_ =	shalt  }
0x63: {  	_ =	shalt  }
0x64: {  	_ =	shalt  }
0x65: {  	_ =	shalt  }
0x66: {  	_ =	shalt  }
0x67: {  	_ =	shalt  }
0x68: {  	_ =	shalt  }
0x69: {  	_ =	shalt  }
0x6a: {  	_ =	shalt  }
0x6b: {  	_ =	shalt  }
0x6c: {  	_ =	shalt  }
0x6d: {  	_ =	shalt  }
0x6e: {  	_ =	shalt  }
0x6f: {  	_ =	shalt  }
0x70: {  	_ =	shalt  }
0x71: {  	_ =	shalt  }
0x72: {  	_ =	shalt  }
0x73: {  	_ =	shalt  }
0x74: {  	_ =	shalt  }
0x75: {  	_ =	shalt  }
0x76: {  	_ =	shalt  }
0x77: {  	_ =	shalt  }
0x78: {  	_ =	shalt  }
0x79: {  	_ =	shalt  }
0x7a: {  	_ =	shalt  }
0x7b: {  	_ =	shalt  }
0x7c: {  	_ =	shalt  }
0x7d: {  	_ =	shalt  }
0x7e: {  	_ =	shalt  }
0x7f: {  	_ =	shalt  }
0x80: {  	_ =	shalt  }
0x81: {  	_ =	shalt  }
0x82: {  	_ =	shalt  }
0x83: {  	_ =	shalt  }
0x84: {  	_ =	shalt  }
0x85: {  	_ =	shalt  }
0x86: {  	_ =	shalt  }
0x87: {  	_ =	shalt  }
.Lfunc_end0:
.L_simem_size_0:
called_computation.3_lowered:
.L_overlay_start_0:
0x88: {  	s2 =	sld [smem:$0x3FD9]  }
0x89: {  	s3 =	sld [smem:$0x3FFE];
	_ =	sdelay $0x1  }
0x8a: {  	s1 =	srdreg.scid  }
0x8b: {  	s0 =	sand.u32 $0x1, s1  }
0x8c: {  	s16 =	sshll.u32 s0, $0xA;
	s2 =	sadd.s32 s3, s2  }
0x8d: {  	s2 =	sadd.s32 s2, s16  }
0x8e: {  	[smem:$0x3FAA] =	sst s2  }
0x8f: {  	_ = 	snop  }
0x90: {  	(tm) =	ssettm $0x1  }
0x91: {  	s17 =	sld [smem:$0x3FFB];
	_ =	sdelay $0x3  }
0x92: {  	_ =	strace s17  }
0x93: {  	s2 =	sld [smem:$0x3FFC];
	_ =	sdelay $0x3  }
0x94: {  	_ =	strace s2  }
0x95: {  	s2 =	sld [smem:$0x3FFD];
	_ =	sdelay $0x3  }
0x96: {  	_ =	strace s2  }
0x97: {  	_ =	strace $0x8FFFFFFF  }
0x98: {  	s18 =	sld [smem:$0x3FDB];
	_ =	sdelay $0x1  }
0x99: {  	s19 =	simm.s32 $_scs_section_size  }
0x9a: {  	s4 =	simm.s32 $_size__tile_overlayer_lowered;
	s5 =	simm.s32 $_tile_overlayer_lowered  }
0x9b: {  	s22 =	simm.s32 $0x1BFF;
	s21 =	sshll.u32 s5, $0x1;
	s2 =	sadd.s32 s19, s18  }
0x9c: {  	s6 =	simm.s32 $0x0;
	s20 =	sshll.u32 s4, $0x1;
	s4 =	sadd.s32 s21, s2  }
0x9d: {  	[timem:s6], [sflag:s22] =	dma.local [hbm:s4], s20  }
0x9e: {  	_ =	swait.ge [sflag:s22], s20  }
0x9f: {  	s3 =	ssub.s32 $0x0, s20;
	[sflag:s22] =	ssyncset.done $0x0  }
0xa0: {  	[sflag:s22] =	ssyncadd.s32 s3;
	_ =	sdelay $0x1  }
0xa1: {  	s23 =	simm.s32 $0x1B8B  }
0xa2: {  	_ =	swait.ge [sflag:s23], $0x1  }
0xa3: {  	[sflag:s23] =	ssyncset.done $0x0  }
0xa4: {  	s25 =	simm.s32 $0x1B8E;
	s24 =	sld [smem:$0x3FFE];
	[sflag:s23] =	ssyncadd.s32 $0xFFFFFFFF  }
0xa5: {  	s26 =	simm.s32 $execute0_lowered;
	[smem:$0x3FD2] =	sst s25  }
0xa6: {  	s4 =	sshll.u32 s26, $0x1;
	_ =	strace $0x8000004F;
	[dreg:$0x1] =	wrdreg $0xFFFFFFFF  }
0xa7: {  	s28 =	simm.s32 $_size_execute0_lowered;
	s2 =	sadd.s32 s2, s4;
	[dreg:$0x0] =	wrdreg $0x0  }
0xa8: {  	s4 =	sshll.u32 s28, $0x1;
	[dreg:$0x2] =	wrdreg s2  }
0xa9: {  	[dreg:$0x3] =	wrdreg s4  }
0xaa: {  	[dreg:$0x4] =	wrdreg $0xC0  }
0xab: {  	_ =	task [dreg:s6], $0x5FFFF  }
0xac: {  	[dreg:$0x1] =	wrdreg $0xFFFFFFFF  }
0xad: {  	[dreg:$0x0] =	wrdreg $0x60  }
0xae: {  	[dreg:$0x2] =	wrdreg s24  }
0xaf: {  	[dreg:$0x3] =	wrdreg $0x90000  }
0xb0: {  	[dreg:$0x4] =	wrdreg $0x9  }
0xb1: {  	_ =	task.clear_ibuf [dreg:s6], $0x5FFFF;
	_ =	strace $0x9000004F  }
0xb2: {  	s29 =	simm.s32 $0x9;
	_ =	strace $0x80000051  }
0xb3: {  	_ =	swait.ge [sflag:s29], $0x1  }
0xb4: {  	[sflag:s29] =	ssyncadd.s32 $0xFFFFFFFF  }
0xb5: {  	_ =	strace $0x90000051  }
0xb6: {  	_ =	sfence  }
0xb7: {  	s30 =	sld [smem:$0x0];
	_ =	sdelay $0x2  }
0xb8: {  	s31 =	sshll.u32 s1, $0xD;
	s1 =	sshrl.u32 s1, $0x2  }
0xb9: {  	s3 =	sand.u32 $0x4000, s31;
	s1 =	sadd.s32 s1, s30  }
0xba: {  	s0 =	sor.u32 s3, s0;
	s1 =	sshll.u32 s1, $0x11  }
0xbb: {  	s0 =	sor.u32 s1, s0  }
0xbc: {  	s0 =	sadd.s32 $0x8F2B, s0  }
0xbd: {  	[sflag:s0] =	ssyncadd.remote.s32 $0x1  }
0xbe: {  	_ =	sfence.sel $0xFFFF  }
0xbf: {  	[dreg:$0x0] =	wrdreg $0xFFFFFFFF;
	(pc) =	sbr.abs _section_cstart, $3  }
0xc0: {  	[dreg:$0x1] =	wrdreg $0xFFFFFFFF  }
0xc1: {  	_ =	task.clear_ibuf [dreg:s6], $0x2FFFF;
	_ =	strace $0x9FFFFFFF  }
0xc2: {  	(tm) =	ssettm $0x7FFFFFFF  }
0xc3: {  	_ =	shalt  }
tec
execute0_lowered:
.L_overlay_start_1:
0x0: {  	(tag) =	ssettag $0x1  }
0x1: {  	s1 =	srdreg.scid;
	s6 =	rddreg [dreg:$0x0]  }
0x2: {  	s0 =	stileid.u32;
	s2 =	rddreg [dreg:$0x1];
	s3 =	simm.s32 $0x0  }
0x3: {  	s14 =	simm.s32 $0x5000;
	s15 =	simm.s32 $0x2;
	s16 =	simm.s32 $0x1  }
0x4: {  	s17 =	simm.s32 $0x2800;
	s18 =	simm.s32 $0x80;
	s5 =	sand.u32 $0x1, s1  }
0x5: {  	s26 =	sshll.u32 s0, $0x1;
	s9 =	smul.u32 $0x14000, s0;
	[smem:$0x7FF] =	sst s3  }
0x6: {  	s10 =	smul.u32 $0x50000, s0;
	s4 =	sadd.s32 $0x6B000, s6;
	s19 =	sshll.u32 s0, $0x6  }
0x7: {  	s1 =	sor.u32 s5, s26;
	s8 =	smul.u32 $0x140000, s5;
	s29 =	ssub.s32 $0x2, s5  }
0x8: {  	s19 =	sor.u32 $0x1C02, s19;
	s7 =	smul.u32 $0x500, s1;
	s1 =	rddreg [dreg:$0x2]  }
0x9: {  	_ =	strace $0x80000050;
	s30 =	sshrl.u32 s10, $0x2;
	s31 =	sshrl.u32 s29, $0x1  }
0xa: {  	s28 =	sadd.s32 s9, s8;
	s5 =	sadd.s32 s30, s2;
	s13 =	ssub.s32 s29, s31  }
0xb: {  	s11 =	sadd.s32 s7, s6;
	s7 =	sshrl.u32 s28, $0x3;
	s8 =	sadd.s32 $0xC000, s5  }
0xc: {  	s9 =	sadd.s32 $0x10000, s5;
	s13 =	smax.u32 s13, $0x1;
	s20 =	sshrl.u32 s5, $0x3  }
0xd: {  	s12 =	sadd.s32 s7, s6;
	s6 =	sadd.s32 $0x4000, s5;
	s7 =	sadd.s32 $0x8000, s5  }
0xe: {  	v0 =	vimm.f32 $0.0e+00;
	s10 =	sadd.s32 $0x61000, s11;
	s11 =	sadd.s32 $0x7000, s11;
	s12 =	sadd.s32 $0x11000, s12  }
.LBB2_1:
0xf: {  	s21 =	simm.s32 $0x0;
	s22 =	simm.s32 $0x200  }
.LBB2_2:
0x10: {  	p0 =	sne.s32 s22, $0xFE00;
	[tilespmem:s21+$0x5070] =	vst v0  }
0x11: {  	[tilespmem:s21+$0x5000] =	vst v0  }
0x12: {  	[tilespmem:s21+$0x5010] =	vst v0  }
.Ltmp0:
0x13: {  	[tilespmem:s21+$0x5020] =	vst v0;
	(pc) =	sbr.rel @p0 .LBB2_2-.Ltmp0, $4  }
0x14: {  	[tilespmem:s21+$0x5030] =	vst v0  }
0x15: {  	[tilespmem:s21+$0x5040] =	vst v0  }
0x16: {  	[tilespmem:s21+$0x5050] =	vst v0  }
0x17: {  	[tilespmem:s21+$0x5060] =	vst v0;
	s21 =	sshra.s32 s22, $0x2;
	s22 =	sadd.s32 $0x200, s22  }
0x18: {  	[tilespmem:s21+$0x5070] =	vst v0  }
0x19: {  	[tilespmem:s21+$0x5000] =	vst v0  }
0x1a: {  	[tilespmem:s21+$0x5010] =	vst v0  }
0x1b: {  	[tilespmem:s21+$0x5020] =	vst v0  }
0x1c: {  	[tilespmem:s21+$0x5030] =	vst v0  }
0x1d: {  	[tilespmem:s21+$0x5040] =	vst v0  }
0x1e: {  	[tilespmem:s21+$0x5050] =	vst v0  }
0x1f: {  	[tilespmem:s21+$0x5060] =	vst v0  }
0x20: {  	[spmem:s5] =	stream.linear.scatter [tilespmem:s14], [sflag:$0x2], $0x4000, $0x38;
	[tilespmem:$0x1D000] =	vst v63  }
0x21: {  	_ =	swait.ge [sflag:s15], $0x4000  }
0x22: {  	[sflag:s15] =	ssyncset.done $0x0  }
0x23: {  	[sflag:s15] =	ssyncadd.s32 $0xFFFFC000  }
0x24: {  	[spmem:s6] =	stream.linear.scatter [tilespmem:s14], [sflag:$0x2], $0x4000, $0x38;
	[tilespmem:$0x1D000] =	vst v63  }
0x25: {  	_ =	swait.ge [sflag:s15], $0x4000  }
0x26: {  	[sflag:s15] =	ssyncset.done $0x0  }
0x27: {  	[sflag:s15] =	ssyncadd.s32 $0xFFFFC000  }
0x28: {  	[spmem:s7] =	stream.linear.scatter [tilespmem:s14], [sflag:$0x2], $0x4000, $0x38;
	[tilespmem:$0x1D000] =	vst v63  }
0x29: {  	_ =	swait.ge [sflag:s15], $0x4000  }
0x2a: {  	[sflag:s15] =	ssyncset.done $0x0  }
0x2b: {  	[sflag:s15] =	ssyncadd.s32 $0xFFFFC000  }
0x2c: {  	[spmem:s8] =	stream.linear.scatter [tilespmem:s14], [sflag:$0x2], $0x4000, $0x38;
	[tilespmem:$0x1D000] =	vst v63  }
0x2d: {  	_ =	swait.ge [sflag:s15], $0x4000  }
0x2e: {  	[sflag:s15] =	ssyncset.done $0x0  }
0x2f: {  	[sflag:s15] =	ssyncadd.s32 $0xFFFFC000  }
0x30: {  	[spmem:s9] =	stream.linear.scatter [tilespmem:s14], [sflag:$0x2], $0x4000, $0x38;
	[tilespmem:$0x1D000] =	vst v63  }
0x31: {  	_ =	swait.ge [sflag:s15], $0x4000  }
0x32: {  	[sflag:s15] =	ssyncset.done $0x0  }
0x33: {  	s29 =	simm.s32 $0x0;
	[sflag:s15] =	ssyncadd.s32 $0xFFFFC000  }
0x34: {  	[tilespmem:s29], [sflag:$0x1] =	stream.linear.gather [hbm4b:s10+s29], $0x2780, $0x38;
	[tilespmem:$0x1D000] =	vst v63  }
0x35: {  	_ =	swait.ge [sflag:s16], $0x2780  }
0x36: {  	[sflag:s16] =	ssyncset.done $0x0  }
0x37: {  	[sflag:s16] =	ssyncadd.s32 $0xFFFFD880  }
0x38: {  	[tilespmem:s17], [sflag:$0x1] =	stream.linear.gather [hbm4b:s11+s29], $0x2780, $0x38;
	[tilespmem:$0x1D000] =	vst v63  }
0x39: {  	_ =	swait.ge [sflag:s16], $0x2780  }
0x3a: {  	[sflag:s16] =	ssyncset.done $0x0  }
0x3b: {  	[sflag:s16] =	ssyncadd.s32 $0xFFFFD880  }
0x3c: {  	s30 =	simm.s32 $0x0;
	[bflag:$0x0] =	sbarrier.arrive $0xFFFF  }
0x3d: {  	[tilespmem:s14], [sflag:$0x1] =	stream.indirect.gather [hbm4b:s4+s18], $0x80, s30, s18, $0xb8;
	[tilespmem:$0x1D000] =	vst v63  }
0x3e: {  	_ =	swait.ge [sflag:s16], $0x4000  }
0x3f: {  	[sflag:s16] =	ssyncset.done $0x0  }
0x40: {  	s31 =	simm.s32 $0x2800;
	[sflag:s16] =	ssyncadd.s32 $0xFFFFC000  }
0x41: {  	[spmem:s2] =	stream.indirect.scatter.add.f32 [tilespmem:s14], [sflag:$0x2], $0x80, s31, s18, $0xb8;
	[tilespmem:$0x1D000] =	vst v63  }
0x42: {  	_ =	swait.ge [sflag:s15], $0x4000  }
0x43: {  	s21 =	simm.s32 $0x200;
	s22 =	simm.s32 $0x400;
	[sflag:s15] =	ssyncset.done $0x0  }
.LBB2_4:
0x44: {  	s23 =	sshra.s32 s21, $0x2  }
0x45: {  	[sflag:s15] =	ssyncadd.s32 $0xFFFFC000;
	s21 =	smov.u32 s22;
	s24 =	sadd.s32 $0x200, s22  }
0x46: {  	[tilespmem:s14], [sflag:$0x1] =	stream.indirect.gather [hbm4b:s4+s18], $0x80, s23, s18, $0xb8;
	[tilespmem:$0x1D000] =	vst v63  }
0x47: {  	p0 =	sne.s32 s22, $0x9C00;
	_ =	swait.ge [sflag:s16], $0x4000  }
.Ltmp1:
0x48: {  	[sflag:s16] =	ssyncset.done $0x0;
	(pc) =	sbr.rel @p0 .LBB2_4-.Ltmp1, $4  }
0x49: {  	s22 =	sadd.s32 $0x2800, s23;
	[sflag:s16] =	ssyncadd.s32 $0xFFFFC000  }
0x4a: {  	[spmem:s2] =	stream.indirect.scatter.add.f32 [tilespmem:s14], [sflag:$0x2], $0x80, s22, s18, $0xb8;
	[tilespmem:$0x1D000] =	vst v63  }
0x4b: {  	_ =	swait.ge [sflag:s15], $0x4000  }
0x4c: {  	s22 =	smov.u32 s24;
	[sflag:s15] =	ssyncset.done $0x0  }
0x4d: {  	s21 =	sshra.s32 s21, $0x2;
	[sflag:s15] =	ssyncadd.s32 $0xFFFFC000  }
0x4e: {  	[tilespmem:s14], [sflag:$0x1] =	stream.indirect.gather [hbm4b:s4+s18], $0x80, s21, s18, $0xb8;
	[tilespmem:$0x1D000] =	vst v63  }
0x4f: {  	_ =	swait.ge [sflag:s16], $0x4000  }
0x50: {  	[sflag:s16] =	ssyncset.done $0x0  }
0x51: {  	s21 =	sadd.s32 $0x2800, s21;
	[sflag:s16] =	ssyncadd.s32 $0xFFFFC000  }
0x52: {  	[spmem:s2] =	stream.indirect.scatter.add.f32 [tilespmem:s14], [sflag:$0x2], $0x80, s21, s18, $0xb8;
	[tilespmem:$0x1D000] =	vst v63  }
0x53: {  	_ =	swait.ge [sflag:s15], $0x4000  }
0x54: {  	s3 =	sadd.s32 $0x1, s3;
	[sflag:s15] =	ssyncset.done $0x0  }
0x55: {  	p0 =	sne.s32 s3, s13;
	[sflag:s15] =	ssyncadd.s32 $0xFFFFC000  }
.Ltmp2:
0x56: {  	[bflag:$0x0] =	sbarrier.arrive $0xFFFF;
	(pc) =	sbr.rel @p0 .LBB2_1-.Ltmp2, $4  }
0x57: {  	[hbm:s12], [sflag:s19] =	dma.local [spmem:s20], $0x2800  }
0x58: {  	_ =	swait.ge [sflag:s15], $0x2800  }
0x59: {  	[sflag:s15] =	ssyncset.done $0x0  }
0x5a: {  	[sflag:s15] =	ssyncadd.s32 $0xFFFFD800  }
0x5b: {  	_ =	sfence.sel $0x180000  }
0x5c: {  	[bflag:$0x0] =	sbarrier.arrive $0xFFFF  }
0x5d: {  	p0 =	sne.s32 s0, $0x0;
	_ =	strace $0x90000050  }
0x5e: {  	s0 =	sadd.s32 @!p0 $0x100000, s1;
	[bflag:$0x2] =	sbarrier.arrive $0xFFFF  }
0x5f: {  	[sflag:s0] =	ssyncadd.tile.s32 @!p0 $0x1;
	_ =	shalt  }
.Lfunc_end2:
_tile_overlayer_lowered:
.L_overlay_start_2:
0x60: {  	(tag) =	ssettag $0x2  }
0x61: {  	s0 =	rddreg [dreg:$0x0];
	s2 =	stileid.u32  }
0x62: {  	s1 =	rddreg [dreg:$0x1];
	p0 =	sne.s32 s2, $0x0  }
0x63: {  	s3 =	rddreg [dreg:$0x2];
	[bflag:$0x3] =	sbarrier.arrive $0xFFFF;
	s2 =	simm.s32 @!p0 $0x1C02  }
0x64: {  	[timem:s3], [sflag:s2] =	dma.local @!p0 [hbm:s0], s1  }
0x65: {  	s0 =	simm.s32 @!p0 $0x2  }
0x66: {  	_ =	swait.ge @!p0 [sflag:s0], s1  }
0x67: {  	s1 =	ssub.s32 @!p0 $0x0, s1;
	[sflag:s0] =	ssyncset.done @!p0 $0x0  }
0x68: {  	[sflag:s0] =	ssyncadd.s32 @!p0 s1  }
0x69: {  	[bflag:$0x3] =	sbarrier.arrive $0xFFFF  }
0x6a: {  	_ =	shalt  }

</sc_bundles>
